<compile_context>
chip_gen: v7x
topology: tpu7x:2x2x1
jax: 0.10.2.dev20260603
libtpu: 0.0.44.dev20260713+nightly
codegen_flags: <defaults>
</compile_context>

<pallas_src>
import functools

import jax
import jax.numpy as jnp
from jax import lax
from jax.experimental import pallas as pl
from jax.experimental.pallas import tpu as pltpu
from jax.experimental.pallas import tpu_sc as plsc

T, N, D, H, E = 8, 10000, 128, 64, 320000
NP = 10240
NG = 4
RW = 2 * H
CH = 128
EPAD = 327680
EPT32 = EPAD // 32
NCH32 = EPT32 // CH
EPC = EPAD // 16
NC16 = EPC // CH
STR = NP // 16
BN_A = 512
BN_C = 1024

_sc_mesh = plsc.VectorSubcoreMesh(core_axis_name="c", subcore_axis_name="s")


@functools.partial(
    pl.kernel,
    mesh=_sc_mesh,
    out_type=jax.ShapeDtypeStruct((2, NP), jnp.float32),
    scratch_types=[
        pltpu.VMEM_SHARED((NP,), jnp.float32),
        pltpu.VMEM((CH,), jnp.int32),
        pltpu.VMEM((CH,), jnp.float32),
    ],
)
def _deg_kernel(dst_hbm, zstripe_hbm, deg_out, deg_sh, idx_v, ones_v):
    c = lax.axis_index("c")
    s = lax.axis_index("s")
    w = s * 2 + c
    for i in range(CH // 16):
        ones_v[pl.ds(i * 16, 16)] = jnp.ones((16,), jnp.float32)
    pltpu.sync_copy(zstripe_hbm, deg_sh.at[pl.ds(s * STR, STR)])
    plsc.subcore_barrier()

    def body(i, carry):
        base = w * EPT32 + i * CH
        pltpu.sync_copy(dst_hbm.at[pl.ds(base, CH)], idx_v)
        pltpu.sync_copy(ones_v, deg_sh.at[idx_v], add=True)
        return carry

    lax.fori_loop(0, NCH32, body, 0)
    plsc.subcore_barrier()
    pltpu.sync_copy(deg_sh.at[pl.ds(s * STR, STR)],
                    deg_out.at[c, pl.ds(s * STR, STR)])


def _mm_body(x_ref, w_ref, out_ref):
    wm = w_ref[...]
    la = jnp.dot(x_ref[0], wm, preferred_element_type=jnp.float32)
    lb = jnp.dot(x_ref[1], wm, preferred_element_type=jnp.float32)
    out_ref[0] = jnp.concatenate([la, lb], axis=1)


def _mm_call(x, w_gcn):
    return pl.pallas_call(
        _mm_body,
        grid=(NG, NP // BN_A),
        in_specs=[
            pl.BlockSpec((2, BN_A, D), lambda g, nb: (g, nb, 0)),
            pl.BlockSpec((D, H), lambda g, nb: (0, 0)),
        ],
        out_specs=pl.BlockSpec((1, BN_A, RW), lambda g, nb: (g, nb, 0)),
        out_shape=jax.ShapeDtypeStruct((NG, NP, RW), jnp.float32),
    )(x, w_gcn)


def _scale_body(lin_ref, degp_ref, out_ref):
    nb = pl.program_id(1)
    degb = degp_ref[:, pl.ds(nb * BN_A, BN_A)]
    dinv = lax.rsqrt(degb[0] + degb[1] + 1.0)
    out_ref[0] = lin_ref[0] * dinv[:, None]


def _scale_call(lin2, degp):
    return pl.pallas_call(
        _scale_body,
        grid=(2, NP // BN_A),
        in_specs=[
            pl.BlockSpec((1, BN_A, RW), lambda g, nb: (g, nb, 0)),
            pl.BlockSpec((2, NP), lambda g, nb: (0, 0)),
        ],
        out_specs=pl.BlockSpec((1, BN_A, RW), lambda g, nb: (g, nb, 0)),
        out_shape=jax.ShapeDtypeStruct((2, NP, RW), jnp.float32),
    )(lin2, degp)


@functools.partial(
    pl.kernel,
    mesh=_sc_mesh,
    out_type=jax.ShapeDtypeStruct((2, NP, RW), jnp.float32),
    scratch_types=[
        pltpu.VMEM_SHARED((NP, RW), jnp.float32),
    ] + [pltpu.VMEM((CH, RW), jnp.float32)] * 2
      + [pltpu.VMEM((CH,), jnp.int32)] * 8
      + [pltpu.SemaphoreType.DMA] * 12,
)
def _agg_kernel(table_hbm, src_hbm, dst_hbm, zrows_hbm, agg_out,
                acc, r0, r1, sv0, sv1, sv2, sv3, dv0, dv1, dv2, dv3,
                g0, g1, sc0, sc1, is0, is1, is2, is3, id0, id1, id2, id3):
    rows = (r0, r1)
    srcv = (sv0, sv1, sv2, sv3)
    dstv = (dv0, dv1, dv2, dv3)
    gsem = (g0, g1)
    scsem = (sc0, sc1)
    issem = (is0, is1, is2, is3)
    idsem = (id0, id1, id2, id3)
    c = lax.axis_index("c")
    s = lax.axis_index("s")

    def idx_start(j, q):
        pltpu.async_copy(src_hbm.at[c, s, j], srcv[q], issem[q])
        pltpu.async_copy(dst_hbm.at[s, j], dstv[q], idsem[q])

    def idx_wait(q):
        pltpu.make_async_copy(dst_hbm.at[s, 0], srcv[q], issem[q]).wait()
        pltpu.make_async_copy(dst_hbm.at[s, 0], dstv[q], idsem[q]).wait()

    def gather_start(b, q):
        pltpu.async_copy(table_hbm.at[srcv[q]], rows[b], gsem[b])

    def gather_wait(b):
        pltpu.make_async_copy(zrows_hbm.at[pl.ds(0, CH)], rows[b],
                              gsem[b]).wait()

    def scat_start(b, q):
        pltpu.async_copy(rows[b], acc.at[dstv[q]], scsem[b], add=True)

    def scat_wait(b):
        pltpu.make_async_copy(rows[b], acc.at[dstv[0]], scsem[b]).wait()

    idx_start(0, 0)
    idx_start(1, 1)
    pltpu.sync_copy(zrows_hbm, acc.at[pl.ds(s * STR, STR)])
    plsc.subcore_barrier()
    idx_wait(0)
    gather_start(0, 0)

    def body(jo, carry):
        for b4 in range(4):
            b = b4 % 2
            nb = 1 - b
            j = jo * 4 + b4

            @pl.when(jnp.logical_and(j + 1 < NC16, j >= 1))
            def _():
                scat_wait(nb)

            @pl.when(j + 1 < NC16)
            def _():
                idx_wait((b4 + 1) % 4)
                gather_start(nb, (b4 + 1) % 4)

            gather_wait(b)
            scat_start(b, b4)

            @pl.when(j + 2 < NC16)
            def _():
                idx_start(j + 2, (b4 + 2) % 4)
        return carry

    lax.fori_loop(0, NC16 // 4, body, 0)
    scat_wait(0)
    scat_wait(1)
    plsc.subcore_barrier()
    pltpu.sync_copy(acc.at[pl.ds(s * STR, STR)],
                    agg_out.at[c, pl.ds(s * STR, STR)])
    plsc.subcore_barrier()


def _lstm_steps(p_ref, lsc_ref, dinv, bg, wih, whh, bias, h, cst, out_ref):
    for t in range(4):
        g, half = t // 2, (t % 2) * H
        ssum = p_ref[g, :, half:half + H] + lsc_ref[g, :, half:half + H]
        xt = jnp.maximum(dinv * ssum + bg, 0.0)
        gates = (jnp.dot(xt, wih, preferred_element_type=jnp.float32)
                 + jnp.dot(h, whh, preferred_element_type=jnp.float32)
                 + bias)
        ig = jax.nn.sigmoid(gates[:, 0:H])
        fg = jax.nn.sigmoid(gates[:, H:2 * H])
        gg = jnp.tanh(gates[:, 2 * H:3 * H])
        og = jax.nn.sigmoid(gates[:, 3 * H:4 * H])
        cst = fg * cst + ig * gg
        h = og * jnp.tanh(cst)
        out_ref[t] = h
    return h, cst


def _dinv_block(degp_ref, nb):
    degb = degp_ref[:, pl.ds(nb * BN_C, BN_C)]
    return lax.rsqrt(degb[0] + degb[1] + 1.0)[:, None]


def _lstm0_body(p_ref, lsc_ref, degp_ref, bg_ref, wih_ref, whh_ref,
                bih_ref, bhh_ref, out_ref, hc_ref, cc_ref):
    dinv = _dinv_block(degp_ref, pl.program_id(0))
    h = jnp.zeros((BN_C, H), jnp.float32)
    cst = jnp.zeros((BN_C, H), jnp.float32)
    h, cst = _lstm_steps(p_ref, lsc_ref, dinv, bg_ref[...], wih_ref[...],
                         whh_ref[...], bih_ref[...] + bhh_ref[...],
                         h, cst, out_ref)
    hc_ref[...] = h
    cc_ref[...] = cst


def _lstm1_body(p_ref, lsc_ref, degp_ref, bg_ref, wih_ref, whh_ref,
                bih_ref, bhh_ref, hc_ref, cc_ref, out_ref):
    dinv = _dinv_block(degp_ref, pl.program_id(0))
    _lstm_steps(p_ref, lsc_ref, dinv, bg_ref[...], wih_ref[...],
                whh_ref[...], bih_ref[...] + bhh_ref[...],
                hc_ref[...], cc_ref[...], out_ref)


_COMMON_SPECS = [
    pl.BlockSpec((2, BN_C, RW), lambda nb: (0, nb, 0)),
    pl.BlockSpec((2, BN_C, RW), lambda nb: (0, nb, 0)),
    pl.BlockSpec((2, NP), lambda nb: (0, 0)),
    pl.BlockSpec((1, H), lambda nb: (0, 0)),
    pl.BlockSpec((H, 4 * H), lambda nb: (0, 0)),
    pl.BlockSpec((H, 4 * H), lambda nb: (0, 0)),
    pl.BlockSpec((1, 4 * H), lambda nb: (0, 0)),
    pl.BlockSpec((1, 4 * H), lambda nb: (0, 0)),
]
_CARRY_SPEC = pl.BlockSpec((BN_C, H), lambda nb: (nb, 0))
_OUT_SPEC = pl.BlockSpec((4, BN_C, H), lambda nb: (0, nb, 0))


def _lstm0_call(p, lsc, degp, b_gcn, wih_t, whh_t, b_ih, b_hh):
    return pl.pallas_call(
        _lstm0_body,
        grid=(NP // BN_C,),
        in_specs=_COMMON_SPECS,
        out_specs=(_OUT_SPEC, _CARRY_SPEC, _CARRY_SPEC),
        out_shape=(jax.ShapeDtypeStruct((4, N, H), jnp.float32),
                   jax.ShapeDtypeStruct((NP, H), jnp.float32),
                   jax.ShapeDtypeStruct((NP, H), jnp.float32)),
    )(p, lsc, degp, b_gcn, wih_t, whh_t, b_ih, b_hh)


def _lstm1_call(p, lsc, degp, b_gcn, wih_t, whh_t, b_ih, b_hh, hc, cc):
    return pl.pallas_call(
        _lstm1_body,
        grid=(NP // BN_C,),
        in_specs=_COMMON_SPECS + [_CARRY_SPEC, _CARRY_SPEC],
        out_specs=_OUT_SPEC,
        out_shape=jax.ShapeDtypeStruct((4, N, H), jnp.float32),
    )(p, lsc, degp, b_gcn, wih_t, whh_t, b_ih, b_hh, hc, cc)


def kernel(x, edge_index, W_gcn, b_gcn, W_ih, W_hh, b_ih, b_hh):
    src = edge_index[0].astype(jnp.int32)
    dst = edge_index[1].astype(jnp.int32)
    npad = EPAD - E
    src_p = jnp.concatenate([src, jnp.full((npad,), N, jnp.int32)])
    dst_p = jnp.concatenate([dst, jnp.full((npad,), N + 100, jnp.int32)])
    src2 = (src_p[None, :]
            + (jnp.arange(2, dtype=jnp.int32) * NP)[:, None]
            ).reshape(2, 16, NC16, CH)
    dst3 = dst_p.reshape(16, NC16, CH)
    zstripe = jnp.zeros((STR,), jnp.float32)
    zrows = jnp.zeros((STR, RW), jnp.float32)

    degp = _deg_kernel(dst_p, zstripe)
    lin = _mm_call(x, W_gcn)
    lsc01 = _scale_call(lin[0:2], degp)
    lsc23 = _scale_call(lin[2:4], degp)
    p01 = _agg_kernel(lsc01.reshape(2 * NP, RW), src2, dst3, zrows)
    p23 = _agg_kernel(lsc23.reshape(2 * NP, RW), src2, dst3, zrows)

    wih_t, whh_t = W_ih.T, W_hh.T
    bg = b_gcn.reshape(1, H)
    bi, bh = b_ih.reshape(1, 4 * H), b_hh.reshape(1, 4 * H)
    out0, hc, cc = _lstm0_call(p01, lsc01, degp, bg, wih_t, whh_t, bi, bh)
    out1 = _lstm1_call(p23, lsc23, degp, bg, wih_t, whh_t, bi, bh, hc, cc)
    return jnp.concatenate([out0, out1], axis=0)

# --- scband reference (transcript-rebuilt; emitter-appended) ---
"""Pipeline reference for scband-cd-gcn-7327214207509 (READ-ONLY COPY).

The authoritative reference and input builder live on the scoring server;
editing this copy changes nothing except your own understanding.
"""

import jax, jax.numpy as jnp
import numpy as np

T, N, D, H, E = 8, 10000, 128, 64, 320000

def setup_inputs(seed: int = 0) -> dict:
    key = jax.random.key(seed)
    k = jax.random.split(key, 10)
    x = jax.random.normal(k[0], (T, N, D), dtype=jnp.float32)
    edge_index = jax.random.randint(k[1], (2, E), 0, N, dtype=jnp.int64)
    s = 1.0 / np.sqrt(D)
    W_gcn = jax.random.uniform(k[2], (D, H), jnp.float32, -s, s)
    b_gcn = jnp.zeros((H,), jnp.float32)
    sh = 1.0 / np.sqrt(H)
    W_ih = jax.random.uniform(k[3], (4 * H, H), jnp.float32, -sh, sh)
    W_hh = jax.random.uniform(k[4], (4 * H, H), jnp.float32, -sh, sh)
    b_ih = jax.random.uniform(k[5], (4 * H,), jnp.float32, -sh, sh)
    b_hh = jax.random.uniform(k[6], (4 * H,), jnp.float32, -sh, sh)
    return {"x": x, "edge_index": edge_index, "W_gcn": W_gcn, "b_gcn": b_gcn,
            "W_ih": W_ih, "W_hh": W_hh, "b_ih": b_ih, "b_hh": b_hh}

def reference(x, edge_index, W_gcn, b_gcn, W_ih, W_hh, b_ih, b_hh):
    Tn, Nn, Dn = x.shape
    Hn = W_gcn.shape[1]
    src, dst = edge_index[0], edge_index[1]
    loop = jnp.arange(Nn, dtype=edge_index.dtype)
    src_f = jnp.concatenate([src, loop])
    dst_f = jnp.concatenate([dst, loop])
    deg = jax.ops.segment_sum(jnp.ones(src_f.shape[0], jnp.float32), dst_f, num_segments=Nn)
    dinv = jnp.where(deg > 0, jax.lax.rsqrt(deg), 0.0)
    norm = dinv[src_f] * dinv[dst_f]

    def gcn_step(xt):
        lin = xt @ W_gcn  # PyG GCNConv: linear without bias
        msgs = jnp.take(lin, src_f, axis=0) * norm[:, None]
        agg = jax.ops.segment_sum(msgs, dst_f, num_segments=Nn)
        out = agg + b_gcn  # bias added after aggregation
        return jax.nn.relu(out)  # self.act = nn.ReLU(); dropout_rate=0 -> Identity

    h = jax.vmap(gcn_step)(x)  # [T, N, H]

    def cell(carry, xt):
        h_prev, c_prev = carry
        gates = xt @ W_ih.T + b_ih + h_prev @ W_hh.T + b_hh
        i, f, g, o = jnp.split(gates, 4, axis=-1)  # torch LSTM gate order i,f,g,o
        i = jax.nn.sigmoid(i)
        f = jax.nn.sigmoid(f)
        g = jnp.tanh(g)
        o = jax.nn.sigmoid(o)
        c = f * c_prev + i * g
        hh = o * jnp.tanh(c)
        return (hh, c), hh

    init = (jnp.zeros((Nn, Hn), jnp.float32), jnp.zeros((Nn, Hn), jnp.float32))
    _, lstm_out = jax.lax.scan(cell, init, h)
    return lstm_out  # [T, N, H]

if __name__ == "__main__":
    import jax
    _d = setup_inputs()
    print(jax.jit(kernel)(*tuple(_d.values())))

</pallas_src>

<mosaic_0001>
#map = affine_map<(d0, d1) -> (0)>
#map1 = affine_map<(d0, d1) -> (0, 0)>
module attributes {stable_mosaic.version = 14 : i64} {
  func.func @_deg_kernel(%arg0: i32, %arg1: i32, %arg2: memref<327680xi32, #tpu.memory_space<hbm>>, %arg3: memref<640xf32, #tpu.memory_space<hbm>>, %arg4: memref<2x10240xf32, #tpu.memory_space<hbm>>, %arg5: memref<10240xf32, #tpu.memory_space<vmem_shared>>, %arg6: memref<128xi32, #tpu.memory_space<vmem>>, %arg7: memref<128xf32, #tpu.memory_space<vmem>>) attributes {dimension_semantics = [#tpu.dimension_semantics<core_parallel>, #tpu.dimension_semantics<subcore_parallel>], iteration_bounds = array<i64: 2, 16>, scalar_prefetch = 0 : i64, scratch_operands = 3 : i64, tpu.core_type = #tpu.core_type<sc_vector_subcore>, window_params = [{transform_indices = #map}, {transform_indices = #map}, {transform_indices = #map1}]} {
    %mul3A = arith.constant 2 : i32
    %mul3A_0 = arith.muli %arg1, %mul3A : i32
    %add3A = arith.addi %mul3A_0, %arg0 : i32
    %broadcast_in_dim3A = arith.constant 1.000000e+00 : f32
    %broadcast_in_dim3A_1 = vector.broadcast %broadcast_in_dim3A : f32 to vector<16xf32>
    %swap3A = arith.constant 0 : index
    %swap3A_2 = tpu.vector_load %arg7[%swap3A] {strides = array<i32>} : memref<128xf32, #tpu.memory_space<vmem>>, vector<16xf32>,
    %swap3A_3 = vector.shape_cast %swap3A_2 : vector<16xf32> to vector<16xf32>
    %swap3A_4 = vector.shape_cast %broadcast_in_dim3A_1 : vector<16xf32> to vector<16xf32>
    tpu.vector_store %arg7[%swap3A], %swap3A_4 {strides = array<i32>} : memref<128xf32, #tpu.memory_space<vmem>>, vector<16xf32>,
    %broadcast_in_dim3A_5 = arith.constant 1.000000e+00 : f32
    %broadcast_in_dim3A_6 = vector.broadcast %broadcast_in_dim3A_5 : f32 to vector<16xf32>
    %swap3A_7 = arith.constant 16 : index
    %swap3A_8 = tpu.vector_load %arg7[%swap3A_7] {strides = array<i32>} : memref<128xf32, #tpu.memory_space<vmem>>, vector<16xf32>,
    %swap3A_9 = vector.shape_cast %swap3A_8 : vector<16xf32> to vector<16xf32>
    %swap3A_10 = vector.shape_cast %broadcast_in_dim3A_6 : vector<16xf32> to vector<16xf32>
    tpu.vector_store %arg7[%swap3A_7], %swap3A_10 {strides = array<i32>} : memref<128xf32, #tpu.memory_space<vmem>>, vector<16xf32>,
    %broadcast_in_dim3A_11 = arith.constant 1.000000e+00 : f32
    %broadcast_in_dim3A_12 = vector.broadcast %broadcast_in_dim3A_11 : f32 to vector<16xf32>
    %swap3A_13 = arith.constant 32 : index
    %swap3A_14 = tpu.vector_load %arg7[%swap3A_13] {strides = array<i32>} : memref<128xf32, #tpu.memory_space<vmem>>, vector<16xf32>,
    %swap3A_15 = vector.shape_cast %swap3A_14 : vector<16xf32> to vector<16xf32>
    %swap3A_16 = vector.shape_cast %broadcast_in_dim3A_12 : vector<16xf32> to vector<16xf32>
    tpu.vector_store %arg7[%swap3A_13], %swap3A_16 {strides = array<i32>} : memref<128xf32, #tpu.memory_space<vmem>>, vector<16xf32>,
    %broadcast_in_dim3A_17 = arith.constant 1.000000e+00 : f32
    %broadcast_in_dim3A_18 = vector.broadcast %broadcast_in_dim3A_17 : f32 to vector<16xf32>
    %swap3A_19 = arith.constant 48 : index
    %swap3A_20 = tpu.vector_load %arg7[%swap3A_19] {strides = array<i32>} : memref<128xf32, #tpu.memory_space<vmem>>, vector<16xf32>,
    %swap3A_21 = vector.shape_cast %swap3A_20 : vector<16xf32> to vector<16xf32>
    %swap3A_22 = vector.shape_cast %broadcast_in_dim3A_18 : vector<16xf32> to vector<16xf32>
    tpu.vector_store %arg7[%swap3A_19], %swap3A_22 {strides = array<i32>} : memref<128xf32, #tpu.memory_space<vmem>>, vector<16xf32>,
    %broadcast_in_dim3A_23 = arith.constant 1.000000e+00 : f32
    %broadcast_in_dim3A_24 = vector.broadcast %broadcast_in_dim3A_23 : f32 to vector<16xf32>
    %swap3A_25 = arith.constant 64 : index
    %swap3A_26 = tpu.vector_load %arg7[%swap3A_25] {strides = array<i32>} : memref<128xf32, #tpu.memory_space<vmem>>, vector<16xf32>,
    %swap3A_27 = vector.shape_cast %swap3A_26 : vector<16xf32> to vector<16xf32>
    %swap3A_28 = vector.shape_cast %broadcast_in_dim3A_24 : vector<16xf32> to vector<16xf32>
    tpu.vector_store %arg7[%swap3A_25], %swap3A_28 {strides = array<i32>} : memref<128xf32, #tpu.memory_space<vmem>>, vector<16xf32>,
    %broadcast_in_dim3A_29 = arith.constant 1.000000e+00 : f32
    %broadcast_in_dim3A_30 = vector.broadcast %broadcast_in_dim3A_29 : f32 to vector<16xf32>
    %swap3A_31 = arith.constant 80 : index
    %swap3A_32 = tpu.vector_load %arg7[%swap3A_31] {strides = array<i32>} : memref<128xf32, #tpu.memory_space<vmem>>, vector<16xf32>,
    %swap3A_33 = vector.shape_cast %swap3A_32 : vector<16xf32> to vector<16xf32>
    %swap3A_34 = vector.shape_cast %broadcast_in_dim3A_30 : vector<16xf32> to vector<16xf32>
    tpu.vector_store %arg7[%swap3A_31], %swap3A_34 {strides = array<i32>} : memref<128xf32, #tpu.memory_space<vmem>>, vector<16xf32>,
    %broadcast_in_dim3A_35 = arith.constant 1.000000e+00 : f32
    %broadcast_in_dim3A_36 = vector.broadcast %broadcast_in_dim3A_35 : f32 to vector<16xf32>
    %swap3A_37 = arith.constant 96 : index
    %swap3A_38 = tpu.vector_load %arg7[%swap3A_37] {strides = array<i32>} : memref<128xf32, #tpu.memory_space<vmem>>, vector<16xf32>,
    %swap3A_39 = vector.shape_cast %swap3A_38 : vector<16xf32> to vector<16xf32>
    %swap3A_40 = vector.shape_cast %broadcast_in_dim3A_36 : vector<16xf32> to vector<16xf32>
    tpu.vector_store %arg7[%swap3A_37], %swap3A_40 {strides = array<i32>} : memref<128xf32, #tpu.memory_space<vmem>>, vector<16xf32>,
    %broadcast_in_dim3A_41 = arith.constant 1.000000e+00 : f32
    %broadcast_in_dim3A_42 = vector.broadcast %broadcast_in_dim3A_41 : f32 to vector<16xf32>
    %swap3A_43 = arith.constant 112 : index
    %swap3A_44 = tpu.vector_load %arg7[%swap3A_43] {strides = array<i32>} : memref<128xf32, #tpu.memory_space<vmem>>, vector<16xf32>,
    %swap3A_45 = vector.shape_cast %swap3A_44 : vector<16xf32> to vector<16xf32>
    %swap3A_46 = vector.shape_cast %broadcast_in_dim3A_42 : vector<16xf32> to vector<16xf32>
    tpu.vector_store %arg7[%swap3A_43], %swap3A_46 {strides = array<i32>} : memref<128xf32, #tpu.memory_space<vmem>>, vector<16xf32>,
    %mul3A_47 = arith.constant 640 : i32
    %mul3A_48 = arith.muli %arg1, %mul3A_47 : i32
    "tpu.region"() ({
      %run_scoped3A = tpu.sem_alloc : memref<!tpu.dma_semaphore, #tpu.memory_space<semaphore_mem>>
      %dma_start3A = tpu.memref_slice %arg5[%mul3A_48] : memref<10240xf32, #tpu.memory_space<vmem_shared>> -> memref<640xf32, #tpu.memory_space<vmem_shared>>
      tpu.enqueue_dma source(%arg3 : memref<640xf32, #tpu.memory_space<hbm>>) target(%dma_start3A : memref<640xf32, #tpu.memory_space<vmem_shared>>) target_semaphore(%run_scoped3A : memref<!tpu.dma_semaphore, #tpu.memory_space<semaphore_mem>>)
      %dma_wait3A = tpu.memref_slice %arg5[%mul3A_48] : memref<10240xf32, #tpu.memory_space<vmem_shared>> -> memref<640xf32, #tpu.memory_space<vmem_shared>>
      tpu.wait_dma2 semaphore(%run_scoped3A : memref<!tpu.dma_semaphore, #tpu.memory_space<semaphore_mem>>) src(%arg3 : memref<640xf32, #tpu.memory_space<hbm>>) dst(%dma_wait3A : memref<640xf32, #tpu.memory_space<vmem_shared>>)
      tpu.yield
    }) : () -> ()
    %barrier3A = arith.constant 0 : index
    tpu.barrier barrier_id(%barrier3A)
    %scan3A = arith.constant 0 : i32
    %scan3A_49 = arith.constant 0 : i32
    %scan3A_50 = arith.constant 80 : i32
    %scan3A_51 = arith.addi %scan3A_49, %scan3A_50 : i32
    %scan3A_52 = arith.constant 1 : i32
    scf.for %scan3A_59 = %scan3A_49 to %scan3A_51 step %scan3A_52  : i32 {
      %mul3A_60 = arith.constant 10240 : i32
      %mul3A_61 = arith.muli %add3A, %mul3A_60 : i32
      %mul3A_62 = arith.constant 128 : i32
      %mul3A_63 = arith.muli %scan3A_59, %mul3A_62 : i32
      %add3A_64 = arith.addi %mul3A_61, %mul3A_63 : i32
      "tpu.region"() ({
        %run_scoped3A = tpu.sem_alloc : memref<!tpu.dma_semaphore, #tpu.memory_space<semaphore_mem>>
        %dma_start3A = tpu.memref_slice %arg2[%add3A_64] : memref<327680xi32, #tpu.memory_space<hbm>> -> memref<128xi32, #tpu.memory_space<hbm>>
        %dma_start3A_65 = tpu.memref_slice %arg2[%add3A_64] : memref<327680xi32, #tpu.memory_space<hbm>> -> memref<128xi32, #tpu.memory_space<hbm>>
        tpu.enqueue_dma source(%dma_start3A_65 : memref<128xi32, #tpu.memory_space<hbm>>) target(%arg6 : memref<128xi32, #tpu.memory_space<vmem>>) target_semaphore(%run_scoped3A : memref<!tpu.dma_semaphore, #tpu.memory_space<semaphore_mem>>)
        %dma_wait3A = tpu.memref_slice %arg2[%add3A_64] : memref<327680xi32, #tpu.memory_space<hbm>> -> memref<128xi32, #tpu.memory_space<hbm>>
        %dma_wait3A_66 = tpu.memref_slice %arg2[%add3A_64] : memref<327680xi32, #tpu.memory_space<hbm>> -> memref<128xi32, #tpu.memory_space<hbm>>
        tpu.wait_dma2 semaphore(%run_scoped3A : memref<!tpu.dma_semaphore, #tpu.memory_space<semaphore_mem>>) src(%dma_wait3A_66 : memref<128xi32, #tpu.memory_space<hbm>>) dst(%arg6 : memref<128xi32, #tpu.memory_space<vmem>>)
        tpu.yield
      }) : () -> ()
      "tpu.region"() ({
        %run_scoped3A = tpu.sem_alloc : memref<!tpu.dma_semaphore, #tpu.memory_space<semaphore_mem>>
        %dma_start3A = arith.constant 0 : i32
        %dma_start3A_65 = tpu.memref_slice %arg5[%dma_start3A] : memref<10240xf32, #tpu.memory_space<vmem_shared>> -> memref<10240xf32, #tpu.memory_space<vmem_shared>>
        tpu.enqueue_indirect_dma source(%arg7 : memref<128xf32, #tpu.memory_space<vmem>>) target(%dma_start3A_65 : memref<10240xf32, #tpu.memory_space<vmem_shared>>) offsets(%arg6 : memref<128xi32, #tpu.memory_space<vmem>>) semaphore(%run_scoped3A : memref<!tpu.dma_semaphore, #tpu.memory_space<semaphore_mem>>) {add = true}
        %dma_wait3A = arith.constant 0 : i32
        %dma_wait3A_66 = tpu.memref_slice %arg5[%dma_wait3A] : memref<10240xf32, #tpu.memory_space<vmem_shared>> -> memref<10240xf32, #tpu.memory_space<vmem_shared>>
        tpu.wait_indirect_dma semaphore(%run_scoped3A : memref<!tpu.dma_semaphore, #tpu.memory_space<semaphore_mem>>) src(%arg7 : memref<128xf32, #tpu.memory_space<vmem>>) dst(%dma_wait3A_66 : memref<10240xf32, #tpu.memory_space<vmem_shared>>)
        tpu.yield
      }) : () -> ()
    }
    %scan3A_53 = arith.constant 80 : i32
    %barrier3A_54 = arith.constant 0 : index
    tpu.barrier barrier_id(%barrier3A_54)
    %mul3A_55 = arith.constant 640 : i32
    %mul3A_56 = arith.muli %arg1, %mul3A_55 : i32
    %mul3A_57 = arith.constant 640 : i32
    %mul3A_58 = arith.muli %arg1, %mul3A_57 : i32
    "tpu.region"() ({
      %run_scoped3A = tpu.sem_alloc : memref<!tpu.dma_semaphore, #tpu.memory_space<semaphore_mem>>
      %dma_start3A = tpu.memref_slice %arg4[%arg0, %mul3A_58] : memref<2x10240xf32, #tpu.memory_space<hbm>> -> memref<1x640xf32, #tpu.memory_space<hbm>>
      %dma_start3A_59 = tpu.memref_squeeze %dma_start3A : memref<1x640xf32, #tpu.memory_space<hbm>> -> memref<640xf32, #tpu.memory_space<hbm>>
      %dma_start3A_60 = tpu.memref_slice %arg5[%mul3A_56] : memref<10240xf32, #tpu.memory_space<vmem_shared>> -> memref<640xf32, #tpu.memory_space<vmem_shared>>
      tpu.enqueue_dma source(%dma_start3A_60 : memref<640xf32, #tpu.memory_space<vmem_shared>>) target(%dma_start3A_59 : memref<640xf32, #tpu.memory_space<hbm>>) target_semaphore(%run_scoped3A : memref<!tpu.dma_semaphore, #tpu.memory_space<semaphore_mem>>)
      %dma_wait3A = tpu.memref_slice %arg4[%arg0, %mul3A_58] : memref<2x10240xf32, #tpu.memory_space<hbm>> -> memref<1x640xf32, #tpu.memory_space<hbm>>
      %dma_wait3A_61 = tpu.memref_squeeze %dma_wait3A : memref<1x640xf32, #tpu.memory_space<hbm>> -> memref<640xf32, #tpu.memory_space<hbm>>
      %dma_wait3A_62 = tpu.memref_slice %arg5[%mul3A_56] : memref<10240xf32, #tpu.memory_space<vmem_shared>> -> memref<640xf32, #tpu.memory_space<vmem_shared>>
      tpu.wait_dma2 semaphore(%run_scoped3A : memref<!tpu.dma_semaphore, #tpu.memory_space<semaphore_mem>>) src(%dma_wait3A_62 : memref<640xf32, #tpu.memory_space<vmem_shared>>) dst(%dma_wait3A_61 : memref<640xf32, #tpu.memory_space<hbm>>)
      tpu.yield
    }) : () -> ()
    return
  }
}

#map = affine_map<(d0, d1) -> (0, 0)>
#map1 = affine_map<(d0, d1) -> (0, 0, 0, 0)>
#map2 = affine_map<(d0, d1) -> (0, 0, 0)>
module attributes {stable_mosaic.version = 14 : i64} {
  func.func @_agg_kernel(%arg0: i32, %arg1: i32, %arg2: memref<20480x128xf32, #tpu.memory_space<hbm>>, %arg3: memref<2x16x160x128xi32, #tpu.memory_space<hbm>>, %arg4: memref<16x160x128xi32, #tpu.memory_space<hbm>>, %arg5: memref<640x128xf32, #tpu.memory_space<hbm>>, %arg6: memref<2x10240x128xf32, #tpu.memory_space<hbm>>, %arg7: memref<10240x128xf32, #tpu.memory_space<vmem_shared>>, %arg8: memref<128x128xf32, #tpu.memory_space<vmem>>, %arg9: memref<128x128xf32, #tpu.memory_space<vmem>>, %arg10: memref<128xi32, #tpu.memory_space<vmem>>, %arg11: memref<128xi32, #tpu.memory_space<vmem>>, %arg12: memref<128xi32, #tpu.memory_space<vmem>>, %arg13: memref<128xi32, #tpu.memory_space<vmem>>, %arg14: memref<128xi32, #tpu.memory_space<vmem>>, %arg15: memref<128xi32, #tpu.memory_space<vmem>>, %arg16: memref<128xi32, #tpu.memory_space<vmem>>, %arg17: memref<128xi32, #tpu.memory_space<vmem>>, %arg18: memref<!tpu.dma_semaphore, #tpu.memory_space<semaphore_mem>>, %arg19: memref<!tpu.dma_semaphore, #tpu.memory_space<semaphore_mem>>, %arg20: memref<!tpu.dma_semaphore, #tpu.memory_space<semaphore_mem>>, %arg21: memref<!tpu.dma_semaphore, #tpu.memory_space<semaphore_mem>>, %arg22: memref<!tpu.dma_semaphore, #tpu.memory_space<semaphore_mem>>, %arg23: memref<!tpu.dma_semaphore, #tpu.memory_space<semaphore_mem>>, %arg24: memref<!tpu.dma_semaphore, #tpu.memory_space<semaphore_mem>>, %arg25: memref<!tpu.dma_semaphore, #tpu.memory_space<semaphore_mem>>, %arg26: memref<!tpu.dma_semaphore, #tpu.memory_space<semaphore_mem>>, %arg27: memref<!tpu.dma_semaphore, #tpu.memory_space<semaphore_mem>>, %arg28: memref<!tpu.dma_semaphore, #tpu.memory_space<semaphore_mem>>, %arg29: memref<!tpu.dma_semaphore, #tpu.memory_space<semaphore_mem>>) attributes {dimension_semantics = [#tpu.dimension_semantics<core_parallel>, #tpu.dimension_semantics<subcore_parallel>], iteration_bounds = array<i64: 2, 16>, scalar_prefetch = 0 : i64, scratch_operands = 23 : i64, tpu.core_type = #tpu.core_type<sc_vector_subcore>, window_params = [{transform_indices = #map}, {transform_indices = #map1}, {transform_indices = #map2}, {transform_indices = #map}, {transform_indices = #map2}]} {
    %dma_start3A = arith.constant 0 : i32
    %dma_start3A_0 = arith.constant 0 : i32
    %dma_start3A_1 = tpu.memref_slice %arg3[%arg0, %arg1, %dma_start3A, %dma_start3A_0] : memref<2x16x160x128xi32, #tpu.memory_space<hbm>> -> memref<1x1x1x128xi32, #tpu.memory_space<hbm>>
    %dma_start3A_2 = tpu.memref_squeeze %dma_start3A_1 : memref<1x1x1x128xi32, #tpu.memory_space<hbm>> -> memref<128xi32, #tpu.memory_space<hbm>>
    %dma_start3A_3 = arith.constant 0 : i32
    %dma_start3A_4 = tpu.memref_slice %arg3[%arg0, %arg1, %dma_start3A, %dma_start3A_3] : memref<2x16x160x128xi32, #tpu.memory_space<hbm>> -> memref<1x1x1x128xi32, #tpu.memory_space<hbm>>
    %dma_start3A_5 = tpu.memref_squeeze %dma_start3A_4 : memref<1x1x1x128xi32, #tpu.memory_space<hbm>> -> memref<128xi32, #tpu.memory_space<hbm>>
    tpu.enqueue_dma source(%dma_start3A_5 : memref<128xi32, #tpu.memory_space<hbm>>) target(%arg10 : memref<128xi32, #tpu.memory_space<vmem>>) target_semaphore(%arg22 : memref<!tpu.dma_semaphore, #tpu.memory_space<semaphore_mem>>)
    %dma_start3A_6 = arith.constant 0 : i32
    %dma_start3A_7 = arith.constant 0 : i32
    %dma_start3A_8 = tpu.memref_slice %arg4[%arg1, %dma_start3A_6, %dma_start3A_7] : memref<16x160x128xi32, #tpu.memory_space<hbm>> -> memref<1x1x128xi32, #tpu.memory_space<hbm>>
    %dma_start3A_9 = tpu.memref_squeeze %dma_start3A_8 : memref<1x1x128xi32, #tpu.memory_space<hbm>> -> memref<128xi32, #tpu.memory_space<hbm>>
    %dma_start3A_10 = arith.constant 0 : i32
    %dma_start3A_11 = tpu.memref_slice %arg4[%arg1, %dma_start3A_6, %dma_start3A_10] : memref<16x160x128xi32, #tpu.memory_space<hbm>> -> memref<1x1x128xi32, #tpu.memory_space<hbm>>
    %dma_start3A_12 = tpu.memref_squeeze %dma_start3A_11 : memref<1x1x128xi32, #tpu.memory_space<hbm>> -> memref<128xi32, #tpu.memory_space<hbm>>
    tpu.enqueue_dma source(%dma_start3A_12 : memref<128xi32, #tpu.memory_space<hbm>>) target(%arg14 : memref<128xi32, #tpu.memory_space<vmem>>) target_semaphore(%arg26 : memref<!tpu.dma_semaphore, #tpu.memory_space<semaphore_mem>>)
    %dma_start3A_13 = arith.constant 1 : i32
    %dma_start3A_14 = arith.constant 0 : i32
    %dma_start3A_15 = tpu.memref_slice %arg3[%arg0, %arg1, %dma_start3A_13, %dma_start3A_14] : memref<2x16x160x128xi32, #tpu.memory_space<hbm>> -> memref<1x1x1x128xi32, #tpu.memory_space<hbm>>
    %dma_start3A_16 = tpu.memref_squeeze %dma_start3A_15 : memref<1x1x1x128xi32, #tpu.memory_space<hbm>> -> memref<128xi32, #tpu.memory_space<hbm>>
    %dma_start3A_17 = arith.constant 0 : i32
    %dma_start3A_18 = tpu.memref_slice %arg3[%arg0, %arg1, %dma_start3A_13, %dma_start3A_17] : memref<2x16x160x128xi32, #tpu.memory_space<hbm>> -> memref<1x1x1x128xi32, #tpu.memory_space<hbm>>
    %dma_start3A_19 = tpu.memref_squeeze %dma_start3A_18 : memref<1x1x1x128xi32, #tpu.memory_space<hbm>> -> memref<128xi32, #tpu.memory_space<hbm>>
    tpu.enqueue_dma source(%dma_start3A_19 : memref<128xi32, #tpu.memory_space<hbm>>) target(%arg11 : memref<128xi32, #tpu.memory_space<vmem>>) target_semaphore(%arg23 : memref<!tpu.dma_semaphore, #tpu.memory_space<semaphore_mem>>)
    %dma_start3A_20 = arith.constant 1 : i32
    %dma_start3A_21 = arith.constant 0 : i32
    %dma_start3A_22 = tpu.memref_slice %arg4[%arg1, %dma_start3A_20, %dma_start3A_21] : memref<16x160x128xi32, #tpu.memory_space<hbm>> -> memref<1x1x128xi32, #tpu.memory_space<hbm>>
    %dma_start3A_23 = tpu.memref_squeeze %dma_start3A_22 : memref<1x1x128xi32, #tpu.memory_space<hbm>> -> memref<128xi32, #tpu.memory_space<hbm>>
    %dma_start3A_24 = arith.constant 0 : i32
    %dma_start3A_25 = tpu.memref_slice %arg4[%arg1, %dma_start3A_20, %dma_start3A_24] : memref<16x160x128xi32, #tpu.memory_space<hbm>> -> memref<1x1x128xi32, #tpu.memory_space<hbm>>
    %dma_start3A_26 = tpu.memref_squeeze %dma_start3A_25 : memref<1x1x128xi32, #tpu.memory_space<hbm>> -> memref<128xi32, #tpu.memory_space<hbm>>
    tpu.enqueue_dma source(%dma_start3A_26 : memref<128xi32, #tpu.memory_space<hbm>>) target(%arg15 : memref<128xi32, #tpu.memory_space<vmem>>) target_semaphore(%arg27 : memref<!tpu.dma_semaphore, #tpu.memory_space<semaphore_mem>>)
    %mul3A = arith.constant 640 : i32
    %mul3A_27 = arith.muli %arg1, %mul3A : i32
    "tpu.region"() ({
      %run_scoped3A = tpu.sem_alloc : memref<!tpu.dma_semaphore, #tpu.memory_space<semaphore_mem>>
      %dma_start3A_61 = arith.constant 0 : i32
      %dma_start3A_62 = tpu.memref_slice %arg7[%mul3A_27, %dma_start3A_61] : memref<10240x128xf32, #tpu.memory_space<vmem_shared>> -> memref<640x128xf32, #tpu.memory_space<vmem_shared>>
      tpu.enqueue_dma source(%arg5 : memref<640x128xf32, #tpu.memory_space<hbm>>) target(%dma_start3A_62 : memref<640x128xf32, #tpu.memory_space<vmem_shared>>) target_semaphore(%run_scoped3A : memref<!tpu.dma_semaphore, #tpu.memory_space<semaphore_mem>>)
      %dma_wait3A_63 = arith.constant 0 : i32
      %dma_wait3A_64 = tpu.memref_slice %arg7[%mul3A_27, %dma_wait3A_63] : memref<10240x128xf32, #tpu.memory_space<vmem_shared>> -> memref<640x128xf32, #tpu.memory_space<vmem_shared>>
      tpu.wait_dma2 semaphore(%run_scoped3A : memref<!tpu.dma_semaphore, #tpu.memory_space<semaphore_mem>>) src(%arg5 : memref<640x128xf32, #tpu.memory_space<hbm>>) dst(%dma_wait3A_64 : memref<640x128xf32, #tpu.memory_space<vmem_shared>>)
      tpu.yield
    }) : () -> ()
    %barrier3A = arith.constant 0 : index
    tpu.barrier barrier_id(%barrier3A)
    %dma_wait3A = arith.constant 0 : i32
    %dma_wait3A_28 = arith.constant 0 : i32
    %dma_wait3A_29 = tpu.memref_slice %arg4[%arg1, %dma_wait3A, %dma_wait3A_28] : memref<16x160x128xi32, #tpu.memory_space<hbm>> -> memref<1x1x128xi32, #tpu.memory_space<hbm>>
    %dma_wait3A_30 = tpu.memref_squeeze %dma_wait3A_29 : memref<1x1x128xi32, #tpu.memory_space<hbm>> -> memref<128xi32, #tpu.memory_space<hbm>>
    %dma_wait3A_31 = arith.constant 0 : i32
    %dma_wait3A_32 = tpu.memref_slice %arg4[%arg1, %dma_wait3A, %dma_wait3A_31] : memref<16x160x128xi32, #tpu.memory_space<hbm>> -> memref<1x1x128xi32, #tpu.memory_space<hbm>>
    %dma_wait3A_33 = tpu.memref_squeeze %dma_wait3A_32 : memref<1x1x128xi32, #tpu.memory_space<hbm>> -> memref<128xi32, #tpu.memory_space<hbm>>
    tpu.wait_dma2 semaphore(%arg22 : memref<!tpu.dma_semaphore, #tpu.memory_space<semaphore_mem>>) src(%dma_wait3A_33 : memref<128xi32, #tpu.memory_space<hbm>>) dst(%arg10 : memref<128xi32, #tpu.memory_space<vmem>>)
    %dma_wait3A_34 = arith.constant 0 : i32
    %dma_wait3A_35 = arith.constant 0 : i32
    %dma_wait3A_36 = tpu.memref_slice %arg4[%arg1, %dma_wait3A_34, %dma_wait3A_35] : memref<16x160x128xi32, #tpu.memory_space<hbm>> -> memref<1x1x128xi32, #tpu.memory_space<hbm>>
    %dma_wait3A_37 = tpu.memref_squeeze %dma_wait3A_36 : memref<1x1x128xi32, #tpu.memory_space<hbm>> -> memref<128xi32, #tpu.memory_space<hbm>>
    %dma_wait3A_38 = arith.constant 0 : i32
    %dma_wait3A_39 = tpu.memref_slice %arg4[%arg1, %dma_wait3A_34, %dma_wait3A_38] : memref<16x160x128xi32, #tpu.memory_space<hbm>> -> memref<1x1x128xi32, #tpu.memory_space<hbm>>
    %dma_wait3A_40 = tpu.memref_squeeze %dma_wait3A_39 : memref<1x1x128xi32, #tpu.memory_space<hbm>> -> memref<128xi32, #tpu.memory_space<hbm>>
    tpu.wait_dma2 semaphore(%arg26 : memref<!tpu.dma_semaphore, #tpu.memory_space<semaphore_mem>>) src(%dma_wait3A_40 : memref<128xi32, #tpu.memory_space<hbm>>) dst(%arg14 : memref<128xi32, #tpu.memory_space<vmem>>)
    %dma_start3A_41 = arith.constant 0 : i32
    %dma_start3A_42 = arith.constant 0 : i32
    %dma_start3A_43 = tpu.memref_slice %arg2[%dma_start3A_41, %dma_start3A_42] : memref<20480x128xf32, #tpu.memory_space<hbm>> -> memref<20480x128xf32, #tpu.memory_space<hbm>>
    tpu.enqueue_indirect_dma source(%dma_start3A_43 : memref<20480x128xf32, #tpu.memory_space<hbm>>) target(%arg8 : memref<128x128xf32, #tpu.memory_space<vmem>>) offsets(%arg10 : memref<128xi32, #tpu.memory_space<vmem>>) semaphore(%arg18 : memref<!tpu.dma_semaphore, #tpu.memory_space<semaphore_mem>>)
    %scan3A = arith.constant 0 : i32
    %scan3A_44 = arith.constant 0 : i32
    %scan3A_45 = arith.constant 40 : i32
    %scan3A_46 = arith.addi %scan3A_44, %scan3A_45 : i32
    %scan3A_47 = arith.constant 1 : i32
    scf.for %scan3A_61 = %scan3A_44 to %scan3A_46 step %scan3A_47  : i32 {
      %mul3A_62 = arith.constant 4 : i32
      %mul3A_63 = arith.muli %scan3A_61, %mul3A_62 : i32
      %add3A = arith.constant 0 : i32
      %add3A_64 = arith.addi %mul3A_63, %add3A : i32
      %add3A_65 = arith.constant 1 : i32
      %add3A_66 = arith.addi %add3A_64, %add3A_65 : i32
      %lt3A = arith.constant 160 : i32
      %lt3A_67 = arith.cmpi slt, %add3A_66, %lt3A : i32
      %ge3A = arith.constant 1 : i32
      %ge3A_68 = arith.cmpi sge, %add3A_64, %ge3A : i32
      %and3A = arith.andi %lt3A_67, %ge3A_68 : i1
      %convert_element_type3A = arith.extui %and3A : i1 to i32
      %cond3A = arith.constant 0 : i32
      %cond3A_69 = arith.cmpi ne, %convert_element_type3A, %cond3A : i32
      scf.if %cond3A_69 {
        %dma_wait3A_204 = arith.constant 0 : i32
        %dma_wait3A_205 = arith.constant 0 : i32
        %dma_wait3A_206 = tpu.memref_slice %arg7[%dma_wait3A_204, %dma_wait3A_205] : memref<10240x128xf32, #tpu.memory_space<vmem_shared>> -> memref<10240x128xf32, #tpu.memory_space<vmem_shared>>
        tpu.wait_indirect_dma semaphore(%arg21 : memref<!tpu.dma_semaphore, #tpu.memory_space<semaphore_mem>>) src(%arg9 : memref<128x128xf32, #tpu.memory_space<vmem>>) dst(%dma_wait3A_206 : memref<10240x128xf32, #tpu.memory_space<vmem_shared>>)
      } else {
      }
      %add3A_70 = arith.constant 1 : i32
      %add3A_71 = arith.addi %add3A_64, %add3A_70 : i32
      %lt3A_72 = arith.constant 160 : i32
      %lt3A_73 = arith.cmpi slt, %add3A_71, %lt3A_72 : i32
      %convert_element_type3A_74 = arith.extui %lt3A_73 : i1 to i32
      %cond3A_75 = arith.constant 0 : i32
      %cond3A_76 = arith.cmpi ne, %convert_element_type3A_74, %cond3A_75 : i32
      scf.if %cond3A_76 {
        %dma_wait3A_204 = arith.constant 0 : i32
        %dma_wait3A_205 = arith.constant 0 : i32
        %dma_wait3A_206 = tpu.memref_slice %arg4[%arg1, %dma_wait3A_204, %dma_wait3A_205] : memref<16x160x128xi32, #tpu.memory_space<hbm>> -> memref<1x1x128xi32, #tpu.memory_space<hbm>>
        %dma_wait3A_207 = tpu.memref_squeeze %dma_wait3A_206 : memref<1x1x128xi32, #tpu.memory_space<hbm>> -> memref<128xi32, #tpu.memory_space<hbm>>
        %dma_wait3A_208 = arith.constant 0 : i32
        %dma_wait3A_209 = tpu.memref_slice %arg4[%arg1, %dma_wait3A_204, %dma_wait3A_208] : memref<16x160x128xi32, #tpu.memory_space<hbm>> -> memref<1x1x128xi32, #tpu.memory_space<hbm>>
        %dma_wait3A_210 = tpu.memref_squeeze %dma_wait3A_209 : memref<1x1x128xi32, #tpu.memory_space<hbm>> -> memref<128xi32, #tpu.memory_space<hbm>>
        tpu.wait_dma2 semaphore(%arg23 : memref<!tpu.dma_semaphore, #tpu.memory_space<semaphore_mem>>) src(%dma_wait3A_210 : memref<128xi32, #tpu.memory_space<hbm>>) dst(%arg11 : memref<128xi32, #tpu.memory_space<vmem>>)
        %dma_wait3A_211 = arith.constant 0 : i32
        %dma_wait3A_212 = arith.constant 0 : i32
        %dma_wait3A_213 = tpu.memref_slice %arg4[%arg1, %dma_wait3A_211, %dma_wait3A_212] : memref<16x160x128xi32, #tpu.memory_space<hbm>> -> memref<1x1x128xi32, #tpu.memory_space<hbm>>
        %dma_wait3A_214 = tpu.memref_squeeze %dma_wait3A_213 : memref<1x1x128xi32, #tpu.memory_space<hbm>> -> memref<128xi32, #tpu.memory_space<hbm>>
        %dma_wait3A_215 = arith.constant 0 : i32
        %dma_wait3A_216 = tpu.memref_slice %arg4[%arg1, %dma_wait3A_211, %dma_wait3A_215] : memref<16x160x128xi32, #tpu.memory_space<hbm>> -> memref<1x1x128xi32, #tpu.memory_space<hbm>>
        %dma_wait3A_217 = tpu.memref_squeeze %dma_wait3A_216 : memref<1x1x128xi32, #tpu.memory_space<hbm>> -> memref<128xi32, #tpu.memory_space<hbm>>
        tpu.wait_dma2 semaphore(%arg27 : memref<!tpu.dma_semaphore, #tpu.memory_space<semaphore_mem>>) src(%dma_wait3A_217 : memref<128xi32, #tpu.memory_space<hbm>>) dst(%arg15 : memref<128xi32, #tpu.memory_space<vmem>>)
        %dma_start3A_218 = arith.constant 0 : i32
        %dma_start3A_219 = arith.constant 0 : i32
        %dma_start3A_220 = tpu.memref_slice %arg2[%dma_start3A_218, %dma_start3A_219] : memref<20480x128xf32, #tpu.memory_space<hbm>> -> memref<20480x128xf32, #tpu.memory_space<hbm>>
        tpu.enqueue_indirect_dma source(%dma_start3A_220 : memref<20480x128xf32, #tpu.memory_space<hbm>>) target(%arg9 : memref<128x128xf32, #tpu.memory_space<vmem>>) offsets(%arg11 : memref<128xi32, #tpu.memory_space<vmem>>) semaphore(%arg19 : memref<!tpu.dma_semaphore, #tpu.memory_space<semaphore_mem>>)
      } else {
      }
      %dma_wait3A_77 = arith.constant 0 : i32
      %dma_wait3A_78 = arith.constant 0 : i32
      %dma_wait3A_79 = tpu.memref_slice %arg5[%dma_wait3A_77, %dma_wait3A_78] : memref<640x128xf32, #tpu.memory_space<hbm>> -> memref<128x128xf32, #tpu.memory_space<hbm>>
      %dma_wait3A_80 = arith.constant 0 : i32
      %dma_wait3A_81 = arith.constant 0 : i32
      %dma_wait3A_82 = tpu.memref_slice %arg5[%dma_wait3A_80, %dma_wait3A_81] : memref<640x128xf32, #tpu.memory_space<hbm>> -> memref<128x128xf32, #tpu.memory_space<hbm>>
      tpu.wait_dma2 semaphore(%arg18 : memref<!tpu.dma_semaphore, #tpu.memory_space<semaphore_mem>>) src(%dma_wait3A_82 : memref<128x128xf32, #tpu.memory_space<hbm>>) dst(%arg8 : memref<128x128xf32, #tpu.memory_space<vmem>>)
      %dma_start3A_83 = arith.constant 0 : i32
      %dma_start3A_84 = arith.constant 0 : i32
      %dma_start3A_85 = tpu.memref_slice %arg7[%dma_start3A_83, %dma_start3A_84] : memref<10240x128xf32, #tpu.memory_space<vmem_shared>> -> memref<10240x128xf32, #tpu.memory_space<vmem_shared>>
      tpu.enqueue_indirect_dma source(%arg8 : memref<128x128xf32, #tpu.memory_space<vmem>>) target(%dma_start3A_85 : memref<10240x128xf32, #tpu.memory_space<vmem_shared>>) offsets(%arg14 : memref<128xi32, #tpu.memory_space<vmem>>) semaphore(%arg20 : memref<!tpu.dma_semaphore, #tpu.memory_space<semaphore_mem>>) {add = true}
      %add3A_86 = arith.constant 2 : i32
      %add3A_87 = arith.addi %add3A_64, %add3A_86 : i32
      %lt3A_88 = arith.constant 160 : i32
      %lt3A_89 = arith.cmpi slt, %add3A_87, %lt3A_88 : i32
      %convert_element_type3A_90 = arith.extui %lt3A_89 : i1 to i32
      %cond3A_91 = arith.constant 0 : i32
      %cond3A_92 = arith.cmpi ne, %convert_element_type3A_90, %cond3A_91 : i32
      scf.if %cond3A_92 {
        %add3A_204 = arith.constant 2 : i32
        %add3A_205 = arith.addi %add3A_64, %add3A_204 : i32
        %dma_start3A_206 = arith.constant 0 : i32
        %dma_start3A_207 = tpu.memref_slice %arg3[%arg0, %arg1, %add3A_205, %dma_start3A_206] : memref<2x16x160x128xi32, #tpu.memory_space<hbm>> -> memref<1x1x1x128xi32, #tpu.memory_space<hbm>>
        %dma_start3A_208 = tpu.memref_squeeze %dma_start3A_207 : memref<1x1x1x128xi32, #tpu.memory_space<hbm>> -> memref<128xi32, #tpu.memory_space<hbm>>
        %dma_start3A_209 = arith.constant 0 : i32
        %dma_start3A_210 = tpu.memref_slice %arg3[%arg0, %arg1, %add3A_205, %dma_start3A_209] : memref<2x16x160x128xi32, #tpu.memory_space<hbm>> -> memref<1x1x1x128xi32, #tpu.memory_space<hbm>>
        %dma_start3A_211 = tpu.memref_squeeze %dma_start3A_210 : memref<1x1x1x128xi32, #tpu.memory_space<hbm>> -> memref<128xi32, #tpu.memory_space<hbm>>
        tpu.enqueue_dma source(%dma_start3A_211 : memref<128xi32, #tpu.memory_space<hbm>>) target(%arg12 : memref<128xi32, #tpu.memory_space<vmem>>) target_semaphore(%arg24 : memref<!tpu.dma_semaphore, #tpu.memory_space<semaphore_mem>>)
        %dma_start3A_212 = arith.constant 0 : i32
        %dma_start3A_213 = tpu.memref_slice %arg4[%arg1, %add3A_205, %dma_start3A_212] : memref<16x160x128xi32, #tpu.memory_space<hbm>> -> memref<1x1x128xi32, #tpu.memory_space<hbm>>
        %dma_start3A_214 = tpu.memref_squeeze %dma_start3A_213 : memref<1x1x128xi32, #tpu.memory_space<hbm>> -> memref<128xi32, #tpu.memory_space<hbm>>
        %dma_start3A_215 = arith.constant 0 : i32
        %dma_start3A_216 = tpu.memref_slice %arg4[%arg1, %add3A_205, %dma_start3A_215] : memref<16x160x128xi32, #tpu.memory_space<hbm>> -> memref<1x1x128xi32, #tpu.memory_space<hbm>>
        %dma_start3A_217 = tpu.memref_squeeze %dma_start3A_216 : memref<1x1x128xi32, #tpu.memory_space<hbm>> -> memref<128xi32, #tpu.memory_space<hbm>>
        tpu.enqueue_dma source(%dma_start3A_217 : memref<128xi32, #tpu.memory_space<hbm>>) target(%arg16 : memref<128xi32, #tpu.memory_space<vmem>>) target_semaphore(%arg28 : memref<!tpu.dma_semaphore, #tpu.memory_space<semaphore_mem>>)
      } else {
      }
      %mul3A_93 = arith.constant 4 : i32
      %mul3A_94 = arith.muli %scan3A_61, %mul3A_93 : i32
      %add3A_95 = arith.constant 1 : i32
      %add3A_96 = arith.addi %mul3A_94, %add3A_95 : i32
      %add3A_97 = arith.constant 1 : i32
      %add3A_98 = arith.addi %add3A_96, %add3A_97 : i32
      %lt3A_99 = arith.constant 160 : i32
      %lt3A_100 = arith.cmpi slt, %add3A_98, %lt3A_99 : i32
      %ge3A_101 = arith.constant 1 : i32
      %ge3A_102 = arith.cmpi sge, %add3A_96, %ge3A_101 : i32
      %and3A_103 = arith.andi %lt3A_100, %ge3A_102 : i1
      %convert_element_type3A_104 = arith.extui %and3A_103 : i1 to i32
      %cond3A_105 = arith.constant 0 : i32
      %cond3A_106 = arith.cmpi ne, %convert_element_type3A_104, %cond3A_105 : i32
      scf.if %cond3A_106 {
        %dma_wait3A_204 = arith.constant 0 : i32
        %dma_wait3A_205 = arith.constant 0 : i32
        %dma_wait3A_206 = tpu.memref_slice %arg7[%dma_wait3A_204, %dma_wait3A_205] : memref<10240x128xf32, #tpu.memory_space<vmem_shared>> -> memref<10240x128xf32, #tpu.memory_space<vmem_shared>>
        tpu.wait_indirect_dma semaphore(%arg20 : memref<!tpu.dma_semaphore, #tpu.memory_space<semaphore_mem>>) src(%arg8 : memref<128x128xf32, #tpu.memory_space<vmem>>) dst(%dma_wait3A_206 : memref<10240x128xf32, #tpu.memory_space<vmem_shared>>)
      } else {
      }
      %add3A_107 = arith.constant 1 : i32
      %add3A_108 = arith.addi %add3A_96, %add3A_107 : i32
      %lt3A_109 = arith.constant 160 : i32
      %lt3A_110 = arith.cmpi slt, %add3A_108, %lt3A_109 : i32
      %convert_element_type3A_111 = arith.extui %lt3A_110 : i1 to i32
      %cond3A_112 = arith.constant 0 : i32
      %cond3A_113 = arith.cmpi ne, %convert_element_type3A_111, %cond3A_112 : i32
      scf.if %cond3A_113 {
        %dma_wait3A_204 = arith.constant 0 : i32
        %dma_wait3A_205 = arith.constant 0 : i32
        %dma_wait3A_206 = tpu.memref_slice %arg4[%arg1, %dma_wait3A_204, %dma_wait3A_205] : memref<16x160x128xi32, #tpu.memory_space<hbm>> -> memref<1x1x128xi32, #tpu.memory_space<hbm>>
        %dma_wait3A_207 = tpu.memref_squeeze %dma_wait3A_206 : memref<1x1x128xi32, #tpu.memory_space<hbm>> -> memref<128xi32, #tpu.memory_space<hbm>>
        %dma_wait3A_208 = arith.constant 0 : i32
        %dma_wait3A_209 = tpu.memref_slice %arg4[%arg1, %dma_wait3A_204, %dma_wait3A_208] : memref<16x160x128xi32, #tpu.memory_space<hbm>> -> memref<1x1x128xi32, #tpu.memory_space<hbm>>
        %dma_wait3A_210 = tpu.memref_squeeze %dma_wait3A_209 : memref<1x1x128xi32, #tpu.memory_space<hbm>> -> memref<128xi32, #tpu.memory_space<hbm>>
        tpu.wait_dma2 semaphore(%arg24 : memref<!tpu.dma_semaphore, #tpu.memory_space<semaphore_mem>>) src(%dma_wait3A_210 : memref<128xi32, #tpu.memory_space<hbm>>) dst(%arg12 : memref<128xi32, #tpu.memory_space<vmem>>)
        %dma_wait3A_211 = arith.constant 0 : i32
        %dma_wait3A_212 = arith.constant 0 : i32
        %dma_wait3A_213 = tpu.memref_slice %arg4[%arg1, %dma_wait3A_211, %dma_wait3A_212] : memref<16x160x128xi32, #tpu.memory_space<hbm>> -> memref<1x1x128xi32, #tpu.memory_space<hbm>>
        %dma_wait3A_214 = tpu.memref_squeeze %dma_wait3A_213 : memref<1x1x128xi32, #tpu.memory_space<hbm>> -> memref<128xi32, #tpu.memory_space<hbm>>
        %dma_wait3A_215 = arith.constant 0 : i32
        %dma_wait3A_216 = tpu.memref_slice %arg4[%arg1, %dma_wait3A_211, %dma_wait3A_215] : memref<16x160x128xi32, #tpu.memory_space<hbm>> -> memref<1x1x128xi32, #tpu.memory_space<hbm>>
        %dma_wait3A_217 = tpu.memref_squeeze %dma_wait3A_216 : memref<1x1x128xi32, #tpu.memory_space<hbm>> -> memref<128xi32, #tpu.memory_space<hbm>>
        tpu.wait_dma2 semaphore(%arg28 : memref<!tpu.dma_semaphore, #tpu.memory_space<semaphore_mem>>) src(%dma_wait3A_217 : memref<128xi32, #tpu.memory_space<hbm>>) dst(%arg16 : memref<128xi32, #tpu.memory_space<vmem>>)
        %dma_start3A_218 = arith.constant 0 : i32
        %dma_start3A_219 = arith.constant 0 : i32
        %dma_start3A_220 = tpu.memref_slice %arg2[%dma_start3A_218, %dma_start3A_219] : memref<20480x128xf32, #tpu.memory_space<hbm>> -> memref<20480x128xf32, #tpu.memory_space<hbm>>
        tpu.enqueue_indirect_dma source(%dma_start3A_220 : memref<20480x128xf32, #tpu.memory_space<hbm>>) target(%arg8 : memref<128x128xf32, #tpu.memory_space<vmem>>) offsets(%arg12 : memref<128xi32, #tpu.memory_space<vmem>>) semaphore(%arg18 : memref<!tpu.dma_semaphore, #tpu.memory_space<semaphore_mem>>)
      } else {
      }
      %dma_wait3A_114 = arith.constant 0 : i32
      %dma_wait3A_115 = arith.constant 0 : i32
      %dma_wait3A_116 = tpu.memref_slice %arg5[%dma_wait3A_114, %dma_wait3A_115] : memref<640x128xf32, #tpu.memory_space<hbm>> -> memref<128x128xf32, #tpu.memory_space<hbm>>
      %dma_wait3A_117 = arith.constant 0 : i32
      %dma_wait3A_118 = arith.constant 0 : i32
      %dma_wait3A_119 = tpu.memref_slice %arg5[%dma_wait3A_117, %dma_wait3A_118] : memref<640x128xf32, #tpu.memory_space<hbm>> -> memref<128x128xf32, #tpu.memory_space<hbm>>
      tpu.wait_dma2 semaphore(%arg19 : memref<!tpu.dma_semaphore, #tpu.memory_space<semaphore_mem>>) src(%dma_wait3A_119 : memref<128x128xf32, #tpu.memory_space<hbm>>) dst(%arg9 : memref<128x128xf32, #tpu.memory_space<vmem>>)
      %dma_start3A_120 = arith.constant 0 : i32
      %dma_start3A_121 = arith.constant 0 : i32
      %dma_start3A_122 = tpu.memref_slice %arg7[%dma_start3A_120, %dma_start3A_121] : memref<10240x128xf32, #tpu.memory_space<vmem_shared>> -> memref<10240x128xf32, #tpu.memory_space<vmem_shared>>
      tpu.enqueue_indirect_dma source(%arg9 : memref<128x128xf32, #tpu.memory_space<vmem>>) target(%dma_start3A_122 : memref<10240x128xf32, #tpu.memory_space<vmem_shared>>) offsets(%arg15 : memref<128xi32, #tpu.memory_space<vmem>>) semaphore(%arg21 : memref<!tpu.dma_semaphore, #tpu.memory_space<semaphore_mem>>) {add = true}
      %add3A_123 = arith.constant 2 : i32
      %add3A_124 = arith.addi %add3A_96, %add3A_123 : i32
      %lt3A_125 = arith.constant 160 : i32
      %lt3A_126 = arith.cmpi slt, %add3A_124, %lt3A_125 : i32
      %convert_element_type3A_127 = arith.extui %lt3A_126 : i1 to i32
      %cond3A_128 = arith.constant 0 : i32
      %cond3A_129 = arith.cmpi ne, %convert_element_type3A_127, %cond3A_128 : i32
      scf.if %cond3A_129 {
        %add3A_204 = arith.constant 2 : i32
        %add3A_205 = arith.addi %add3A_96, %add3A_204 : i32
        %dma_start3A_206 = arith.constant 0 : i32
        %dma_start3A_207 = tpu.memref_slice %arg3[%arg0, %arg1, %add3A_205, %dma_start3A_206] : memref<2x16x160x128xi32, #tpu.memory_space<hbm>> -> memref<1x1x1x128xi32, #tpu.memory_space<hbm>>
        %dma_start3A_208 = tpu.memref_squeeze %dma_start3A_207 : memref<1x1x1x128xi32, #tpu.memory_space<hbm>> -> memref<128xi32, #tpu.memory_space<hbm>>
        %dma_start3A_209 = arith.constant 0 : i32
        %dma_start3A_210 = tpu.memref_slice %arg3[%arg0, %arg1, %add3A_205, %dma_start3A_209] : memref<2x16x160x128xi32, #tpu.memory_space<hbm>> -> memref<1x1x1x128xi32, #tpu.memory_space<hbm>>
        %dma_start3A_211 = tpu.memref_squeeze %dma_start3A_210 : memref<1x1x1x128xi32, #tpu.memory_space<hbm>> -> memref<128xi32, #tpu.memory_space<hbm>>
        tpu.enqueue_dma source(%dma_start3A_211 : memref<128xi32, #tpu.memory_space<hbm>>) target(%arg13 : memref<128xi32, #tpu.memory_space<vmem>>) target_semaphore(%arg25 : memref<!tpu.dma_semaphore, #tpu.memory_space<semaphore_mem>>)
        %dma_start3A_212 = arith.constant 0 : i32
        %dma_start3A_213 = tpu.memref_slice %arg4[%arg1, %add3A_205, %dma_start3A_212] : memref<16x160x128xi32, #tpu.memory_space<hbm>> -> memref<1x1x128xi32, #tpu.memory_space<hbm>>
        %dma_start3A_214 = tpu.memref_squeeze %dma_start3A_213 : memref<1x1x128xi32, #tpu.memory_space<hbm>> -> memref<128xi32, #tpu.memory_space<hbm>>
        %dma_start3A_215 = arith.constant 0 : i32
        %dma_start3A_216 = tpu.memref_slice %arg4[%arg1, %add3A_205, %dma_start3A_215] : memref<16x160x128xi32, #tpu.memory_space<hbm>> -> memref<1x1x128xi32, #tpu.memory_space<hbm>>
        %dma_start3A_217 = tpu.memref_squeeze %dma_start3A_216 : memref<1x1x128xi32, #tpu.memory_space<hbm>> -> memref<128xi32, #tpu.memory_space<hbm>>
        tpu.enqueue_dma source(%dma_start3A_217 : memref<128xi32, #tpu.memory_space<hbm>>) target(%arg17 : memref<128xi32, #tpu.memory_space<vmem>>) target_semaphore(%arg29 : memref<!tpu.dma_semaphore, #tpu.memory_space<semaphore_mem>>)
      } else {
      }
      %mul3A_130 = arith.constant 4 : i32
      %mul3A_131 = arith.muli %scan3A_61, %mul3A_130 : i32
      %add3A_132 = arith.constant 2 : i32
      %add3A_133 = arith.addi %mul3A_131, %add3A_132 : i32
      %add3A_134 = arith.constant 1 : i32
      %add3A_135 = arith.addi %add3A_133, %add3A_134 : i32
      %lt3A_136 = arith.constant 160 : i32
      %lt3A_137 = arith.cmpi slt, %add3A_135, %lt3A_136 : i32
      %ge3A_138 = arith.constant 1 : i32
      %ge3A_139 = arith.cmpi sge, %add3A_133, %ge3A_138 : i32
      %and3A_140 = arith.andi %lt3A_137, %ge3A_139 : i1
      %convert_element_type3A_141 = arith.extui %and3A_140 : i1 to i32
      %cond3A_142 = arith.constant 0 : i32
      %cond3A_143 = arith.cmpi ne, %convert_element_type3A_141, %cond3A_142 : i32
      scf.if %cond3A_143 {
        %dma_wait3A_204 = arith.constant 0 : i32
        %dma_wait3A_205 = arith.constant 0 : i32
        %dma_wait3A_206 = tpu.memref_slice %arg7[%dma_wait3A_204, %dma_wait3A_205] : memref<10240x128xf32, #tpu.memory_space<vmem_shared>> -> memref<10240x128xf32, #tpu.memory_space<vmem_shared>>
        tpu.wait_indirect_dma semaphore(%arg21 : memref<!tpu.dma_semaphore, #tpu.memory_space<semaphore_mem>>) src(%arg9 : memref<128x128xf32, #tpu.memory_space<vmem>>) dst(%dma_wait3A_206 : memref<10240x128xf32, #tpu.memory_space<vmem_shared>>)
      } else {
      }
      %add3A_144 = arith.constant 1 : i32
      %add3A_145 = arith.addi %add3A_133, %add3A_144 : i32
      %lt3A_146 = arith.constant 160 : i32
      %lt3A_147 = arith.cmpi slt, %add3A_145, %lt3A_146 : i32
      %convert_element_type3A_148 = arith.extui %lt3A_147 : i1 to i32
      %cond3A_149 = arith.constant 0 : i32
      %cond3A_150 = arith.cmpi ne, %convert_element_type3A_148, %cond3A_149 : i32
      scf.if %cond3A_150 {
        %dma_wait3A_204 = arith.constant 0 : i32
        %dma_wait3A_205 = arith.constant 0 : i32
        %dma_wait3A_206 = tpu.memref_slice %arg4[%arg1, %dma_wait3A_204, %dma_wait3A_205] : memref<16x160x128xi32, #tpu.memory_space<hbm>> -> memref<1x1x128xi32, #tpu.memory_space<hbm>>
        %dma_wait3A_207 = tpu.memref_squeeze %dma_wait3A_206 : memref<1x1x128xi32, #tpu.memory_space<hbm>> -> memref<128xi32, #tpu.memory_space<hbm>>
        %dma_wait3A_208 = arith.constant 0 : i32
        %dma_wait3A_209 = tpu.memref_slice %arg4[%arg1, %dma_wait3A_204, %dma_wait3A_208] : memref<16x160x128xi32, #tpu.memory_space<hbm>> -> memref<1x1x128xi32, #tpu.memory_space<hbm>>
        %dma_wait3A_210 = tpu.memref_squeeze %dma_wait3A_209 : memref<1x1x128xi32, #tpu.memory_space<hbm>> -> memref<128xi32, #tpu.memory_space<hbm>>
        tpu.wait_dma2 semaphore(%arg25 : memref<!tpu.dma_semaphore, #tpu.memory_space<semaphore_mem>>) src(%dma_wait3A_210 : memref<128xi32, #tpu.memory_space<hbm>>) dst(%arg13 : memref<128xi32, #tpu.memory_space<vmem>>)
        %dma_wait3A_211 = arith.constant 0 : i32
        %dma_wait3A_212 = arith.constant 0 : i32
        %dma_wait3A_213 = tpu.memref_slice %arg4[%arg1, %dma_wait3A_211, %dma_wait3A_212] : memref<16x160x128xi32, #tpu.memory_space<hbm>> -> memref<1x1x128xi32, #tpu.memory_space<hbm>>
        %dma_wait3A_214 = tpu.memref_squeeze %dma_wait3A_213 : memref<1x1x128xi32, #tpu.memory_space<hbm>> -> memref<128xi32, #tpu.memory_space<hbm>>
        %dma_wait3A_215 = arith.constant 0 : i32
        %dma_wait3A_216 = tpu.memref_slice %arg4[%arg1, %dma_wait3A_211, %dma_wait3A_215] : memref<16x160x128xi32, #tpu.memory_space<hbm>> -> memref<1x1x128xi32, #tpu.memory_space<hbm>>
        %dma_wait3A_217 = tpu.memref_squeeze %dma_wait3A_216 : memref<1x1x128xi32, #tpu.memory_space<hbm>> -> memref<128xi32, #tpu.memory_space<hbm>>
        tpu.wait_dma2 semaphore(%arg29 : memref<!tpu.dma_semaphore, #tpu.memory_space<semaphore_mem>>) src(%dma_wait3A_217 : memref<128xi32, #tpu.memory_space<hbm>>) dst(%arg17 : memref<128xi32, #tpu.memory_space<vmem>>)
        %dma_start3A_218 = arith.constant 0 : i32
        %dma_start3A_219 = arith.constant 0 : i32
        %dma_start3A_220 = tpu.memref_slice %arg2[%dma_start3A_218, %dma_start3A_219] : memref<20480x128xf32, #tpu.memory_space<hbm>> -> memref<20480x128xf32, #tpu.memory_space<hbm>>
        tpu.enqueue_indirect_dma source(%dma_start3A_220 : memref<20480x128xf32, #tpu.memory_space<hbm>>) target(%arg9 : memref<128x128xf32, #tpu.memory_space<vmem>>) offsets(%arg13 : memref<128xi32, #tpu.memory_space<vmem>>) semaphore(%arg19 : memref<!tpu.dma_semaphore, #tpu.memory_space<semaphore_mem>>)
      } else {
      }
      %dma_wait3A_151 = arith.constant 0 : i32
      %dma_wait3A_152 = arith.constant 0 : i32
      %dma_wait3A_153 = tpu.memref_slice %arg5[%dma_wait3A_151, %dma_wait3A_152] : memref<640x128xf32, #tpu.memory_space<hbm>> -> memref<128x128xf32, #tpu.memory_space<hbm>>
      %dma_wait3A_154 = arith.constant 0 : i32
      %dma_wait3A_155 = arith.constant 0 : i32
      %dma_wait3A_156 = tpu.memref_slice %arg5[%dma_wait3A_154, %dma_wait3A_155] : memref<640x128xf32, #tpu.memory_space<hbm>> -> memref<128x128xf32, #tpu.memory_space<hbm>>
      tpu.wait_dma2 semaphore(%arg18 : memref<!tpu.dma_semaphore, #tpu.memory_space<semaphore_mem>>) src(%dma_wait3A_156 : memref<128x128xf32, #tpu.memory_space<hbm>>) dst(%arg8 : memref<128x128xf32, #tpu.memory_space<vmem>>)
      %dma_start3A_157 = arith.constant 0 : i32
      %dma_start3A_158 = arith.constant 0 : i32
      %dma_start3A_159 = tpu.memref_slice %arg7[%dma_start3A_157, %dma_start3A_158] : memref<10240x128xf32, #tpu.memory_space<vmem_shared>> -> memref<10240x128xf32, #tpu.memory_space<vmem_shared>>
      tpu.enqueue_indirect_dma source(%arg8 : memref<128x128xf32, #tpu.memory_space<vmem>>) target(%dma_start3A_159 : memref<10240x128xf32, #tpu.memory_space<vmem_shared>>) offsets(%arg16 : memref<128xi32, #tpu.memory_space<vmem>>) semaphore(%arg20 : memref<!tpu.dma_semaphore, #tpu.memory_space<semaphore_mem>>) {add = true}
      %add3A_160 = arith.constant 2 : i32
      %add3A_161 = arith.addi %add3A_133, %add3A_160 : i32
      %lt3A_162 = arith.constant 160 : i32
      %lt3A_163 = arith.cmpi slt, %add3A_161, %lt3A_162 : i32
      %convert_element_type3A_164 = arith.extui %lt3A_163 : i1 to i32
      %cond3A_165 = arith.constant 0 : i32
      %cond3A_166 = arith.cmpi ne, %convert_element_type3A_164, %cond3A_165 : i32
      scf.if %cond3A_166 {
        %add3A_204 = arith.constant 2 : i32
        %add3A_205 = arith.addi %add3A_133, %add3A_204 : i32
        %dma_start3A_206 = arith.constant 0 : i32
        %dma_start3A_207 = tpu.memref_slice %arg3[%arg0, %arg1, %add3A_205, %dma_start3A_206] : memref<2x16x160x128xi32, #tpu.memory_space<hbm>> -> memref<1x1x1x128xi32, #tpu.memory_space<hbm>>
        %dma_start3A_208 = tpu.memref_squeeze %dma_start3A_207 : memref<1x1x1x128xi32, #tpu.memory_space<hbm>> -> memref<128xi32, #tpu.memory_space<hbm>>
        %dma_start3A_209 = arith.constant 0 : i32
        %dma_start3A_210 = tpu.memref_slice %arg3[%arg0, %arg1, %add3A_205, %dma_start3A_209] : memref<2x16x160x128xi32, #tpu.memory_space<hbm>> -> memref<1x1x1x128xi32, #tpu.memory_space<hbm>>
        %dma_start3A_211 = tpu.memref_squeeze %dma_start3A_210 : memref<1x1x1x128xi32, #tpu.memory_space<hbm>> -> memref<128xi32, #tpu.memory_space<hbm>>
        tpu.enqueue_dma source(%dma_start3A_211 : memref<128xi32, #tpu.memory_space<hbm>>) target(%arg10 : memref<128xi32, #tpu.memory_space<vmem>>) target_semaphore(%arg22 : memref<!tpu.dma_semaphore, #tpu.memory_space<semaphore_mem>>)
        %dma_start3A_212 = arith.constant 0 : i32
        %dma_start3A_213 = tpu.memref_slice %arg4[%arg1, %add3A_205, %dma_start3A_212] : memref<16x160x128xi32, #tpu.memory_space<hbm>> -> memref<1x1x128xi32, #tpu.memory_space<hbm>>
        %dma_start3A_214 = tpu.memref_squeeze %dma_start3A_213 : memref<1x1x128xi32, #tpu.memory_space<hbm>> -> memref<128xi32, #tpu.memory_space<hbm>>
        %dma_start3A_215 = arith.constant 0 : i32
        %dma_start3A_216 = tpu.memref_slice %arg4[%arg1, %add3A_205, %dma_start3A_215] : memref<16x160x128xi32, #tpu.memory_space<hbm>> -> memref<1x1x128xi32, #tpu.memory_space<hbm>>
        %dma_start3A_217 = tpu.memref_squeeze %dma_start3A_216 : memref<1x1x128xi32, #tpu.memory_space<hbm>> -> memref<128xi32, #tpu.memory_space<hbm>>
        tpu.enqueue_dma source(%dma_start3A_217 : memref<128xi32, #tpu.memory_space<hbm>>) target(%arg14 : memref<128xi32, #tpu.memory_space<vmem>>) target_semaphore(%arg26 : memref<!tpu.dma_semaphore, #tpu.memory_space<semaphore_mem>>)
      } else {
      }
      %mul3A_167 = arith.constant 4 : i32
      %mul3A_168 = arith.muli %scan3A_61, %mul3A_167 : i32
      %add3A_169 = arith.constant 3 : i32
      %add3A_170 = arith.addi %mul3A_168, %add3A_169 : i32
      %add3A_171 = arith.constant 1 : i32
      %add3A_172 = arith.addi %add3A_170, %add3A_171 : i32
      %lt3A_173 = arith.constant 160 : i32
      %lt3A_174 = arith.cmpi slt, %add3A_172, %lt3A_173 : i32
      %ge3A_175 = arith.constant 1 : i32
      %ge3A_176 = arith.cmpi sge, %add3A_170, %ge3A_175 : i32
      %and3A_177 = arith.andi %lt3A_174, %ge3A_176 : i1
      %convert_element_type3A_178 = arith.extui %and3A_177 : i1 to i32
      %cond3A_179 = arith.constant 0 : i32
      %cond3A_180 = arith.cmpi ne, %convert_element_type3A_178, %cond3A_179 : i32
      scf.if %cond3A_180 {
        %dma_wait3A_204 = arith.constant 0 : i32
        %dma_wait3A_205 = arith.constant 0 : i32
        %dma_wait3A_206 = tpu.memref_slice %arg7[%dma_wait3A_204, %dma_wait3A_205] : memref<10240x128xf32, #tpu.memory_space<vmem_shared>> -> memref<10240x128xf32, #tpu.memory_space<vmem_shared>>
        tpu.wait_indirect_dma semaphore(%arg20 : memref<!tpu.dma_semaphore, #tpu.memory_space<semaphore_mem>>) src(%arg8 : memref<128x128xf32, #tpu.memory_space<vmem>>) dst(%dma_wait3A_206 : memref<10240x128xf32, #tpu.memory_space<vmem_shared>>)
      } else {
      }
      %add3A_181 = arith.constant 1 : i32
      %add3A_182 = arith.addi %add3A_170, %add3A_181 : i32
      %lt3A_183 = arith.constant 160 : i32
      %lt3A_184 = arith.cmpi slt, %add3A_182, %lt3A_183 : i32
      %convert_element_type3A_185 = arith.extui %lt3A_184 : i1 to i32
      %cond3A_186 = arith.constant 0 : i32
      %cond3A_187 = arith.cmpi ne, %convert_element_type3A_185, %cond3A_186 : i32
      scf.if %cond3A_187 {
        %dma_wait3A_204 = arith.constant 0 : i32
        %dma_wait3A_205 = arith.constant 0 : i32
        %dma_wait3A_206 = tpu.memref_slice %arg4[%arg1, %dma_wait3A_204, %dma_wait3A_205] : memref<16x160x128xi32, #tpu.memory_space<hbm>> -> memref<1x1x128xi32, #tpu.memory_space<hbm>>
        %dma_wait3A_207 = tpu.memref_squeeze %dma_wait3A_206 : memref<1x1x128xi32, #tpu.memory_space<hbm>> -> memref<128xi32, #tpu.memory_space<hbm>>
        %dma_wait3A_208 = arith.constant 0 : i32
        %dma_wait3A_209 = tpu.memref_slice %arg4[%arg1, %dma_wait3A_204, %dma_wait3A_208] : memref<16x160x128xi32, #tpu.memory_space<hbm>> -> memref<1x1x128xi32, #tpu.memory_space<hbm>>
        %dma_wait3A_210 = tpu.memref_squeeze %dma_wait3A_209 : memref<1x1x128xi32, #tpu.memory_space<hbm>> -> memref<128xi32, #tpu.memory_space<hbm>>
        tpu.wait_dma2 semaphore(%arg22 : memref<!tpu.dma_semaphore, #tpu.memory_space<semaphore_mem>>) src(%dma_wait3A_210 : memref<128xi32, #tpu.memory_space<hbm>>) dst(%arg10 : memref<128xi32, #tpu.memory_space<vmem>>)
        %dma_wait3A_211 = arith.constant 0 : i32
        %dma_wait3A_212 = arith.constant 0 : i32
        %dma_wait3A_213 = tpu.memref_slice %arg4[%arg1, %dma_wait3A_211, %dma_wait3A_212] : memref<16x160x128xi32, #tpu.memory_space<hbm>> -> memref<1x1x128xi32, #tpu.memory_space<hbm>>
        %dma_wait3A_214 = tpu.memref_squeeze %dma_wait3A_213 : memref<1x1x128xi32, #tpu.memory_space<hbm>> -> memref<128xi32, #tpu.memory_space<hbm>>
        %dma_wait3A_215 = arith.constant 0 : i32
        %dma_wait3A_216 = tpu.memref_slice %arg4[%arg1, %dma_wait3A_211, %dma_wait3A_215] : memref<16x160x128xi32, #tpu.memory_space<hbm>> -> memref<1x1x128xi32, #tpu.memory_space<hbm>>
        %dma_wait3A_217 = tpu.memref_squeeze %dma_wait3A_216 : memref<1x1x128xi32, #tpu.memory_space<hbm>> -> memref<128xi32, #tpu.memory_space<hbm>>
        tpu.wait_dma2 semaphore(%arg26 : memref<!tpu.dma_semaphore, #tpu.memory_space<semaphore_mem>>) src(%dma_wait3A_217 : memref<128xi32, #tpu.memory_space<hbm>>) dst(%arg14 : memref<128xi32, #tpu.memory_space<vmem>>)
        %dma_start3A_218 = arith.constant 0 : i32
        %dma_start3A_219 = arith.constant 0 : i32
        %dma_start3A_220 = tpu.memref_slice %arg2[%dma_start3A_218, %dma_start3A_219] : memref<20480x128xf32, #tpu.memory_space<hbm>> -> memref<20480x128xf32, #tpu.memory_space<hbm>>
        tpu.enqueue_indirect_dma source(%dma_start3A_220 : memref<20480x128xf32, #tpu.memory_space<hbm>>) target(%arg8 : memref<128x128xf32, #tpu.memory_space<vmem>>) offsets(%arg10 : memref<128xi32, #tpu.memory_space<vmem>>) semaphore(%arg18 : memref<!tpu.dma_semaphore, #tpu.memory_space<semaphore_mem>>)
      } else {
      }
      %dma_wait3A_188 = arith.constant 0 : i32
      %dma_wait3A_189 = arith.constant 0 : i32
      %dma_wait3A_190 = tpu.memref_slice %arg5[%dma_wait3A_188, %dma_wait3A_189] : memref<640x128xf32, #tpu.memory_space<hbm>> -> memref<128x128xf32, #tpu.memory_space<hbm>>
      %dma_wait3A_191 = arith.constant 0 : i32
      %dma_wait3A_192 = arith.constant 0 : i32
      %dma_wait3A_193 = tpu.memref_slice %arg5[%dma_wait3A_191, %dma_wait3A_192] : memref<640x128xf32, #tpu.memory_space<hbm>> -> memref<128x128xf32, #tpu.memory_space<hbm>>
      tpu.wait_dma2 semaphore(%arg19 : memref<!tpu.dma_semaphore, #tpu.memory_space<semaphore_mem>>) src(%dma_wait3A_193 : memref<128x128xf32, #tpu.memory_space<hbm>>) dst(%arg9 : memref<128x128xf32, #tpu.memory_space<vmem>>)
      %dma_start3A_194 = arith.constant 0 : i32
      %dma_start3A_195 = arith.constant 0 : i32
      %dma_start3A_196 = tpu.memref_slice %arg7[%dma_start3A_194, %dma_start3A_195] : memref<10240x128xf32, #tpu.memory_space<vmem_shared>> -> memref<10240x128xf32, #tpu.memory_space<vmem_shared>>
      tpu.enqueue_indirect_dma source(%arg9 : memref<128x128xf32, #tpu.memory_space<vmem>>) target(%dma_start3A_196 : memref<10240x128xf32, #tpu.memory_space<vmem_shared>>) offsets(%arg17 : memref<128xi32, #tpu.memory_space<vmem>>) semaphore(%arg21 : memref<!tpu.dma_semaphore, #tpu.memory_space<semaphore_mem>>) {add = true}
      %add3A_197 = arith.constant 2 : i32
      %add3A_198 = arith.addi %add3A_170, %add3A_197 : i32
      %lt3A_199 = arith.constant 160 : i32
      %lt3A_200 = arith.cmpi slt, %add3A_198, %lt3A_199 : i32
      %convert_element_type3A_201 = arith.extui %lt3A_200 : i1 to i32
      %cond3A_202 = arith.constant 0 : i32
      %cond3A_203 = arith.cmpi ne, %convert_element_type3A_201, %cond3A_202 : i32
      scf.if %cond3A_203 {
        %add3A_204 = arith.constant 2 : i32
        %add3A_205 = arith.addi %add3A_170, %add3A_204 : i32
        %dma_start3A_206 = arith.constant 0 : i32
        %dma_start3A_207 = tpu.memref_slice %arg3[%arg0, %arg1, %add3A_205, %dma_start3A_206] : memref<2x16x160x128xi32, #tpu.memory_space<hbm>> -> memref<1x1x1x128xi32, #tpu.memory_space<hbm>>
        %dma_start3A_208 = tpu.memref_squeeze %dma_start3A_207 : memref<1x1x1x128xi32, #tpu.memory_space<hbm>> -> memref<128xi32, #tpu.memory_space<hbm>>
        %dma_start3A_209 = arith.constant 0 : i32
        %dma_start3A_210 = tpu.memref_slice %arg3[%arg0, %arg1, %add3A_205, %dma_start3A_209] : memref<2x16x160x128xi32, #tpu.memory_space<hbm>> -> memref<1x1x1x128xi32, #tpu.memory_space<hbm>>
        %dma_start3A_211 = tpu.memref_squeeze %dma_start3A_210 : memref<1x1x1x128xi32, #tpu.memory_space<hbm>> -> memref<128xi32, #tpu.memory_space<hbm>>
        tpu.enqueue_dma source(%dma_start3A_211 : memref<128xi32, #tpu.memory_space<hbm>>) target(%arg11 : memref<128xi32, #tpu.memory_space<vmem>>) target_semaphore(%arg23 : memref<!tpu.dma_semaphore, #tpu.memory_space<semaphore_mem>>)
        %dma_start3A_212 = arith.constant 0 : i32
        %dma_start3A_213 = tpu.memref_slice %arg4[%arg1, %add3A_205, %dma_start3A_212] : memref<16x160x128xi32, #tpu.memory_space<hbm>> -> memref<1x1x128xi32, #tpu.memory_space<hbm>>
        %dma_start3A_214 = tpu.memref_squeeze %dma_start3A_213 : memref<1x1x128xi32, #tpu.memory_space<hbm>> -> memref<128xi32, #tpu.memory_space<hbm>>
        %dma_start3A_215 = arith.constant 0 : i32
        %dma_start3A_216 = tpu.memref_slice %arg4[%arg1, %add3A_205, %dma_start3A_215] : memref<16x160x128xi32, #tpu.memory_space<hbm>> -> memref<1x1x128xi32, #tpu.memory_space<hbm>>
        %dma_start3A_217 = tpu.memref_squeeze %dma_start3A_216 : memref<1x1x128xi32, #tpu.memory_space<hbm>> -> memref<128xi32, #tpu.memory_space<hbm>>
        tpu.enqueue_dma source(%dma_start3A_217 : memref<128xi32, #tpu.memory_space<hbm>>) target(%arg15 : memref<128xi32, #tpu.memory_space<vmem>>) target_semaphore(%arg27 : memref<!tpu.dma_semaphore, #tpu.memory_space<semaphore_mem>>)
      } else {
      }
    }
    %scan3A_48 = arith.constant 40 : i32
    %dma_wait3A_49 = arith.constant 0 : i32
    %dma_wait3A_50 = arith.constant 0 : i32
    %dma_wait3A_51 = tpu.memref_slice %arg7[%dma_wait3A_49, %dma_wait3A_50] : memref<10240x128xf32, #tpu.memory_space<vmem_shared>> -> memref<10240x128xf32, #tpu.memory_space<vmem_shared>>
    tpu.wait_indirect_dma semaphore(%arg20 : memref<!tpu.dma_semaphore, #tpu.memory_space<semaphore_mem>>) src(%arg8 : memref<128x128xf32, #tpu.memory_space<vmem>>) dst(%dma_wait3A_51 : memref<10240x128xf32, #tpu.memory_space<vmem_shared>>)
    %dma_wait3A_52 = arith.constant 0 : i32
    %dma_wait3A_53 = arith.constant 0 : i32
    %dma_wait3A_54 = tpu.memref_slice %arg7[%dma_wait3A_52, %dma_wait3A_53] : memref<10240x128xf32, #tpu.memory_space<vmem_shared>> -> memref<10240x128xf32, #tpu.memory_space<vmem_shared>>
    tpu.wait_indirect_dma semaphore(%arg21 : memref<!tpu.dma_semaphore, #tpu.memory_space<semaphore_mem>>) src(%arg9 : memref<128x128xf32, #tpu.memory_space<vmem>>) dst(%dma_wait3A_54 : memref<10240x128xf32, #tpu.memory_space<vmem_shared>>)
    %barrier3A_55 = arith.constant 0 : index
    tpu.barrier barrier_id(%barrier3A_55)
    %mul3A_56 = arith.constant 640 : i32
    %mul3A_57 = arith.muli %arg1, %mul3A_56 : i32
    %mul3A_58 = arith.constant 640 : i32
    %mul3A_59 = arith.muli %arg1, %mul3A_58 : i32
    "tpu.region"() ({
      %run_scoped3A = tpu.sem_alloc : memref<!tpu.dma_semaphore, #tpu.memory_space<semaphore_mem>>
      %dma_start3A_61 = arith.constant 0 : i32
      %dma_start3A_62 = tpu.memref_slice %arg6[%arg0, %mul3A_59, %dma_start3A_61] : memref<2x10240x128xf32, #tpu.memory_space<hbm>> -> memref<1x640x128xf32, #tpu.memory_space<hbm>>
      %dma_start3A_63 = tpu.memref_squeeze %dma_start3A_62 : memref<1x640x128xf32, #tpu.memory_space<hbm>> -> memref<640x128xf32, #tpu.memory_space<hbm>>
      %dma_start3A_64 = arith.constant 0 : i32
      %dma_start3A_65 = tpu.memref_slice %arg7[%mul3A_57, %dma_start3A_64] : memref<10240x128xf32, #tpu.memory_space<vmem_shared>> -> memref<640x128xf32, #tpu.memory_space<vmem_shared>>
      tpu.enqueue_dma source(%dma_start3A_65 : memref<640x128xf32, #tpu.memory_space<vmem_shared>>) target(%dma_start3A_63 : memref<640x128xf32, #tpu.memory_space<hbm>>) target_semaphore(%run_scoped3A : memref<!tpu.dma_semaphore, #tpu.memory_space<semaphore_mem>>)
      %dma_wait3A_66 = arith.constant 0 : i32
      %dma_wait3A_67 = tpu.memref_slice %arg6[%arg0, %mul3A_59, %dma_wait3A_66] : memref<2x10240x128xf32, #tpu.memory_space<hbm>> -> memref<1x640x128xf32, #tpu.memory_space<hbm>>
      %dma_wait3A_68 = tpu.memref_squeeze %dma_wait3A_67 : memref<1x640x128xf32, #tpu.memory_space<hbm>> -> memref<640x128xf32, #tpu.memory_space<hbm>>
      %dma_wait3A_69 = arith.constant 0 : i32
      %dma_wait3A_70 = tpu.memref_slice %arg7[%mul3A_57, %dma_wait3A_69] : memref<10240x128xf32, #tpu.memory_space<vmem_shared>> -> memref<640x128xf32, #tpu.memory_space<vmem_shared>>
      tpu.wait_dma2 semaphore(%run_scoped3A : memref<!tpu.dma_semaphore, #tpu.memory_space<semaphore_mem>>) src(%dma_wait3A_70 : memref<640x128xf32, #tpu.memory_space<vmem_shared>>) dst(%dma_wait3A_68 : memref<640x128xf32, #tpu.memory_space<hbm>>)
      tpu.yield
    }) : () -> ()
    %barrier3A_60 = arith.constant 0 : index
    tpu.barrier barrier_id(%barrier3A_60)
    return
  }
}

#map = affine_map<(d0, d1) -> (0, 0)>
#map1 = affine_map<(d0, d1) -> (0, 0, 0, 0)>
#map2 = affine_map<(d0, d1) -> (0, 0, 0)>
module attributes {stable_mosaic.version = 14 : i64} {
  func.func @_agg_kernel(%arg0: i32, %arg1: i32, %arg2: memref<20480x128xf32, #tpu.memory_space<hbm>>, %arg3: memref<2x16x160x128xi32, #tpu.memory_space<hbm>>, %arg4: memref<16x160x128xi32, #tpu.memory_space<hbm>>, %arg5: memref<640x128xf32, #tpu.memory_space<hbm>>, %arg6: memref<2x10240x128xf32, #tpu.memory_space<hbm>>, %arg7: memref<10240x128xf32, #tpu.memory_space<vmem_shared>>, %arg8: memref<128x128xf32, #tpu.memory_space<vmem>>, %arg9: memref<128x128xf32, #tpu.memory_space<vmem>>, %arg10: memref<128xi32, #tpu.memory_space<vmem>>, %arg11: memref<128xi32, #tpu.memory_space<vmem>>, %arg12: memref<128xi32, #tpu.memory_space<vmem>>, %arg13: memref<128xi32, #tpu.memory_space<vmem>>, %arg14: memref<128xi32, #tpu.memory_space<vmem>>, %arg15: memref<128xi32, #tpu.memory_space<vmem>>, %arg16: memref<128xi32, #tpu.memory_space<vmem>>, %arg17: memref<128xi32, #tpu.memory_space<vmem>>, %arg18: memref<!tpu.dma_semaphore, #tpu.memory_space<semaphore_mem>>, %arg19: memref<!tpu.dma_semaphore, #tpu.memory_space<semaphore_mem>>, %arg20: memref<!tpu.dma_semaphore, #tpu.memory_space<semaphore_mem>>, %arg21: memref<!tpu.dma_semaphore, #tpu.memory_space<semaphore_mem>>, %arg22: memref<!tpu.dma_semaphore, #tpu.memory_space<semaphore_mem>>, %arg23: memref<!tpu.dma_semaphore, #tpu.memory_space<semaphore_mem>>, %arg24: memref<!tpu.dma_semaphore, #tpu.memory_space<semaphore_mem>>, %arg25: memref<!tpu.dma_semaphore, #tpu.memory_space<semaphore_mem>>, %arg26: memref<!tpu.dma_semaphore, #tpu.memory_space<semaphore_mem>>, %arg27: memref<!tpu.dma_semaphore, #tpu.memory_space<semaphore_mem>>, %arg28: memref<!tpu.dma_semaphore, #tpu.memory_space<semaphore_mem>>, %arg29: memref<!tpu.dma_semaphore, #tpu.memory_space<semaphore_mem>>) attributes {dimension_semantics = [#tpu.dimension_semantics<core_parallel>, #tpu.dimension_semantics<subcore_parallel>], iteration_bounds = array<i64: 2, 16>, scalar_prefetch = 0 : i64, scratch_operands = 23 : i64, tpu.core_type = #tpu.core_type<sc_vector_subcore>, window_params = [{transform_indices = #map}, {transform_indices = #map1}, {transform_indices = #map2}, {transform_indices = #map}, {transform_indices = #map2}]} {
    %dma_start3A = arith.constant 0 : i32
    %dma_start3A_0 = arith.constant 0 : i32
    %dma_start3A_1 = tpu.memref_slice %arg3[%arg0, %arg1, %dma_start3A, %dma_start3A_0] : memref<2x16x160x128xi32, #tpu.memory_space<hbm>> -> memref<1x1x1x128xi32, #tpu.memory_space<hbm>>
    %dma_start3A_2 = tpu.memref_squeeze %dma_start3A_1 : memref<1x1x1x128xi32, #tpu.memory_space<hbm>> -> memref<128xi32, #tpu.memory_space<hbm>>
    %dma_start3A_3 = arith.constant 0 : i32
    %dma_start3A_4 = tpu.memref_slice %arg3[%arg0, %arg1, %dma_start3A, %dma_start3A_3] : memref<2x16x160x128xi32, #tpu.memory_space<hbm>> -> memref<1x1x1x128xi32, #tpu.memory_space<hbm>>
    %dma_start3A_5 = tpu.memref_squeeze %dma_start3A_4 : memref<1x1x1x128xi32, #tpu.memory_space<hbm>> -> memref<128xi32, #tpu.memory_space<hbm>>
    tpu.enqueue_dma source(%dma_start3A_5 : memref<128xi32, #tpu.memory_space<hbm>>) target(%arg10 : memref<128xi32, #tpu.memory_space<vmem>>) target_semaphore(%arg22 : memref<!tpu.dma_semaphore, #tpu.memory_space<semaphore_mem>>)
    %dma_start3A_6 = arith.constant 0 : i32
    %dma_start3A_7 = arith.constant 0 : i32
    %dma_start3A_8 = tpu.memref_slice %arg4[%arg1, %dma_start3A_6, %dma_start3A_7] : memref<16x160x128xi32, #tpu.memory_space<hbm>> -> memref<1x1x128xi32, #tpu.memory_space<hbm>>
    %dma_start3A_9 = tpu.memref_squeeze %dma_start3A_8 : memref<1x1x128xi32, #tpu.memory_space<hbm>> -> memref<128xi32, #tpu.memory_space<hbm>>
    %dma_start3A_10 = arith.constant 0 : i32
    %dma_start3A_11 = tpu.memref_slice %arg4[%arg1, %dma_start3A_6, %dma_start3A_10] : memref<16x160x128xi32, #tpu.memory_space<hbm>> -> memref<1x1x128xi32, #tpu.memory_space<hbm>>
    %dma_start3A_12 = tpu.memref_squeeze %dma_start3A_11 : memref<1x1x128xi32, #tpu.memory_space<hbm>> -> memref<128xi32, #tpu.memory_space<hbm>>
    tpu.enqueue_dma source(%dma_start3A_12 : memref<128xi32, #tpu.memory_space<hbm>>) target(%arg14 : memref<128xi32, #tpu.memory_space<vmem>>) target_semaphore(%arg26 : memref<!tpu.dma_semaphore, #tpu.memory_space<semaphore_mem>>)
    %dma_start3A_13 = arith.constant 1 : i32
    %dma_start3A_14 = arith.constant 0 : i32
    %dma_start3A_15 = tpu.memref_slice %arg3[%arg0, %arg1, %dma_start3A_13, %dma_start3A_14] : memref<2x16x160x128xi32, #tpu.memory_space<hbm>> -> memref<1x1x1x128xi32, #tpu.memory_space<hbm>>
    %dma_start3A_16 = tpu.memref_squeeze %dma_start3A_15 : memref<1x1x1x128xi32, #tpu.memory_space<hbm>> -> memref<128xi32, #tpu.memory_space<hbm>>
    %dma_start3A_17 = arith.constant 0 : i32
    %dma_start3A_18 = tpu.memref_slice %arg3[%arg0, %arg1, %dma_start3A_13, %dma_start3A_17] : memref<2x16x160x128xi32, #tpu.memory_space<hbm>> -> memref<1x1x1x128xi32, #tpu.memory_space<hbm>>
    %dma_start3A_19 = tpu.memref_squeeze %dma_start3A_18 : memref<1x1x1x128xi32, #tpu.memory_space<hbm>> -> memref<128xi32, #tpu.memory_space<hbm>>
    tpu.enqueue_dma source(%dma_start3A_19 : memref<128xi32, #tpu.memory_space<hbm>>) target(%arg11 : memref<128xi32, #tpu.memory_space<vmem>>) target_semaphore(%arg23 : memref<!tpu.dma_semaphore, #tpu.memory_space<semaphore_mem>>)
    %dma_start3A_20 = arith.constant 1 : i32
    %dma_start3A_21 = arith.constant 0 : i32
    %dma_start3A_22 = tpu.memref_slice %arg4[%arg1, %dma_start3A_20, %dma_start3A_21] : memref<16x160x128xi32, #tpu.memory_space<hbm>> -> memref<1x1x128xi32, #tpu.memory_space<hbm>>
    %dma_start3A_23 = tpu.memref_squeeze %dma_start3A_22 : memref<1x1x128xi32, #tpu.memory_space<hbm>> -> memref<128xi32, #tpu.memory_space<hbm>>
    %dma_start3A_24 = arith.constant 0 : i32
    %dma_start3A_25 = tpu.memref_slice %arg4[%arg1, %dma_start3A_20, %dma_start3A_24] : memref<16x160x128xi32, #tpu.memory_space<hbm>> -> memref<1x1x128xi32, #tpu.memory_space<hbm>>
    %dma_start3A_26 = tpu.memref_squeeze %dma_start3A_25 : memref<1x1x128xi32, #tpu.memory_space<hbm>> -> memref<128xi32, #tpu.memory_space<hbm>>
    tpu.enqueue_dma source(%dma_start3A_26 : memref<128xi32, #tpu.memory_space<hbm>>) target(%arg15 : memref<128xi32, #tpu.memory_space<vmem>>) target_semaphore(%arg27 : memref<!tpu.dma_semaphore, #tpu.memory_space<semaphore_mem>>)
    %mul3A = arith.constant 640 : i32
    %mul3A_27 = arith.muli %arg1, %mul3A : i32
    "tpu.region"() ({
      %run_scoped3A = tpu.sem_alloc : memref<!tpu.dma_semaphore, #tpu.memory_space<semaphore_mem>>
      %dma_start3A_61 = arith.constant 0 : i32
      %dma_start3A_62 = tpu.memref_slice %arg7[%mul3A_27, %dma_start3A_61] : memref<10240x128xf32, #tpu.memory_space<vmem_shared>> -> memref<640x128xf32, #tpu.memory_space<vmem_shared>>
      tpu.enqueue_dma source(%arg5 : memref<640x128xf32, #tpu.memory_space<hbm>>) target(%dma_start3A_62 : memref<640x128xf32, #tpu.memory_space<vmem_shared>>) target_semaphore(%run_scoped3A : memref<!tpu.dma_semaphore, #tpu.memory_space<semaphore_mem>>)
      %dma_wait3A_63 = arith.constant 0 : i32
      %dma_wait3A_64 = tpu.memref_slice %arg7[%mul3A_27, %dma_wait3A_63] : memref<10240x128xf32, #tpu.memory_space<vmem_shared>> -> memref<640x128xf32, #tpu.memory_space<vmem_shared>>
      tpu.wait_dma2 semaphore(%run_scoped3A : memref<!tpu.dma_semaphore, #tpu.memory_space<semaphore_mem>>) src(%arg5 : memref<640x128xf32, #tpu.memory_space<hbm>>) dst(%dma_wait3A_64 : memref<640x128xf32, #tpu.memory_space<vmem_shared>>)
      tpu.yield
    }) : () -> ()
    %barrier3A = arith.constant 0 : index
    tpu.barrier barrier_id(%barrier3A)
    %dma_wait3A = arith.constant 0 : i32
    %dma_wait3A_28 = arith.constant 0 : i32
    %dma_wait3A_29 = tpu.memref_slice %arg4[%arg1, %dma_wait3A, %dma_wait3A_28] : memref<16x160x128xi32, #tpu.memory_space<hbm>> -> memref<1x1x128xi32, #tpu.memory_space<hbm>>
    %dma_wait3A_30 = tpu.memref_squeeze %dma_wait3A_29 : memref<1x1x128xi32, #tpu.memory_space<hbm>> -> memref<128xi32, #tpu.memory_space<hbm>>
    %dma_wait3A_31 = arith.constant 0 : i32
    %dma_wait3A_32 = tpu.memref_slice %arg4[%arg1, %dma_wait3A, %dma_wait3A_31] : memref<16x160x128xi32, #tpu.memory_space<hbm>> -> memref<1x1x128xi32, #tpu.memory_space<hbm>>
    %dma_wait3A_33 = tpu.memref_squeeze %dma_wait3A_32 : memref<1x1x128xi32, #tpu.memory_space<hbm>> -> memref<128xi32, #tpu.memory_space<hbm>>
    tpu.wait_dma2 semaphore(%arg22 : memref<!tpu.dma_semaphore, #tpu.memory_space<semaphore_mem>>) src(%dma_wait3A_33 : memref<128xi32, #tpu.memory_space<hbm>>) dst(%arg10 : memref<128xi32, #tpu.memory_space<vmem>>)
    %dma_wait3A_34 = arith.constant 0 : i32
    %dma_wait3A_35 = arith.constant 0 : i32
    %dma_wait3A_36 = tpu.memref_slice %arg4[%arg1, %dma_wait3A_34, %dma_wait3A_35] : memref<16x160x128xi32, #tpu.memory_space<hbm>> -> memref<1x1x128xi32, #tpu.memory_space<hbm>>
    %dma_wait3A_37 = tpu.memref_squeeze %dma_wait3A_36 : memref<1x1x128xi32, #tpu.memory_space<hbm>> -> memref<128xi32, #tpu.memory_space<hbm>>
    %dma_wait3A_38 = arith.constant 0 : i32
    %dma_wait3A_39 = tpu.memref_slice %arg4[%arg1, %dma_wait3A_34, %dma_wait3A_38] : memref<16x160x128xi32, #tpu.memory_space<hbm>> -> memref<1x1x128xi32, #tpu.memory_space<hbm>>
    %dma_wait3A_40 = tpu.memref_squeeze %dma_wait3A_39 : memref<1x1x128xi32, #tpu.memory_space<hbm>> -> memref<128xi32, #tpu.memory_space<hbm>>
    tpu.wait_dma2 semaphore(%arg26 : memref<!tpu.dma_semaphore, #tpu.memory_space<semaphore_mem>>) src(%dma_wait3A_40 : memref<128xi32, #tpu.memory_space<hbm>>) dst(%arg14 : memref<128xi32, #tpu.memory_space<vmem>>)
    %dma_start3A_41 = arith.constant 0 : i32
    %dma_start3A_42 = arith.constant 0 : i32
    %dma_start3A_43 = tpu.memref_slice %arg2[%dma_start3A_41, %dma_start3A_42] : memref<20480x128xf32, #tpu.memory_space<hbm>> -> memref<20480x128xf32, #tpu.memory_space<hbm>>
    tpu.enqueue_indirect_dma source(%dma_start3A_43 : memref<20480x128xf32, #tpu.memory_space<hbm>>) target(%arg8 : memref<128x128xf32, #tpu.memory_space<vmem>>) offsets(%arg10 : memref<128xi32, #tpu.memory_space<vmem>>) semaphore(%arg18 : memref<!tpu.dma_semaphore, #tpu.memory_space<semaphore_mem>>)
    %scan3A = arith.constant 0 : i32
    %scan3A_44 = arith.constant 0 : i32
    %scan3A_45 = arith.constant 40 : i32
    %scan3A_46 = arith.addi %scan3A_44, %scan3A_45 : i32
    %scan3A_47 = arith.constant 1 : i32
    scf.for %scan3A_61 = %scan3A_44 to %scan3A_46 step %scan3A_47  : i32 {
      %mul3A_62 = arith.constant 4 : i32
      %mul3A_63 = arith.muli %scan3A_61, %mul3A_62 : i32
      %add3A = arith.constant 0 : i32
      %add3A_64 = arith.addi %mul3A_63, %add3A : i32
      %add3A_65 = arith.constant 1 : i32
      %add3A_66 = arith.addi %add3A_64, %add3A_65 : i32
      %lt3A = arith.constant 160 : i32
      %lt3A_67 = arith.cmpi slt, %add3A_66, %lt3A : i32
      %ge3A = arith.constant 1 : i32
      %ge3A_68 = arith.cmpi sge, %add3A_64, %ge3A : i32
      %and3A = arith.andi %lt3A_67, %ge3A_68 : i1
      %convert_element_type3A = arith.extui %and3A : i1 to i32
      %cond3A = arith.constant 0 : i32
      %cond3A_69 = arith.cmpi ne, %convert_element_type3A, %cond3A : i32
      scf.if %cond3A_69 {
        %dma_wait3A_204 = arith.constant 0 : i32
        %dma_wait3A_205 = arith.constant 0 : i32
        %dma_wait3A_206 = tpu.memref_slice %arg7[%dma_wait3A_204, %dma_wait3A_205] : memref<10240x128xf32, #tpu.memory_space<vmem_shared>> -> memref<10240x128xf32, #tpu.memory_space<vmem_shared>>
        tpu.wait_indirect_dma semaphore(%arg21 : memref<!tpu.dma_semaphore, #tpu.memory_space<semaphore_mem>>) src(%arg9 : memref<128x128xf32, #tpu.memory_space<vmem>>) dst(%dma_wait3A_206 : memref<10240x128xf32, #tpu.memory_space<vmem_shared>>)
      } else {
      }
      %add3A_70 = arith.constant 1 : i32
      %add3A_71 = arith.addi %add3A_64, %add3A_70 : i32
      %lt3A_72 = arith.constant 160 : i32
      %lt3A_73 = arith.cmpi slt, %add3A_71, %lt3A_72 : i32
      %convert_element_type3A_74 = arith.extui %lt3A_73 : i1 to i32
      %cond3A_75 = arith.constant 0 : i32
      %cond3A_76 = arith.cmpi ne, %convert_element_type3A_74, %cond3A_75 : i32
      scf.if %cond3A_76 {
        %dma_wait3A_204 = arith.constant 0 : i32
        %dma_wait3A_205 = arith.constant 0 : i32
        %dma_wait3A_206 = tpu.memref_slice %arg4[%arg1, %dma_wait3A_204, %dma_wait3A_205] : memref<16x160x128xi32, #tpu.memory_space<hbm>> -> memref<1x1x128xi32, #tpu.memory_space<hbm>>
        %dma_wait3A_207 = tpu.memref_squeeze %dma_wait3A_206 : memref<1x1x128xi32, #tpu.memory_space<hbm>> -> memref<128xi32, #tpu.memory_space<hbm>>
        %dma_wait3A_208 = arith.constant 0 : i32
        %dma_wait3A_209 = tpu.memref_slice %arg4[%arg1, %dma_wait3A_204, %dma_wait3A_208] : memref<16x160x128xi32, #tpu.memory_space<hbm>> -> memref<1x1x128xi32, #tpu.memory_space<hbm>>
        %dma_wait3A_210 = tpu.memref_squeeze %dma_wait3A_209 : memref<1x1x128xi32, #tpu.memory_space<hbm>> -> memref<128xi32, #tpu.memory_space<hbm>>
        tpu.wait_dma2 semaphore(%arg23 : memref<!tpu.dma_semaphore, #tpu.memory_space<semaphore_mem>>) src(%dma_wait3A_210 : memref<128xi32, #tpu.memory_space<hbm>>) dst(%arg11 : memref<128xi32, #tpu.memory_space<vmem>>)
        %dma_wait3A_211 = arith.constant 0 : i32
        %dma_wait3A_212 = arith.constant 0 : i32
        %dma_wait3A_213 = tpu.memref_slice %arg4[%arg1, %dma_wait3A_211, %dma_wait3A_212] : memref<16x160x128xi32, #tpu.memory_space<hbm>> -> memref<1x1x128xi32, #tpu.memory_space<hbm>>
        %dma_wait3A_214 = tpu.memref_squeeze %dma_wait3A_213 : memref<1x1x128xi32, #tpu.memory_space<hbm>> -> memref<128xi32, #tpu.memory_space<hbm>>
        %dma_wait3A_215 = arith.constant 0 : i32
        %dma_wait3A_216 = tpu.memref_slice %arg4[%arg1, %dma_wait3A_211, %dma_wait3A_215] : memref<16x160x128xi32, #tpu.memory_space<hbm>> -> memref<1x1x128xi32, #tpu.memory_space<hbm>>
        %dma_wait3A_217 = tpu.memref_squeeze %dma_wait3A_216 : memref<1x1x128xi32, #tpu.memory_space<hbm>> -> memref<128xi32, #tpu.memory_space<hbm>>
        tpu.wait_dma2 semaphore(%arg27 : memref<!tpu.dma_semaphore, #tpu.memory_space<semaphore_mem>>) src(%dma_wait3A_217 : memref<128xi32, #tpu.memory_space<hbm>>) dst(%arg15 : memref<128xi32, #tpu.memory_space<vmem>>)
        %dma_start3A_218 = arith.constant 0 : i32
        %dma_start3A_219 = arith.constant 0 : i32
        %dma_start3A_220 = tpu.memref_slice %arg2[%dma_start3A_218, %dma_start3A_219] : memref<20480x128xf32, #tpu.memory_space<hbm>> -> memref<20480x128xf32, #tpu.memory_space<hbm>>
        tpu.enqueue_indirect_dma source(%dma_start3A_220 : memref<20480x128xf32, #tpu.memory_space<hbm>>) target(%arg9 : memref<128x128xf32, #tpu.memory_space<vmem>>) offsets(%arg11 : memref<128xi32, #tpu.memory_space<vmem>>) semaphore(%arg19 : memref<!tpu.dma_semaphore, #tpu.memory_space<semaphore_mem>>)
      } else {
      }
      %dma_wait3A_77 = arith.constant 0 : i32
      %dma_wait3A_78 = arith.constant 0 : i32
      %dma_wait3A_79 = tpu.memref_slice %arg5[%dma_wait3A_77, %dma_wait3A_78] : memref<640x128xf32, #tpu.memory_space<hbm>> -> memref<128x128xf32, #tpu.memory_space<hbm>>
      %dma_wait3A_80 = arith.constant 0 : i32
      %dma_wait3A_81 = arith.constant 0 : i32
      %dma_wait3A_82 = tpu.memref_slice %arg5[%dma_wait3A_80, %dma_wait3A_81] : memref<640x128xf32, #tpu.memory_space<hbm>> -> memref<128x128xf32, #tpu.memory_space<hbm>>
      tpu.wait_dma2 semaphore(%arg18 : memref<!tpu.dma_semaphore, #tpu.memory_space<semaphore_mem>>) src(%dma_wait3A_82 : memref<128x128xf32, #tpu.memory_space<hbm>>) dst(%arg8 : memref<128x128xf32, #tpu.memory_space<vmem>>)
      %dma_start3A_83 = arith.constant 0 : i32
      %dma_start3A_84 = arith.constant 0 : i32
      %dma_start3A_85 = tpu.memref_slice %arg7[%dma_start3A_83, %dma_start3A_84] : memref<10240x128xf32, #tpu.memory_space<vmem_shared>> -> memref<10240x128xf32, #tpu.memory_space<vmem_shared>>
      tpu.enqueue_indirect_dma source(%arg8 : memref<128x128xf32, #tpu.memory_space<vmem>>) target(%dma_start3A_85 : memref<10240x128xf32, #tpu.memory_space<vmem_shared>>) offsets(%arg14 : memref<128xi32, #tpu.memory_space<vmem>>) semaphore(%arg20 : memref<!tpu.dma_semaphore, #tpu.memory_space<semaphore_mem>>) {add = true}
      %add3A_86 = arith.constant 2 : i32
      %add3A_87 = arith.addi %add3A_64, %add3A_86 : i32
      %lt3A_88 = arith.constant 160 : i32
      %lt3A_89 = arith.cmpi slt, %add3A_87, %lt3A_88 : i32
      %convert_element_type3A_90 = arith.extui %lt3A_89 : i1 to i32
      %cond3A_91 = arith.constant 0 : i32
      %cond3A_92 = arith.cmpi ne, %convert_element_type3A_90, %cond3A_91 : i32
      scf.if %cond3A_92 {
        %add3A_204 = arith.constant 2 : i32
        %add3A_205 = arith.addi %add3A_64, %add3A_204 : i32
        %dma_start3A_206 = arith.constant 0 : i32
        %dma_start3A_207 = tpu.memref_slice %arg3[%arg0, %arg1, %add3A_205, %dma_start3A_206] : memref<2x16x160x128xi32, #tpu.memory_space<hbm>> -> memref<1x1x1x128xi32, #tpu.memory_space<hbm>>
        %dma_start3A_208 = tpu.memref_squeeze %dma_start3A_207 : memref<1x1x1x128xi32, #tpu.memory_space<hbm>> -> memref<128xi32, #tpu.memory_space<hbm>>
        %dma_start3A_209 = arith.constant 0 : i32
        %dma_start3A_210 = tpu.memref_slice %arg3[%arg0, %arg1, %add3A_205, %dma_start3A_209] : memref<2x16x160x128xi32, #tpu.memory_space<hbm>> -> memref<1x1x1x128xi32, #tpu.memory_space<hbm>>
        %dma_start3A_211 = tpu.memref_squeeze %dma_start3A_210 : memref<1x1x1x128xi32, #tpu.memory_space<hbm>> -> memref<128xi32, #tpu.memory_space<hbm>>
        tpu.enqueue_dma source(%dma_start3A_211 : memref<128xi32, #tpu.memory_space<hbm>>) target(%arg12 : memref<128xi32, #tpu.memory_space<vmem>>) target_semaphore(%arg24 : memref<!tpu.dma_semaphore, #tpu.memory_space<semaphore_mem>>)
        %dma_start3A_212 = arith.constant 0 : i32
        %dma_start3A_213 = tpu.memref_slice %arg4[%arg1, %add3A_205, %dma_start3A_212] : memref<16x160x128xi32, #tpu.memory_space<hbm>> -> memref<1x1x128xi32, #tpu.memory_space<hbm>>
        %dma_start3A_214 = tpu.memref_squeeze %dma_start3A_213 : memref<1x1x128xi32, #tpu.memory_space<hbm>> -> memref<128xi32, #tpu.memory_space<hbm>>
        %dma_start3A_215 = arith.constant 0 : i32
        %dma_start3A_216 = tpu.memref_slice %arg4[%arg1, %add3A_205, %dma_start3A_215] : memref<16x160x128xi32, #tpu.memory_space<hbm>> -> memref<1x1x128xi32, #tpu.memory_space<hbm>>
        %dma_start3A_217 = tpu.memref_squeeze %dma_start3A_216 : memref<1x1x128xi32, #tpu.memory_space<hbm>> -> memref<128xi32, #tpu.memory_space<hbm>>
        tpu.enqueue_dma source(%dma_start3A_217 : memref<128xi32, #tpu.memory_space<hbm>>) target(%arg16 : memref<128xi32, #tpu.memory_space<vmem>>) target_semaphore(%arg28 : memref<!tpu.dma_semaphore, #tpu.memory_space<semaphore_mem>>)
      } else {
      }
      %mul3A_93 = arith.constant 4 : i32
      %mul3A_94 = arith.muli %scan3A_61, %mul3A_93 : i32
      %add3A_95 = arith.constant 1 : i32
      %add3A_96 = arith.addi %mul3A_94, %add3A_95 : i32
      %add3A_97 = arith.constant 1 : i32
      %add3A_98 = arith.addi %add3A_96, %add3A_97 : i32
      %lt3A_99 = arith.constant 160 : i32
      %lt3A_100 = arith.cmpi slt, %add3A_98, %lt3A_99 : i32
      %ge3A_101 = arith.constant 1 : i32
      %ge3A_102 = arith.cmpi sge, %add3A_96, %ge3A_101 : i32
      %and3A_103 = arith.andi %lt3A_100, %ge3A_102 : i1
      %convert_element_type3A_104 = arith.extui %and3A_103 : i1 to i32
      %cond3A_105 = arith.constant 0 : i32
      %cond3A_106 = arith.cmpi ne, %convert_element_type3A_104, %cond3A_105 : i32
      scf.if %cond3A_106 {
        %dma_wait3A_204 = arith.constant 0 : i32
        %dma_wait3A_205 = arith.constant 0 : i32
        %dma_wait3A_206 = tpu.memref_slice %arg7[%dma_wait3A_204, %dma_wait3A_205] : memref<10240x128xf32, #tpu.memory_space<vmem_shared>> -> memref<10240x128xf32, #tpu.memory_space<vmem_shared>>
        tpu.wait_indirect_dma semaphore(%arg20 : memref<!tpu.dma_semaphore, #tpu.memory_space<semaphore_mem>>) src(%arg8 : memref<128x128xf32, #tpu.memory_space<vmem>>) dst(%dma_wait3A_206 : memref<10240x128xf32, #tpu.memory_space<vmem_shared>>)
      } else {
      }
      %add3A_107 = arith.constant 1 : i32
      %add3A_108 = arith.addi %add3A_96, %add3A_107 : i32
      %lt3A_109 = arith.constant 160 : i32
      %lt3A_110 = arith.cmpi slt, %add3A_108, %lt3A_109 : i32
      %convert_element_type3A_111 = arith.extui %lt3A_110 : i1 to i32
      %cond3A_112 = arith.constant 0 : i32
      %cond3A_113 = arith.cmpi ne, %convert_element_type3A_111, %cond3A_112 : i32
      scf.if %cond3A_113 {
        %dma_wait3A_204 = arith.constant 0 : i32
        %dma_wait3A_205 = arith.constant 0 : i32
        %dma_wait3A_206 = tpu.memref_slice %arg4[%arg1, %dma_wait3A_204, %dma_wait3A_205] : memref<16x160x128xi32, #tpu.memory_space<hbm>> -> memref<1x1x128xi32, #tpu.memory_space<hbm>>
        %dma_wait3A_207 = tpu.memref_squeeze %dma_wait3A_206 : memref<1x1x128xi32, #tpu.memory_space<hbm>> -> memref<128xi32, #tpu.memory_space<hbm>>
        %dma_wait3A_208 = arith.constant 0 : i32
        %dma_wait3A_209 = tpu.memref_slice %arg4[%arg1, %dma_wait3A_204, %dma_wait3A_208] : memref<16x160x128xi32, #tpu.memory_space<hbm>> -> memref<1x1x128xi32, #tpu.memory_space<hbm>>
        %dma_wait3A_210 = tpu.memref_squeeze %dma_wait3A_209 : memref<1x1x128xi32, #tpu.memory_space<hbm>> -> memref<128xi32, #tpu.memory_space<hbm>>
        tpu.wait_dma2 semaphore(%arg24 : memref<!tpu.dma_semaphore, #tpu.memory_space<semaphore_mem>>) src(%dma_wait3A_210 : memref<128xi32, #tpu.memory_space<hbm>>) dst(%arg12 : memref<128xi32, #tpu.memory_space<vmem>>)
        %dma_wait3A_211 = arith.constant 0 : i32
        %dma_wait3A_212 = arith.constant 0 : i32
        %dma_wait3A_213 = tpu.memref_slice %arg4[%arg1, %dma_wait3A_211, %dma_wait3A_212] : memref<16x160x128xi32, #tpu.memory_space<hbm>> -> memref<1x1x128xi32, #tpu.memory_space<hbm>>
        %dma_wait3A_214 = tpu.memref_squeeze %dma_wait3A_213 : memref<1x1x128xi32, #tpu.memory_space<hbm>> -> memref<128xi32, #tpu.memory_space<hbm>>
        %dma_wait3A_215 = arith.constant 0 : i32
        %dma_wait3A_216 = tpu.memref_slice %arg4[%arg1, %dma_wait3A_211, %dma_wait3A_215] : memref<16x160x128xi32, #tpu.memory_space<hbm>> -> memref<1x1x128xi32, #tpu.memory_space<hbm>>
        %dma_wait3A_217 = tpu.memref_squeeze %dma_wait3A_216 : memref<1x1x128xi32, #tpu.memory_space<hbm>> -> memref<128xi32, #tpu.memory_space<hbm>>
        tpu.wait_dma2 semaphore(%arg28 : memref<!tpu.dma_semaphore, #tpu.memory_space<semaphore_mem>>) src(%dma_wait3A_217 : memref<128xi32, #tpu.memory_space<hbm>>) dst(%arg16 : memref<128xi32, #tpu.memory_space<vmem>>)
        %dma_start3A_218 = arith.constant 0 : i32
        %dma_start3A_219 = arith.constant 0 : i32
        %dma_start3A_220 = tpu.memref_slice %arg2[%dma_start3A_218, %dma_start3A_219] : memref<20480x128xf32, #tpu.memory_space<hbm>> -> memref<20480x128xf32, #tpu.memory_space<hbm>>
        tpu.enqueue_indirect_dma source(%dma_start3A_220 : memref<20480x128xf32, #tpu.memory_space<hbm>>) target(%arg8 : memref<128x128xf32, #tpu.memory_space<vmem>>) offsets(%arg12 : memref<128xi32, #tpu.memory_space<vmem>>) semaphore(%arg18 : memref<!tpu.dma_semaphore, #tpu.memory_space<semaphore_mem>>)
      } else {
      }
      %dma_wait3A_114 = arith.constant 0 : i32
      %dma_wait3A_115 = arith.constant 0 : i32
      %dma_wait3A_116 = tpu.memref_slice %arg5[%dma_wait3A_114, %dma_wait3A_115] : memref<640x128xf32, #tpu.memory_space<hbm>> -> memref<128x128xf32, #tpu.memory_space<hbm>>
      %dma_wait3A_117 = arith.constant 0 : i32
      %dma_wait3A_118 = arith.constant 0 : i32
      %dma_wait3A_119 = tpu.memref_slice %arg5[%dma_wait3A_117, %dma_wait3A_118] : memref<640x128xf32, #tpu.memory_space<hbm>> -> memref<128x128xf32, #tpu.memory_space<hbm>>
      tpu.wait_dma2 semaphore(%arg19 : memref<!tpu.dma_semaphore, #tpu.memory_space<semaphore_mem>>) src(%dma_wait3A_119 : memref<128x128xf32, #tpu.memory_space<hbm>>) dst(%arg9 : memref<128x128xf32, #tpu.memory_space<vmem>>)
      %dma_start3A_120 = arith.constant 0 : i32
      %dma_start3A_121 = arith.constant 0 : i32
      %dma_start3A_122 = tpu.memref_slice %arg7[%dma_start3A_120, %dma_start3A_121] : memref<10240x128xf32, #tpu.memory_space<vmem_shared>> -> memref<10240x128xf32, #tpu.memory_space<vmem_shared>>
      tpu.enqueue_indirect_dma source(%arg9 : memref<128x128xf32, #tpu.memory_space<vmem>>) target(%dma_start3A_122 : memref<10240x128xf32, #tpu.memory_space<vmem_shared>>) offsets(%arg15 : memref<128xi32, #tpu.memory_space<vmem>>) semaphore(%arg21 : memref<!tpu.dma_semaphore, #tpu.memory_space<semaphore_mem>>) {add = true}
      %add3A_123 = arith.constant 2 : i32
      %add3A_124 = arith.addi %add3A_96, %add3A_123 : i32
      %lt3A_125 = arith.constant 160 : i32
      %lt3A_126 = arith.cmpi slt, %add3A_124, %lt3A_125 : i32
      %convert_element_type3A_127 = arith.extui %lt3A_126 : i1 to i32
      %cond3A_128 = arith.constant 0 : i32
      %cond3A_129 = arith.cmpi ne, %convert_element_type3A_127, %cond3A_128 : i32
      scf.if %cond3A_129 {
        %add3A_204 = arith.constant 2 : i32
        %add3A_205 = arith.addi %add3A_96, %add3A_204 : i32
        %dma_start3A_206 = arith.constant 0 : i32
        %dma_start3A_207 = tpu.memref_slice %arg3[%arg0, %arg1, %add3A_205, %dma_start3A_206] : memref<2x16x160x128xi32, #tpu.memory_space<hbm>> -> memref<1x1x1x128xi32, #tpu.memory_space<hbm>>
        %dma_start3A_208 = tpu.memref_squeeze %dma_start3A_207 : memref<1x1x1x128xi32, #tpu.memory_space<hbm>> -> memref<128xi32, #tpu.memory_space<hbm>>
        %dma_start3A_209 = arith.constant 0 : i32
        %dma_start3A_210 = tpu.memref_slice %arg3[%arg0, %arg1, %add3A_205, %dma_start3A_209] : memref<2x16x160x128xi32, #tpu.memory_space<hbm>> -> memref<1x1x1x128xi32, #tpu.memory_space<hbm>>
        %dma_start3A_211 = tpu.memref_squeeze %dma_start3A_210 : memref<1x1x1x128xi32, #tpu.memory_space<hbm>> -> memref<128xi32, #tpu.memory_space<hbm>>
        tpu.enqueue_dma source(%dma_start3A_211 : memref<128xi32, #tpu.memory_space<hbm>>) target(%arg13 : memref<128xi32, #tpu.memory_space<vmem>>) target_semaphore(%arg25 : memref<!tpu.dma_semaphore, #tpu.memory_space<semaphore_mem>>)
        %dma_start3A_212 = arith.constant 0 : i32
        %dma_start3A_213 = tpu.memref_slice %arg4[%arg1, %add3A_205, %dma_start3A_212] : memref<16x160x128xi32, #tpu.memory_space<hbm>> -> memref<1x1x128xi32, #tpu.memory_space<hbm>>
        %dma_start3A_214 = tpu.memref_squeeze %dma_start3A_213 : memref<1x1x128xi32, #tpu.memory_space<hbm>> -> memref<128xi32, #tpu.memory_space<hbm>>
        %dma_start3A_215 = arith.constant 0 : i32
        %dma_start3A_216 = tpu.memref_slice %arg4[%arg1, %add3A_205, %dma_start3A_215] : memref<16x160x128xi32, #tpu.memory_space<hbm>> -> memref<1x1x128xi32, #tpu.memory_space<hbm>>
        %dma_start3A_217 = tpu.memref_squeeze %dma_start3A_216 : memref<1x1x128xi32, #tpu.memory_space<hbm>> -> memref<128xi32, #tpu.memory_space<hbm>>
        tpu.enqueue_dma source(%dma_start3A_217 : memref<128xi32, #tpu.memory_space<hbm>>) target(%arg17 : memref<128xi32, #tpu.memory_space<vmem>>) target_semaphore(%arg29 : memref<!tpu.dma_semaphore, #tpu.memory_space<semaphore_mem>>)
      } else {
      }
      %mul3A_130 = arith.constant 4 : i32
      %mul3A_131 = arith.muli %scan3A_61, %mul3A_130 : i32
      %add3A_132 = arith.constant 2 : i32
      %add3A_133 = arith.addi %mul3A_131, %add3A_132 : i32
      %add3A_134 = arith.constant 1 : i32
      %add3A_135 = arith.addi %add3A_133, %add3A_134 : i32
      %lt3A_136 = arith.constant 160 : i32
      %lt3A_137 = arith.cmpi slt, %add3A_135, %lt3A_136 : i32
      %ge3A_138 = arith.constant 1 : i32
      %ge3A_139 = arith.cmpi sge, %add3A_133, %ge3A_138 : i32
      %and3A_140 = arith.andi %lt3A_137, %ge3A_139 : i1
      %convert_element_type3A_141 = arith.extui %and3A_140 : i1 to i32
      %cond3A_142 = arith.constant 0 : i32
      %cond3A_143 = arith.cmpi ne, %convert_element_type3A_141, %cond3A_142 : i32
      scf.if %cond3A_143 {
        %dma_wait3A_204 = arith.constant 0 : i32
        %dma_wait3A_205 = arith.constant 0 : i32
        %dma_wait3A_206 = tpu.memref_slice %arg7[%dma_wait3A_204, %dma_wait3A_205] : memref<10240x128xf32, #tpu.memory_space<vmem_shared>> -> memref<10240x128xf32, #tpu.memory_space<vmem_shared>>
        tpu.wait_indirect_dma semaphore(%arg21 : memref<!tpu.dma_semaphore, #tpu.memory_space<semaphore_mem>>) src(%arg9 : memref<128x128xf32, #tpu.memory_space<vmem>>) dst(%dma_wait3A_206 : memref<10240x128xf32, #tpu.memory_space<vmem_shared>>)
      } else {
      }
      %add3A_144 = arith.constant 1 : i32
      %add3A_145 = arith.addi %add3A_133, %add3A_144 : i32
      %lt3A_146 = arith.constant 160 : i32
      %lt3A_147 = arith.cmpi slt, %add3A_145, %lt3A_146 : i32
      %convert_element_type3A_148 = arith.extui %lt3A_147 : i1 to i32
      %cond3A_149 = arith.constant 0 : i32
      %cond3A_150 = arith.cmpi ne, %convert_element_type3A_148, %cond3A_149 : i32
      scf.if %cond3A_150 {
        %dma_wait3A_204 = arith.constant 0 : i32
        %dma_wait3A_205 = arith.constant 0 : i32
        %dma_wait3A_206 = tpu.memref_slice %arg4[%arg1, %dma_wait3A_204, %dma_wait3A_205] : memref<16x160x128xi32, #tpu.memory_space<hbm>> -> memref<1x1x128xi32, #tpu.memory_space<hbm>>
        %dma_wait3A_207 = tpu.memref_squeeze %dma_wait3A_206 : memref<1x1x128xi32, #tpu.memory_space<hbm>> -> memref<128xi32, #tpu.memory_space<hbm>>
        %dma_wait3A_208 = arith.constant 0 : i32
        %dma_wait3A_209 = tpu.memref_slice %arg4[%arg1, %dma_wait3A_204, %dma_wait3A_208] : memref<16x160x128xi32, #tpu.memory_space<hbm>> -> memref<1x1x128xi32, #tpu.memory_space<hbm>>
        %dma_wait3A_210 = tpu.memref_squeeze %dma_wait3A_209 : memref<1x1x128xi32, #tpu.memory_space<hbm>> -> memref<128xi32, #tpu.memory_space<hbm>>
        tpu.wait_dma2 semaphore(%arg25 : memref<!tpu.dma_semaphore, #tpu.memory_space<semaphore_mem>>) src(%dma_wait3A_210 : memref<128xi32, #tpu.memory_space<hbm>>) dst(%arg13 : memref<128xi32, #tpu.memory_space<vmem>>)
        %dma_wait3A_211 = arith.constant 0 : i32
        %dma_wait3A_212 = arith.constant 0 : i32
        %dma_wait3A_213 = tpu.memref_slice %arg4[%arg1, %dma_wait3A_211, %dma_wait3A_212] : memref<16x160x128xi32, #tpu.memory_space<hbm>> -> memref<1x1x128xi32, #tpu.memory_space<hbm>>
        %dma_wait3A_214 = tpu.memref_squeeze %dma_wait3A_213 : memref<1x1x128xi32, #tpu.memory_space<hbm>> -> memref<128xi32, #tpu.memory_space<hbm>>
        %dma_wait3A_215 = arith.constant 0 : i32
        %dma_wait3A_216 = tpu.memref_slice %arg4[%arg1, %dma_wait3A_211, %dma_wait3A_215] : memref<16x160x128xi32, #tpu.memory_space<hbm>> -> memref<1x1x128xi32, #tpu.memory_space<hbm>>
        %dma_wait3A_217 = tpu.memref_squeeze %dma_wait3A_216 : memref<1x1x128xi32, #tpu.memory_space<hbm>> -> memref<128xi32, #tpu.memory_space<hbm>>
        tpu.wait_dma2 semaphore(%arg29 : memref<!tpu.dma_semaphore, #tpu.memory_space<semaphore_mem>>) src(%dma_wait3A_217 : memref<128xi32, #tpu.memory_space<hbm>>) dst(%arg17 : memref<128xi32, #tpu.memory_space<vmem>>)
        %dma_start3A_218 = arith.constant 0 : i32
        %dma_start3A_219 = arith.constant 0 : i32
        %dma_start3A_220 = tpu.memref_slice %arg2[%dma_start3A_218, %dma_start3A_219] : memref<20480x128xf32, #tpu.memory_space<hbm>> -> memref<20480x128xf32, #tpu.memory_space<hbm>>
        tpu.enqueue_indirect_dma source(%dma_start3A_220 : memref<20480x128xf32, #tpu.memory_space<hbm>>) target(%arg9 : memref<128x128xf32, #tpu.memory_space<vmem>>) offsets(%arg13 : memref<128xi32, #tpu.memory_space<vmem>>) semaphore(%arg19 : memref<!tpu.dma_semaphore, #tpu.memory_space<semaphore_mem>>)
      } else {
      }
      %dma_wait3A_151 = arith.constant 0 : i32
      %dma_wait3A_152 = arith.constant 0 : i32
      %dma_wait3A_153 = tpu.memref_slice %arg5[%dma_wait3A_151, %dma_wait3A_152] : memref<640x128xf32, #tpu.memory_space<hbm>> -> memref<128x128xf32, #tpu.memory_space<hbm>>
      %dma_wait3A_154 = arith.constant 0 : i32
      %dma_wait3A_155 = arith.constant 0 : i32
      %dma_wait3A_156 = tpu.memref_slice %arg5[%dma_wait3A_154, %dma_wait3A_155] : memref<640x128xf32, #tpu.memory_space<hbm>> -> memref<128x128xf32, #tpu.memory_space<hbm>>
      tpu.wait_dma2 semaphore(%arg18 : memref<!tpu.dma_semaphore, #tpu.memory_space<semaphore_mem>>) src(%dma_wait3A_156 : memref<128x128xf32, #tpu.memory_space<hbm>>) dst(%arg8 : memref<128x128xf32, #tpu.memory_space<vmem>>)
      %dma_start3A_157 = arith.constant 0 : i32
      %dma_start3A_158 = arith.constant 0 : i32
      %dma_start3A_159 = tpu.memref_slice %arg7[%dma_start3A_157, %dma_start3A_158] : memref<10240x128xf32, #tpu.memory_space<vmem_shared>> -> memref<10240x128xf32, #tpu.memory_space<vmem_shared>>
      tpu.enqueue_indirect_dma source(%arg8 : memref<128x128xf32, #tpu.memory_space<vmem>>) target(%dma_start3A_159 : memref<10240x128xf32, #tpu.memory_space<vmem_shared>>) offsets(%arg16 : memref<128xi32, #tpu.memory_space<vmem>>) semaphore(%arg20 : memref<!tpu.dma_semaphore, #tpu.memory_space<semaphore_mem>>) {add = true}
      %add3A_160 = arith.constant 2 : i32
      %add3A_161 = arith.addi %add3A_133, %add3A_160 : i32
      %lt3A_162 = arith.constant 160 : i32
      %lt3A_163 = arith.cmpi slt, %add3A_161, %lt3A_162 : i32
      %convert_element_type3A_164 = arith.extui %lt3A_163 : i1 to i32
      %cond3A_165 = arith.constant 0 : i32
      %cond3A_166 = arith.cmpi ne, %convert_element_type3A_164, %cond3A_165 : i32
      scf.if %cond3A_166 {
        %add3A_204 = arith.constant 2 : i32
        %add3A_205 = arith.addi %add3A_133, %add3A_204 : i32
        %dma_start3A_206 = arith.constant 0 : i32
        %dma_start3A_207 = tpu.memref_slice %arg3[%arg0, %arg1, %add3A_205, %dma_start3A_206] : memref<2x16x160x128xi32, #tpu.memory_space<hbm>> -> memref<1x1x1x128xi32, #tpu.memory_space<hbm>>
        %dma_start3A_208 = tpu.memref_squeeze %dma_start3A_207 : memref<1x1x1x128xi32, #tpu.memory_space<hbm>> -> memref<128xi32, #tpu.memory_space<hbm>>
        %dma_start3A_209 = arith.constant 0 : i32
        %dma_start3A_210 = tpu.memref_slice %arg3[%arg0, %arg1, %add3A_205, %dma_start3A_209] : memref<2x16x160x128xi32, #tpu.memory_space<hbm>> -> memref<1x1x1x128xi32, #tpu.memory_space<hbm>>
        %dma_start3A_211 = tpu.memref_squeeze %dma_start3A_210 : memref<1x1x1x128xi32, #tpu.memory_space<hbm>> -> memref<128xi32, #tpu.memory_space<hbm>>
        tpu.enqueue_dma source(%dma_start3A_211 : memref<128xi32, #tpu.memory_space<hbm>>) target(%arg10 : memref<128xi32, #tpu.memory_space<vmem>>) target_semaphore(%arg22 : memref<!tpu.dma_semaphore, #tpu.memory_space<semaphore_mem>>)
        %dma_start3A_212 = arith.constant 0 : i32
        %dma_start3A_213 = tpu.memref_slice %arg4[%arg1, %add3A_205, %dma_start3A_212] : memref<16x160x128xi32, #tpu.memory_space<hbm>> -> memref<1x1x128xi32, #tpu.memory_space<hbm>>
        %dma_start3A_214 = tpu.memref_squeeze %dma_start3A_213 : memref<1x1x128xi32, #tpu.memory_space<hbm>> -> memref<128xi32, #tpu.memory_space<hbm>>
        %dma_start3A_215 = arith.constant 0 : i32
        %dma_start3A_216 = tpu.memref_slice %arg4[%arg1, %add3A_205, %dma_start3A_215] : memref<16x160x128xi32, #tpu.memory_space<hbm>> -> memref<1x1x128xi32, #tpu.memory_space<hbm>>
        %dma_start3A_217 = tpu.memref_squeeze %dma_start3A_216 : memref<1x1x128xi32, #tpu.memory_space<hbm>> -> memref<128xi32, #tpu.memory_space<hbm>>
        tpu.enqueue_dma source(%dma_start3A_217 : memref<128xi32, #tpu.memory_space<hbm>>) target(%arg14 : memref<128xi32, #tpu.memory_space<vmem>>) target_semaphore(%arg26 : memref<!tpu.dma_semaphore, #tpu.memory_space<semaphore_mem>>)
      } else {
      }
      %mul3A_167 = arith.constant 4 : i32
      %mul3A_168 = arith.muli %scan3A_61, %mul3A_167 : i32
      %add3A_169 = arith.constant 3 : i32
      %add3A_170 = arith.addi %mul3A_168, %add3A_169 : i32
      %add3A_171 = arith.constant 1 : i32
      %add3A_172 = arith.addi %add3A_170, %add3A_171 : i32
      %lt3A_173 = arith.constant 160 : i32
      %lt3A_174 = arith.cmpi slt, %add3A_172, %lt3A_173 : i32
      %ge3A_175 = arith.constant 1 : i32
      %ge3A_176 = arith.cmpi sge, %add3A_170, %ge3A_175 : i32
      %and3A_177 = arith.andi %lt3A_174, %ge3A_176 : i1
      %convert_element_type3A_178 = arith.extui %and3A_177 : i1 to i32
      %cond3A_179 = arith.constant 0 : i32
      %cond3A_180 = arith.cmpi ne, %convert_element_type3A_178, %cond3A_179 : i32
      scf.if %cond3A_180 {
        %dma_wait3A_204 = arith.constant 0 : i32
        %dma_wait3A_205 = arith.constant 0 : i32
        %dma_wait3A_206 = tpu.memref_slice %arg7[%dma_wait3A_204, %dma_wait3A_205] : memref<10240x128xf32, #tpu.memory_space<vmem_shared>> -> memref<10240x128xf32, #tpu.memory_space<vmem_shared>>
        tpu.wait_indirect_dma semaphore(%arg20 : memref<!tpu.dma_semaphore, #tpu.memory_space<semaphore_mem>>) src(%arg8 : memref<128x128xf32, #tpu.memory_space<vmem>>) dst(%dma_wait3A_206 : memref<10240x128xf32, #tpu.memory_space<vmem_shared>>)
      } else {
      }
      %add3A_181 = arith.constant 1 : i32
      %add3A_182 = arith.addi %add3A_170, %add3A_181 : i32
      %lt3A_183 = arith.constant 160 : i32
      %lt3A_184 = arith.cmpi slt, %add3A_182, %lt3A_183 : i32
      %convert_element_type3A_185 = arith.extui %lt3A_184 : i1 to i32
      %cond3A_186 = arith.constant 0 : i32
      %cond3A_187 = arith.cmpi ne, %convert_element_type3A_185, %cond3A_186 : i32
      scf.if %cond3A_187 {
        %dma_wait3A_204 = arith.constant 0 : i32
        %dma_wait3A_205 = arith.constant 0 : i32
        %dma_wait3A_206 = tpu.memref_slice %arg4[%arg1, %dma_wait3A_204, %dma_wait3A_205] : memref<16x160x128xi32, #tpu.memory_space<hbm>> -> memref<1x1x128xi32, #tpu.memory_space<hbm>>
        %dma_wait3A_207 = tpu.memref_squeeze %dma_wait3A_206 : memref<1x1x128xi32, #tpu.memory_space<hbm>> -> memref<128xi32, #tpu.memory_space<hbm>>
        %dma_wait3A_208 = arith.constant 0 : i32
        %dma_wait3A_209 = tpu.memref_slice %arg4[%arg1, %dma_wait3A_204, %dma_wait3A_208] : memref<16x160x128xi32, #tpu.memory_space<hbm>> -> memref<1x1x128xi32, #tpu.memory_space<hbm>>
        %dma_wait3A_210 = tpu.memref_squeeze %dma_wait3A_209 : memref<1x1x128xi32, #tpu.memory_space<hbm>> -> memref<128xi32, #tpu.memory_space<hbm>>
        tpu.wait_dma2 semaphore(%arg22 : memref<!tpu.dma_semaphore, #tpu.memory_space<semaphore_mem>>) src(%dma_wait3A_210 : memref<128xi32, #tpu.memory_space<hbm>>) dst(%arg10 : memref<128xi32, #tpu.memory_space<vmem>>)
        %dma_wait3A_211 = arith.constant 0 : i32
        %dma_wait3A_212 = arith.constant 0 : i32
        %dma_wait3A_213 = tpu.memref_slice %arg4[%arg1, %dma_wait3A_211, %dma_wait3A_212] : memref<16x160x128xi32, #tpu.memory_space<hbm>> -> memref<1x1x128xi32, #tpu.memory_space<hbm>>
        %dma_wait3A_214 = tpu.memref_squeeze %dma_wait3A_213 : memref<1x1x128xi32, #tpu.memory_space<hbm>> -> memref<128xi32, #tpu.memory_space<hbm>>
        %dma_wait3A_215 = arith.constant 0 : i32
        %dma_wait3A_216 = tpu.memref_slice %arg4[%arg1, %dma_wait3A_211, %dma_wait3A_215] : memref<16x160x128xi32, #tpu.memory_space<hbm>> -> memref<1x1x128xi32, #tpu.memory_space<hbm>>
        %dma_wait3A_217 = tpu.memref_squeeze %dma_wait3A_216 : memref<1x1x128xi32, #tpu.memory_space<hbm>> -> memref<128xi32, #tpu.memory_space<hbm>>
        tpu.wait_dma2 semaphore(%arg26 : memref<!tpu.dma_semaphore, #tpu.memory_space<semaphore_mem>>) src(%dma_wait3A_217 : memref<128xi32, #tpu.memory_space<hbm>>) dst(%arg14 : memref<128xi32, #tpu.memory_space<vmem>>)
        %dma_start3A_218 = arith.constant 0 : i32
        %dma_start3A_219 = arith.constant 0 : i32
        %dma_start3A_220 = tpu.memref_slice %arg2[%dma_start3A_218, %dma_start3A_219] : memref<20480x128xf32, #tpu.memory_space<hbm>> -> memref<20480x128xf32, #tpu.memory_space<hbm>>
        tpu.enqueue_indirect_dma source(%dma_start3A_220 : memref<20480x128xf32, #tpu.memory_space<hbm>>) target(%arg8 : memref<128x128xf32, #tpu.memory_space<vmem>>) offsets(%arg10 : memref<128xi32, #tpu.memory_space<vmem>>) semaphore(%arg18 : memref<!tpu.dma_semaphore, #tpu.memory_space<semaphore_mem>>)
      } else {
      }
      %dma_wait3A_188 = arith.constant 0 : i32
      %dma_wait3A_189 = arith.constant 0 : i32
      %dma_wait3A_190 = tpu.memref_slice %arg5[%dma_wait3A_188, %dma_wait3A_189] : memref<640x128xf32, #tpu.memory_space<hbm>> -> memref<128x128xf32, #tpu.memory_space<hbm>>
      %dma_wait3A_191 = arith.constant 0 : i32
      %dma_wait3A_192 = arith.constant 0 : i32
      %dma_wait3A_193 = tpu.memref_slice %arg5[%dma_wait3A_191, %dma_wait3A_192] : memref<640x128xf32, #tpu.memory_space<hbm>> -> memref<128x128xf32, #tpu.memory_space<hbm>>
      tpu.wait_dma2 semaphore(%arg19 : memref<!tpu.dma_semaphore, #tpu.memory_space<semaphore_mem>>) src(%dma_wait3A_193 : memref<128x128xf32, #tpu.memory_space<hbm>>) dst(%arg9 : memref<128x128xf32, #tpu.memory_space<vmem>>)
      %dma_start3A_194 = arith.constant 0 : i32
      %dma_start3A_195 = arith.constant 0 : i32
      %dma_start3A_196 = tpu.memref_slice %arg7[%dma_start3A_194, %dma_start3A_195] : memref<10240x128xf32, #tpu.memory_space<vmem_shared>> -> memref<10240x128xf32, #tpu.memory_space<vmem_shared>>
      tpu.enqueue_indirect_dma source(%arg9 : memref<128x128xf32, #tpu.memory_space<vmem>>) target(%dma_start3A_196 : memref<10240x128xf32, #tpu.memory_space<vmem_shared>>) offsets(%arg17 : memref<128xi32, #tpu.memory_space<vmem>>) semaphore(%arg21 : memref<!tpu.dma_semaphore, #tpu.memory_space<semaphore_mem>>) {add = true}
      %add3A_197 = arith.constant 2 : i32
      %add3A_198 = arith.addi %add3A_170, %add3A_197 : i32
      %lt3A_199 = arith.constant 160 : i32
      %lt3A_200 = arith.cmpi slt, %add3A_198, %lt3A_199 : i32
      %convert_element_type3A_201 = arith.extui %lt3A_200 : i1 to i32
      %cond3A_202 = arith.constant 0 : i32
      %cond3A_203 = arith.cmpi ne, %convert_element_type3A_201, %cond3A_202 : i32
      scf.if %cond3A_203 {
        %add3A_204 = arith.constant 2 : i32
        %add3A_205 = arith.addi %add3A_170, %add3A_204 : i32
        %dma_start3A_206 = arith.constant 0 : i32
        %dma_start3A_207 = tpu.memref_slice %arg3[%arg0, %arg1, %add3A_205, %dma_start3A_206] : memref<2x16x160x128xi32, #tpu.memory_space<hbm>> -> memref<1x1x1x128xi32, #tpu.memory_space<hbm>>
        %dma_start3A_208 = tpu.memref_squeeze %dma_start3A_207 : memref<1x1x1x128xi32, #tpu.memory_space<hbm>> -> memref<128xi32, #tpu.memory_space<hbm>>
        %dma_start3A_209 = arith.constant 0 : i32
        %dma_start3A_210 = tpu.memref_slice %arg3[%arg0, %arg1, %add3A_205, %dma_start3A_209] : memref<2x16x160x128xi32, #tpu.memory_space<hbm>> -> memref<1x1x1x128xi32, #tpu.memory_space<hbm>>
        %dma_start3A_211 = tpu.memref_squeeze %dma_start3A_210 : memref<1x1x1x128xi32, #tpu.memory_space<hbm>> -> memref<128xi32, #tpu.memory_space<hbm>>
        tpu.enqueue_dma source(%dma_start3A_211 : memref<128xi32, #tpu.memory_space<hbm>>) target(%arg11 : memref<128xi32, #tpu.memory_space<vmem>>) target_semaphore(%arg23 : memref<!tpu.dma_semaphore, #tpu.memory_space<semaphore_mem>>)
        %dma_start3A_212 = arith.constant 0 : i32
        %dma_start3A_213 = tpu.memref_slice %arg4[%arg1, %add3A_205, %dma_start3A_212] : memref<16x160x128xi32, #tpu.memory_space<hbm>> -> memref<1x1x128xi32, #tpu.memory_space<hbm>>
        %dma_start3A_214 = tpu.memref_squeeze %dma_start3A_213 : memref<1x1x128xi32, #tpu.memory_space<hbm>> -> memref<128xi32, #tpu.memory_space<hbm>>
        %dma_start3A_215 = arith.constant 0 : i32
        %dma_start3A_216 = tpu.memref_slice %arg4[%arg1, %add3A_205, %dma_start3A_215] : memref<16x160x128xi32, #tpu.memory_space<hbm>> -> memref<1x1x128xi32, #tpu.memory_space<hbm>>
        %dma_start3A_217 = tpu.memref_squeeze %dma_start3A_216 : memref<1x1x128xi32, #tpu.memory_space<hbm>> -> memref<128xi32, #tpu.memory_space<hbm>>
        tpu.enqueue_dma source(%dma_start3A_217 : memref<128xi32, #tpu.memory_space<hbm>>) target(%arg15 : memref<128xi32, #tpu.memory_space<vmem>>) target_semaphore(%arg27 : memref<!tpu.dma_semaphore, #tpu.memory_space<semaphore_mem>>)
      } else {
      }
    }
    %scan3A_48 = arith.constant 40 : i32
    %dma_wait3A_49 = arith.constant 0 : i32
    %dma_wait3A_50 = arith.constant 0 : i32
    %dma_wait3A_51 = tpu.memref_slice %arg7[%dma_wait3A_49, %dma_wait3A_50] : memref<10240x128xf32, #tpu.memory_space<vmem_shared>> -> memref<10240x128xf32, #tpu.memory_space<vmem_shared>>
    tpu.wait_indirect_dma semaphore(%arg20 : memref<!tpu.dma_semaphore, #tpu.memory_space<semaphore_mem>>) src(%arg8 : memref<128x128xf32, #tpu.memory_space<vmem>>) dst(%dma_wait3A_51 : memref<10240x128xf32, #tpu.memory_space<vmem_shared>>)
    %dma_wait3A_52 = arith.constant 0 : i32
    %dma_wait3A_53 = arith.constant 0 : i32
    %dma_wait3A_54 = tpu.memref_slice %arg7[%dma_wait3A_52, %dma_wait3A_53] : memref<10240x128xf32, #tpu.memory_space<vmem_shared>> -> memref<10240x128xf32, #tpu.memory_space<vmem_shared>>
    tpu.wait_indirect_dma semaphore(%arg21 : memref<!tpu.dma_semaphore, #tpu.memory_space<semaphore_mem>>) src(%arg9 : memref<128x128xf32, #tpu.memory_space<vmem>>) dst(%dma_wait3A_54 : memref<10240x128xf32, #tpu.memory_space<vmem_shared>>)
    %barrier3A_55 = arith.constant 0 : index
    tpu.barrier barrier_id(%barrier3A_55)
    %mul3A_56 = arith.constant 640 : i32
    %mul3A_57 = arith.muli %arg1, %mul3A_56 : i32
    %mul3A_58 = arith.constant 640 : i32
    %mul3A_59 = arith.muli %arg1, %mul3A_58 : i32
    "tpu.region"() ({
      %run_scoped3A = tpu.sem_alloc : memref<!tpu.dma_semaphore, #tpu.memory_space<semaphore_mem>>
      %dma_start3A_61 = arith.constant 0 : i32
      %dma_start3A_62 = tpu.memref_slice %arg6[%arg0, %mul3A_59, %dma_start3A_61] : memref<2x10240x128xf32, #tpu.memory_space<hbm>> -> memref<1x640x128xf32, #tpu.memory_space<hbm>>
      %dma_start3A_63 = tpu.memref_squeeze %dma_start3A_62 : memref<1x640x128xf32, #tpu.memory_space<hbm>> -> memref<640x128xf32, #tpu.memory_space<hbm>>
      %dma_start3A_64 = arith.constant 0 : i32
      %dma_start3A_65 = tpu.memref_slice %arg7[%mul3A_57, %dma_start3A_64] : memref<10240x128xf32, #tpu.memory_space<vmem_shared>> -> memref<640x128xf32, #tpu.memory_space<vmem_shared>>
      tpu.enqueue_dma source(%dma_start3A_65 : memref<640x128xf32, #tpu.memory_space<vmem_shared>>) target(%dma_start3A_63 : memref<640x128xf32, #tpu.memory_space<hbm>>) target_semaphore(%run_scoped3A : memref<!tpu.dma_semaphore, #tpu.memory_space<semaphore_mem>>)
      %dma_wait3A_66 = arith.constant 0 : i32
      %dma_wait3A_67 = tpu.memref_slice %arg6[%arg0, %mul3A_59, %dma_wait3A_66] : memref<2x10240x128xf32, #tpu.memory_space<hbm>> -> memref<1x640x128xf32, #tpu.memory_space<hbm>>
      %dma_wait3A_68 = tpu.memref_squeeze %dma_wait3A_67 : memref<1x640x128xf32, #tpu.memory_space<hbm>> -> memref<640x128xf32, #tpu.memory_space<hbm>>
      %dma_wait3A_69 = arith.constant 0 : i32
      %dma_wait3A_70 = tpu.memref_slice %arg7[%mul3A_57, %dma_wait3A_69] : memref<10240x128xf32, #tpu.memory_space<vmem_shared>> -> memref<640x128xf32, #tpu.memory_space<vmem_shared>>
      tpu.wait_dma2 semaphore(%run_scoped3A : memref<!tpu.dma_semaphore, #tpu.memory_space<semaphore_mem>>) src(%dma_wait3A_70 : memref<640x128xf32, #tpu.memory_space<vmem_shared>>) dst(%dma_wait3A_68 : memref<640x128xf32, #tpu.memory_space<hbm>>)
      tpu.yield
    }) : () -> ()
    %barrier3A_60 = arith.constant 0 : index
    tpu.barrier barrier_id(%barrier3A_60)
    return
  }
}

module attributes {stable_mosaic.version = 14 : i64} {
  func.func @_mm_body(%arg0: i32, %arg1: i32, %arg2: memref<2x512x128xf32, #tpu.memory_space<vmem>>, %arg3: memref<128x64xf32, #tpu.memory_space<vmem>>, %arg4: memref<1x512x128xf32, #tpu.memory_space<vmem>>) attributes {dimension_semantics = [#tpu.dimension_semantics<arbitrary>, #tpu.dimension_semantics<arbitrary>], iteration_bounds = array<i64: 4, 20>, scalar_prefetch = 0 : i64, scratch_operands = 0 : i64, tpu.core_type = #tpu.core_type<tc>, window_params = [{transform_indices = @transform_0, window_bounds = array<i64: 2, 512, 128>}, {pipeline_mode = #tpu.pipeline_mode<synchronous>, transform_indices = @transform_1, window_bounds = array<i64: 128, 64>}, {transform_indices = @transform_2, window_bounds = array<i64: 1, 512, 128>}]} {
    %get3A = arith.constant 0 : index
    %get3A_0 = arith.constant 0 : index
    %get3A_1 = vector.load %arg3[%get3A, %get3A_0] : memref<128x64xf32, #tpu.memory_space<vmem>>, vector<128x64xf32>
    %get3A_2 = arith.constant 0 : index
    %get3A_3 = arith.constant 0 : index
    %get3A_4 = arith.constant 0 : index
    %get3A_5 = vector.load %arg2[%get3A_2, %get3A_3, %get3A_4] : memref<2x512x128xf32, #tpu.memory_space<vmem>>, vector<1x512x128xf32>
    %get3A_6 = vector.shape_cast %get3A_5 : vector<1x512x128xf32> to vector<512x128xf32>
    %dot_general3A = arith.constant dense<0.000000e+00> : vector<512x64xf32>
    %dot_general3A_7 = tpu.matmul %get3A_6, %get3A_1, %dot_general3A {dimension_numbers = #tpu.dot_dimension_numbers<[1], [0], [0], [1], [0, 0, 1, 1], [], []>, transpose_lhs_hint = false} : vector<512x128xf32>, vector<128x64xf32>, vector<512x64xf32> -> vector<512x64xf32>
    %get3A_8 = arith.constant 1 : index
    %get3A_9 = arith.constant 0 : index
    %get3A_10 = arith.constant 0 : index
    %get3A_11 = vector.load %arg2[%get3A_8, %get3A_9, %get3A_10] : memref<2x512x128xf32, #tpu.memory_space<vmem>>, vector<1x512x128xf32>
    %get3A_12 = vector.shape_cast %get3A_11 : vector<1x512x128xf32> to vector<512x128xf32>
    %dot_general3A_13 = arith.constant dense<0.000000e+00> : vector<512x64xf32>
    %dot_general3A_14 = tpu.matmul %get3A_12, %get3A_1, %dot_general3A_13 {dimension_numbers = #tpu.dot_dimension_numbers<[1], [0], [0], [1], [0, 0, 1, 1], [], []>, transpose_lhs_hint = false} : vector<512x128xf32>, vector<128x64xf32>, vector<512x64xf32> -> vector<512x64xf32>
    %concatenate3A = tpu.concatenate %dot_general3A_7, %dot_general3A_14 in 1 : vector<512x64xf32>, vector<512x64xf32> -> vector<512x128xf32>
    %swap3A = arith.constant 0 : index
    %swap3A_15 = arith.constant 0 : index
    %swap3A_16 = arith.constant 0 : index
    %swap3A_17 = vector.load %arg4[%swap3A, %swap3A_15, %swap3A_16] : memref<1x512x128xf32, #tpu.memory_space<vmem>>, vector<1x512x128xf32>
    %swap3A_18 = vector.shape_cast %swap3A_17 : vector<1x512x128xf32> to vector<512x128xf32>
    %swap3A_19 = vector.shape_cast %concatenate3A : vector<512x128xf32> to vector<1x512x128xf32>
    tpu.vector_store %arg4[%swap3A, %swap3A_15, %swap3A_16], %swap3A_19 {strides = array<i32>} : memref<1x512x128xf32, #tpu.memory_space<vmem>>, vector<1x512x128xf32>,
    return
  }
  func.func @transform_0(%arg0: i32, %arg1: i32) -> (i32, i32, i32) {
    %c0_i32 = arith.constant 0 : i32
    %c0_i32_0 = arith.constant 0 : i32
    return %arg0, %arg1, %c0_i32 : i32, i32, i32
  }
  func.func @transform_1(%arg0: i32, %arg1: i32) -> (i32, i32) {
    %c0_i32 = arith.constant 0 : i32
    %c0_i32_0 = arith.constant 0 : i32
    %c0_i32_1 = arith.constant 0 : i32
    return %c0_i32, %c0_i32_0 : i32, i32
  }
  func.func @transform_2(%arg0: i32, %arg1: i32) -> (i32, i32, i32) {
    %c0_i32 = arith.constant 0 : i32
    %c0_i32_0 = arith.constant 0 : i32
    return %arg0, %arg1, %c0_i32 : i32, i32, i32
  }
}

module attributes {stable_mosaic.version = 14 : i64} {
  func.func @_scale_body(%arg0: i32, %arg1: i32, %arg2: memref<1x512x128xf32, #tpu.memory_space<vmem>>, %arg3: memref<2x10240xf32, #tpu.memory_space<vmem>>, %arg4: memref<1x512x128xf32, #tpu.memory_space<vmem>>) attributes {dimension_semantics = [#tpu.dimension_semantics<arbitrary>, #tpu.dimension_semantics<arbitrary>], iteration_bounds = array<i64: 2, 20>, scalar_prefetch = 0 : i64, scratch_operands = 0 : i64, tpu.core_type = #tpu.core_type<tc>, window_params = [{transform_indices = @transform_0, window_bounds = array<i64: 1, 512, 128>}, {pipeline_mode = #tpu.pipeline_mode<synchronous>, transform_indices = @transform_1, window_bounds = array<i64: 2, 10240>}, {transform_indices = @transform_2, window_bounds = array<i64: 1, 512, 128>}]} {
    %mul3A = arith.constant 512 : i32
    %mul3A_0 = arith.muli %arg1, %mul3A : i32
    %get3A = arith.constant 0 : index
    %get3A_1 = arith.index_cast %mul3A_0 : i32 to index
    %get3A_2 = vector.load %arg3[%get3A, %get3A_1] : memref<2x10240xf32, #tpu.memory_space<vmem>>, vector<2x512xf32>
    %slice3A = vector.extract_strided_slice %get3A_2 {offsets = [0, 0], sizes = [1, 512], strides = [1, 1]} : vector<2x512xf32> to vector<1x512xf32>
    %squeeze3A = vector.shape_cast %slice3A : vector<1x512xf32> to vector<512xf32>
    %slice3A_3 = vector.extract_strided_slice %get3A_2 {offsets = [1, 0], sizes = [1, 512], strides = [1, 1]} : vector<2x512xf32> to vector<1x512xf32>
    %squeeze3A_4 = vector.shape_cast %slice3A_3 : vector<1x512xf32> to vector<512xf32>
    %add3A = arith.addf %squeeze3A, %squeeze3A_4 : vector<512xf32>
    %add3A_5 = arith.constant 1.000000e+00 : f32
    %add3A_6 = vector.broadcast %add3A_5 : f32 to vector<512xf32>
    %add3A_7 = arith.addf %add3A, %add3A_6 : vector<512xf32>
    %rsqrt3A = math.rsqrt %add3A_7 : vector<512xf32>
    %get3A_8 = arith.constant 0 : index
    %get3A_9 = arith.constant 0 : index
    %get3A_10 = arith.constant 0 : index
    %get3A_11 = vector.load %arg2[%get3A_8, %get3A_9, %get3A_10] : memref<1x512x128xf32, #tpu.memory_space<vmem>>, vector<1x512x128xf32>
    %get3A_12 = vector.shape_cast %get3A_11 : vector<1x512x128xf32> to vector<512x128xf32>
    %broadcast_in_dim3A = vector.shape_cast %rsqrt3A : vector<512xf32> to vector<512x1xf32>
    %mul3A_13 = vector.broadcast %broadcast_in_dim3A : vector<512x1xf32> to vector<512x128xf32>
    %mul3A_14 = arith.mulf %get3A_12, %mul3A_13 : vector<512x128xf32>
    %swap3A = arith.constant 0 : index
    %swap3A_15 = arith.constant 0 : index
    %swap3A_16 = arith.constant 0 : index
    %swap3A_17 = vector.load %arg4[%swap3A, %swap3A_15, %swap3A_16] : memref<1x512x128xf32, #tpu.memory_space<vmem>>, vector<1x512x128xf32>
    %swap3A_18 = vector.shape_cast %swap3A_17 : vector<1x512x128xf32> to vector<512x128xf32>
    %swap3A_19 = vector.shape_cast %mul3A_14 : vector<512x128xf32> to vector<1x512x128xf32>
    tpu.vector_store %arg4[%swap3A, %swap3A_15, %swap3A_16], %swap3A_19 {strides = array<i32>} : memref<1x512x128xf32, #tpu.memory_space<vmem>>, vector<1x512x128xf32>,
    return
  }
  func.func @transform_0(%arg0: i32, %arg1: i32) -> (i32, i32, i32) {
    %c0_i32 = arith.constant 0 : i32
    %c0_i32_0 = arith.constant 0 : i32
    return %arg0, %arg1, %c0_i32 : i32, i32, i32
  }
  func.func @transform_1(%arg0: i32, %arg1: i32) -> (i32, i32) {
    %c0_i32 = arith.constant 0 : i32
    %c0_i32_0 = arith.constant 0 : i32
    %c0_i32_1 = arith.constant 0 : i32
    return %c0_i32, %c0_i32_0 : i32, i32
  }
  func.func @transform_2(%arg0: i32, %arg1: i32) -> (i32, i32, i32) {
    %c0_i32 = arith.constant 0 : i32
    %c0_i32_0 = arith.constant 0 : i32
    return %arg0, %arg1, %c0_i32 : i32, i32, i32
  }
}

module attributes {stable_mosaic.version = 14 : i64} {
  func.func @_lstm0_body(%arg0: i32, %arg1: memref<2x1024x128xf32, #tpu.memory_space<vmem>>, %arg2: memref<2x1024x128xf32, #tpu.memory_space<vmem>>, %arg3: memref<2x10240xf32, #tpu.memory_space<vmem>>, %arg4: memref<1x64xf32, #tpu.memory_space<vmem>>, %arg5: memref<64x256xf32, #tpu.memory_space<vmem>>, %arg6: memref<64x256xf32, #tpu.memory_space<vmem>>, %arg7: memref<1x256xf32, #tpu.memory_space<vmem>>, %arg8: memref<1x256xf32, #tpu.memory_space<vmem>>, %arg9: memref<4x1024x64xf32, #tpu.memory_space<vmem>>, %arg10: memref<1024x64xf32, #tpu.memory_space<vmem>>, %arg11: memref<1024x64xf32, #tpu.memory_space<vmem>>) attributes {dimension_semantics = [#tpu.dimension_semantics<arbitrary>], iteration_bounds = array<i64: 10>, scalar_prefetch = 0 : i64, scratch_operands = 0 : i64, tpu.core_type = #tpu.core_type<tc>, window_params = [{transform_indices = @transform_0, window_bounds = array<i64: 2, 1024, 128>}, {transform_indices = @transform_1, window_bounds = array<i64: 2, 1024, 128>}, {pipeline_mode = #tpu.pipeline_mode<synchronous>, transform_indices = @transform_2, window_bounds = array<i64: 2, 10240>}, {pipeline_mode = #tpu.pipeline_mode<synchronous>, transform_indices = @transform_3, window_bounds = array<i64: 1, 64>}, {pipeline_mode = #tpu.pipeline_mode<synchronous>, transform_indices = @transform_4, window_bounds = array<i64: 64, 256>}, {pipeline_mode = #tpu.pipeline_mode<synchronous>, transform_indices = @transform_5, window_bounds = array<i64: 64, 256>}, {pipeline_mode = #tpu.pipeline_mode<synchronous>, transform_indices = @transform_6, window_bounds = array<i64: 1, 256>}, {pipeline_mode = #tpu.pipeline_mode<synchronous>, transform_indices = @transform_7, window_bounds = array<i64: 1, 256>}, {transform_indices = @transform_8, window_bounds = array<i64: 4, 1024, 64>}, {transform_indices = @transform_9, window_bounds = array<i64: 1024, 64>}, {transform_indices = @transform_10, window_bounds = array<i64: 1024, 64>}]} {
    %mul3A = arith.constant 1024 : i32
    %mul3A_0 = arith.muli %arg0, %mul3A : i32
    %get3A = arith.constant 0 : index
    %get3A_1 = arith.index_cast %mul3A_0 : i32 to index
    %get3A_2 = vector.load %arg3[%get3A, %get3A_1] : memref<2x10240xf32, #tpu.memory_space<vmem>>, vector<2x1024xf32>
    %slice3A = vector.extract_strided_slice %get3A_2 {offsets = [0, 0], sizes = [1, 1024], strides = [1, 1]} : vector<2x1024xf32> to vector<1x1024xf32>
    %squeeze3A = vector.shape_cast %slice3A : vector<1x1024xf32> to vector<1024xf32>
    %slice3A_3 = vector.extract_strided_slice %get3A_2 {offsets = [1, 0], sizes = [1, 1024], strides = [1, 1]} : vector<2x1024xf32> to vector<1x1024xf32>
    %squeeze3A_4 = vector.shape_cast %slice3A_3 : vector<1x1024xf32> to vector<1024xf32>
    %add3A = arith.addf %squeeze3A, %squeeze3A_4 : vector<1024xf32>
    %add3A_5 = arith.constant 1.000000e+00 : f32
    %add3A_6 = vector.broadcast %add3A_5 : f32 to vector<1024xf32>
    %add3A_7 = arith.addf %add3A, %add3A_6 : vector<1024xf32>
    %rsqrt3A = math.rsqrt %add3A_7 : vector<1024xf32>
    %broadcast_in_dim3A = vector.shape_cast %rsqrt3A : vector<1024xf32> to vector<1024x1xf32>
    %broadcast_in_dim3A_8 = arith.constant 0.000000e+00 : f32
    %broadcast_in_dim3A_9 = vector.broadcast %broadcast_in_dim3A_8 : f32 to vector<1024x64xf32>
    %broadcast_in_dim3A_10 = arith.constant 0.000000e+00 : f32
    %broadcast_in_dim3A_11 = vector.broadcast %broadcast_in_dim3A_10 : f32 to vector<1024x64xf32>
    %get3A_12 = arith.constant 0 : index
    %get3A_13 = arith.constant 0 : index
    %get3A_14 = vector.load %arg4[%get3A_12, %get3A_13] : memref<1x64xf32, #tpu.memory_space<vmem>>, vector<1x64xf32>
    %get3A_15 = arith.constant 0 : index
    %get3A_16 = arith.constant 0 : index
    %get3A_17 = vector.load %arg5[%get3A_15, %get3A_16] : memref<64x256xf32, #tpu.memory_space<vmem>>, vector<64x256xf32>
    %get3A_18 = arith.constant 0 : index
    %get3A_19 = arith.constant 0 : index
    %get3A_20 = vector.load %arg6[%get3A_18, %get3A_19] : memref<64x256xf32, #tpu.memory_space<vmem>>, vector<64x256xf32>
    %get3A_21 = arith.constant 0 : index
    %get3A_22 = arith.constant 0 : index
    %get3A_23 = vector.load %arg7[%get3A_21, %get3A_22] : memref<1x256xf32, #tpu.memory_space<vmem>>, vector<1x256xf32>
    %get3A_24 = arith.constant 0 : index
    %get3A_25 = arith.constant 0 : index
    %get3A_26 = vector.load %arg8[%get3A_24, %get3A_25] : memref<1x256xf32, #tpu.memory_space<vmem>>, vector<1x256xf32>
    %add3A_27 = arith.addf %get3A_23, %get3A_26 : vector<1x256xf32>
    %get3A_28 = arith.constant 0 : index
    %get3A_29 = arith.constant 0 : index
    %get3A_30 = arith.constant 0 : index
    %get3A_31 = vector.load %arg1[%get3A_28, %get3A_29, %get3A_30] : memref<2x1024x128xf32, #tpu.memory_space<vmem>>, vector<1x1024x64xf32>
    %get3A_32 = vector.shape_cast %get3A_31 : vector<1x1024x64xf32> to vector<1024x64xf32>
    %get3A_33 = arith.constant 0 : index
    %get3A_34 = arith.constant 0 : index
    %get3A_35 = arith.constant 0 : index
    %get3A_36 = vector.load %arg2[%get3A_33, %get3A_34, %get3A_35] : memref<2x1024x128xf32, #tpu.memory_space<vmem>>, vector<1x1024x64xf32>
    %get3A_37 = vector.shape_cast %get3A_36 : vector<1x1024x64xf32> to vector<1024x64xf32>
    %add3A_38 = arith.addf %get3A_32, %get3A_37 : vector<1024x64xf32>
    %mul3A_39 = vector.broadcast %broadcast_in_dim3A : vector<1024x1xf32> to vector<1024x64xf32>
    %mul3A_40 = arith.mulf %mul3A_39, %add3A_38 : vector<1024x64xf32>
    %add3A_41 = vector.broadcast %get3A_14 : vector<1x64xf32> to vector<1024x64xf32>
    %add3A_42 = arith.addf %mul3A_40, %add3A_41 : vector<1024x64xf32>
    %max3A = arith.constant 0.000000e+00 : f32
    %max3A_43 = vector.broadcast %max3A : f32 to vector<1024x64xf32>
    %max3A_44 = arith.maximumf %add3A_42, %max3A_43 : vector<1024x64xf32>
    %dot_general3A = arith.constant dense<0.000000e+00> : vector<1024x256xf32>
    %dot_general3A_45 = tpu.matmul %max3A_44, %get3A_17, %dot_general3A {dimension_numbers = #tpu.dot_dimension_numbers<[1], [0], [0], [1], [0, 0, 1, 1], [], []>, transpose_lhs_hint = false} : vector<1024x64xf32>, vector<64x256xf32>, vector<1024x256xf32> -> vector<1024x256xf32>
    %dot_general3A_46 = arith.constant dense<0.000000e+00> : vector<1024x256xf32>
    %dot_general3A_47 = tpu.matmul %broadcast_in_dim3A_9, %get3A_20, %dot_general3A_46 {dimension_numbers = #tpu.dot_dimension_numbers<[1], [0], [0], [1], [0, 0, 1, 1], [], []>, transpose_lhs_hint = false} : vector<1024x64xf32>, vector<64x256xf32>, vector<1024x256xf32> -> vector<1024x256xf32>
    %add3A_48 = arith.addf %dot_general3A_45, %dot_general3A_47 : vector<1024x256xf32>
    %add3A_49 = vector.broadcast %add3A_27 : vector<1x256xf32> to vector<1024x256xf32>
    %add3A_50 = arith.addf %add3A_48, %add3A_49 : vector<1024x256xf32>
    %slice3A_51 = vector.extract_strided_slice %add3A_50 {offsets = [0, 0], sizes = [1024, 64], strides = [1, 1]} : vector<1024x256xf32> to vector<1024x64xf32>
    %logistic3A = arith.negf %slice3A_51 : vector<1024x64xf32>
    %logistic3A_52 = math.exp %logistic3A : vector<1024x64xf32>
    %logistic3A_53 = arith.constant 1.000000e+00 : f32
    %logistic3A_54 = vector.broadcast %logistic3A_53 : f32 to vector<1024x64xf32>
    %logistic3A_55 = arith.addf %logistic3A_54, %logistic3A_52 : vector<1024x64xf32>
    %logistic3A_56 = arith.divf %logistic3A_54, %logistic3A_55 : vector<1024x64xf32>
    %slice3A_57 = vector.extract_strided_slice %add3A_50 {offsets = [0, 64], sizes = [1024, 64], strides = [1, 1]} : vector<1024x256xf32> to vector<1024x64xf32>
    %logistic3A_58 = arith.negf %slice3A_57 : vector<1024x64xf32>
    %logistic3A_59 = math.exp %logistic3A_58 : vector<1024x64xf32>
    %logistic3A_60 = arith.constant 1.000000e+00 : f32
    %logistic3A_61 = vector.broadcast %logistic3A_60 : f32 to vector<1024x64xf32>
    %logistic3A_62 = arith.addf %logistic3A_61, %logistic3A_59 : vector<1024x64xf32>
    %logistic3A_63 = arith.divf %logistic3A_61, %logistic3A_62 : vector<1024x64xf32>
    %slice3A_64 = vector.extract_strided_slice %add3A_50 {offsets = [0, 128], sizes = [1024, 64], strides = [1, 1]} : vector<1024x256xf32> to vector<1024x64xf32>
    %tanh3A = math.tanh %slice3A_64 : vector<1024x64xf32>
    %slice3A_65 = vector.extract_strided_slice %add3A_50 {offsets = [0, 192], sizes = [1024, 64], strides = [1, 1]} : vector<1024x256xf32> to vector<1024x64xf32>
    %logistic3A_66 = arith.negf %slice3A_65 : vector<1024x64xf32>
    %logistic3A_67 = math.exp %logistic3A_66 : vector<1024x64xf32>
    %logistic3A_68 = arith.constant 1.000000e+00 : f32
    %logistic3A_69 = vector.broadcast %logistic3A_68 : f32 to vector<1024x64xf32>
    %logistic3A_70 = arith.addf %logistic3A_69, %logistic3A_67 : vector<1024x64xf32>
    %logistic3A_71 = arith.divf %logistic3A_69, %logistic3A_70 : vector<1024x64xf32>
    %mul3A_72 = arith.mulf %logistic3A_63, %broadcast_in_dim3A_11 : vector<1024x64xf32>
    %mul3A_73 = arith.mulf %logistic3A_56, %tanh3A : vector<1024x64xf32>
    %add3A_74 = arith.addf %mul3A_72, %mul3A_73 : vector<1024x64xf32>
    %tanh3A_75 = math.tanh %add3A_74 : vector<1024x64xf32>
    %mul3A_76 = arith.mulf %logistic3A_71, %tanh3A_75 : vector<1024x64xf32>
    %swap3A = arith.constant 0 : index
    %swap3A_77 = arith.constant 0 : index
    %swap3A_78 = arith.constant 0 : index
    %swap3A_79 = vector.load %arg9[%swap3A, %swap3A_77, %swap3A_78] : memref<4x1024x64xf32, #tpu.memory_space<vmem>>, vector<1x1024x64xf32>
    %swap3A_80 = vector.shape_cast %swap3A_79 : vector<1x1024x64xf32> to vector<1024x64xf32>
    %swap3A_81 = vector.shape_cast %mul3A_76 : vector<1024x64xf32> to vector<1x1024x64xf32>
    tpu.vector_store %arg9[%swap3A, %swap3A_77, %swap3A_78], %swap3A_81 {strides = array<i32>} : memref<4x1024x64xf32, #tpu.memory_space<vmem>>, vector<1x1024x64xf32>,
    %get3A_82 = arith.constant 0 : index
    %get3A_83 = arith.constant 0 : index
    %get3A_84 = arith.constant 64 : index
    %get3A_85 = vector.load %arg1[%get3A_82, %get3A_83, %get3A_84] : memref<2x1024x128xf32, #tpu.memory_space<vmem>>, vector<1x1024x64xf32>
    %get3A_86 = vector.shape_cast %get3A_85 : vector<1x1024x64xf32> to vector<1024x64xf32>
    %get3A_87 = arith.constant 0 : index
    %get3A_88 = arith.constant 0 : index
    %get3A_89 = arith.constant 64 : index
    %get3A_90 = vector.load %arg2[%get3A_87, %get3A_88, %get3A_89] : memref<2x1024x128xf32, #tpu.memory_space<vmem>>, vector<1x1024x64xf32>
    %get3A_91 = vector.shape_cast %get3A_90 : vector<1x1024x64xf32> to vector<1024x64xf32>
    %add3A_92 = arith.addf %get3A_86, %get3A_91 : vector<1024x64xf32>
    %mul3A_93 = vector.broadcast %broadcast_in_dim3A : vector<1024x1xf32> to vector<1024x64xf32>
    %mul3A_94 = arith.mulf %mul3A_93, %add3A_92 : vector<1024x64xf32>
    %add3A_95 = vector.broadcast %get3A_14 : vector<1x64xf32> to vector<1024x64xf32>
    %add3A_96 = arith.addf %mul3A_94, %add3A_95 : vector<1024x64xf32>
    %max3A_97 = arith.constant 0.000000e+00 : f32
    %max3A_98 = vector.broadcast %max3A_97 : f32 to vector<1024x64xf32>
    %max3A_99 = arith.maximumf %add3A_96, %max3A_98 : vector<1024x64xf32>
    %dot_general3A_100 = arith.constant dense<0.000000e+00> : vector<1024x256xf32>
    %dot_general3A_101 = tpu.matmul %max3A_99, %get3A_17, %dot_general3A_100 {dimension_numbers = #tpu.dot_dimension_numbers<[1], [0], [0], [1], [0, 0, 1, 1], [], []>, transpose_lhs_hint = false} : vector<1024x64xf32>, vector<64x256xf32>, vector<1024x256xf32> -> vector<1024x256xf32>
    %dot_general3A_102 = arith.constant dense<0.000000e+00> : vector<1024x256xf32>
    %dot_general3A_103 = tpu.matmul %mul3A_76, %get3A_20, %dot_general3A_102 {dimension_numbers = #tpu.dot_dimension_numbers<[1], [0], [0], [1], [0, 0, 1, 1], [], []>, transpose_lhs_hint = false} : vector<1024x64xf32>, vector<64x256xf32>, vector<1024x256xf32> -> vector<1024x256xf32>
    %add3A_104 = arith.addf %dot_general3A_101, %dot_general3A_103 : vector<1024x256xf32>
    %add3A_105 = vector.broadcast %add3A_27 : vector<1x256xf32> to vector<1024x256xf32>
    %add3A_106 = arith.addf %add3A_104, %add3A_105 : vector<1024x256xf32>
    %slice3A_107 = vector.extract_strided_slice %add3A_106 {offsets = [0, 0], sizes = [1024, 64], strides = [1, 1]} : vector<1024x256xf32> to vector<1024x64xf32>
    %logistic3A_108 = arith.negf %slice3A_107 : vector<1024x64xf32>
    %logistic3A_109 = math.exp %logistic3A_108 : vector<1024x64xf32>
    %logistic3A_110 = arith.constant 1.000000e+00 : f32
    %logistic3A_111 = vector.broadcast %logistic3A_110 : f32 to vector<1024x64xf32>
    %logistic3A_112 = arith.addf %logistic3A_111, %logistic3A_109 : vector<1024x64xf32>
    %logistic3A_113 = arith.divf %logistic3A_111, %logistic3A_112 : vector<1024x64xf32>
    %slice3A_114 = vector.extract_strided_slice %add3A_106 {offsets = [0, 64], sizes = [1024, 64], strides = [1, 1]} : vector<1024x256xf32> to vector<1024x64xf32>
    %logistic3A_115 = arith.negf %slice3A_114 : vector<1024x64xf32>
    %logistic3A_116 = math.exp %logistic3A_115 : vector<1024x64xf32>
    %logistic3A_117 = arith.constant 1.000000e+00 : f32
    %logistic3A_118 = vector.broadcast %logistic3A_117 : f32 to vector<1024x64xf32>
    %logistic3A_119 = arith.addf %logistic3A_118, %logistic3A_116 : vector<1024x64xf32>
    %logistic3A_120 = arith.divf %logistic3A_118, %logistic3A_119 : vector<1024x64xf32>
    %slice3A_121 = vector.extract_strided_slice %add3A_106 {offsets = [0, 128], sizes = [1024, 64], strides = [1, 1]} : vector<1024x256xf32> to vector<1024x64xf32>
    %tanh3A_122 = math.tanh %slice3A_121 : vector<1024x64xf32>
    %slice3A_123 = vector.extract_strided_slice %add3A_106 {offsets = [0, 192], sizes = [1024, 64], strides = [1, 1]} : vector<1024x256xf32> to vector<1024x64xf32>
    %logistic3A_124 = arith.negf %slice3A_123 : vector<1024x64xf32>
    %logistic3A_125 = math.exp %logistic3A_124 : vector<1024x64xf32>
    %logistic3A_126 = arith.constant 1.000000e+00 : f32
    %logistic3A_127 = vector.broadcast %logistic3A_126 : f32 to vector<1024x64xf32>
    %logistic3A_128 = arith.addf %logistic3A_127, %logistic3A_125 : vector<1024x64xf32>
    %logistic3A_129 = arith.divf %logistic3A_127, %logistic3A_128 : vector<1024x64xf32>
    %mul3A_130 = arith.mulf %logistic3A_120, %add3A_74 : vector<1024x64xf32>
    %mul3A_131 = arith.mulf %logistic3A_113, %tanh3A_122 : vector<1024x64xf32>
    %add3A_132 = arith.addf %mul3A_130, %mul3A_131 : vector<1024x64xf32>
    %tanh3A_133 = math.tanh %add3A_132 : vector<1024x64xf32>
    %mul3A_134 = arith.mulf %logistic3A_129, %tanh3A_133 : vector<1024x64xf32>
    %swap3A_135 = arith.constant 1 : index
    %swap3A_136 = arith.constant 0 : index
    %swap3A_137 = arith.constant 0 : index
    %swap3A_138 = vector.load %arg9[%swap3A_135, %swap3A_136, %swap3A_137] : memref<4x1024x64xf32, #tpu.memory_space<vmem>>, vector<1x1024x64xf32>
    %swap3A_139 = vector.shape_cast %swap3A_138 : vector<1x1024x64xf32> to vector<1024x64xf32>
    %swap3A_140 = vector.shape_cast %mul3A_134 : vector<1024x64xf32> to vector<1x1024x64xf32>
    tpu.vector_store %arg9[%swap3A_135, %swap3A_136, %swap3A_137], %swap3A_140 {strides = array<i32>} : memref<4x1024x64xf32, #tpu.memory_space<vmem>>, vector<1x1024x64xf32>,
    %get3A_141 = arith.constant 1 : index
    %get3A_142 = arith.constant 0 : index
    %get3A_143 = arith.constant 0 : index
    %get3A_144 = vector.load %arg1[%get3A_141, %get3A_142, %get3A_143] : memref<2x1024x128xf32, #tpu.memory_space<vmem>>, vector<1x1024x64xf32>
    %get3A_145 = vector.shape_cast %get3A_144 : vector<1x1024x64xf32> to vector<1024x64xf32>
    %get3A_146 = arith.constant 1 : index
    %get3A_147 = arith.constant 0 : index
    %get3A_148 = arith.constant 0 : index
    %get3A_149 = vector.load %arg2[%get3A_146, %get3A_147, %get3A_148] : memref<2x1024x128xf32, #tpu.memory_space<vmem>>, vector<1x1024x64xf32>
    %get3A_150 = vector.shape_cast %get3A_149 : vector<1x1024x64xf32> to vector<1024x64xf32>
    %add3A_151 = arith.addf %get3A_145, %get3A_150 : vector<1024x64xf32>
    %mul3A_152 = vector.broadcast %broadcast_in_dim3A : vector<1024x1xf32> to vector<1024x64xf32>
    %mul3A_153 = arith.mulf %mul3A_152, %add3A_151 : vector<1024x64xf32>
    %add3A_154 = vector.broadcast %get3A_14 : vector<1x64xf32> to vector<1024x64xf32>
    %add3A_155 = arith.addf %mul3A_153, %add3A_154 : vector<1024x64xf32>
    %max3A_156 = arith.constant 0.000000e+00 : f32
    %max3A_157 = vector.broadcast %max3A_156 : f32 to vector<1024x64xf32>
    %max3A_158 = arith.maximumf %add3A_155, %max3A_157 : vector<1024x64xf32>
    %dot_general3A_159 = arith.constant dense<0.000000e+00> : vector<1024x256xf32>
    %dot_general3A_160 = tpu.matmul %max3A_158, %get3A_17, %dot_general3A_159 {dimension_numbers = #tpu.dot_dimension_numbers<[1], [0], [0], [1], [0, 0, 1, 1], [], []>, transpose_lhs_hint = false} : vector<1024x64xf32>, vector<64x256xf32>, vector<1024x256xf32> -> vector<1024x256xf32>
    %dot_general3A_161 = arith.constant dense<0.000000e+00> : vector<1024x256xf32>
    %dot_general3A_162 = tpu.matmul %mul3A_134, %get3A_20, %dot_general3A_161 {dimension_numbers = #tpu.dot_dimension_numbers<[1], [0], [0], [1], [0, 0, 1, 1], [], []>, transpose_lhs_hint = false} : vector<1024x64xf32>, vector<64x256xf32>, vector<1024x256xf32> -> vector<1024x256xf32>
    %add3A_163 = arith.addf %dot_general3A_160, %dot_general3A_162 : vector<1024x256xf32>
    %add3A_164 = vector.broadcast %add3A_27 : vector<1x256xf32> to vector<1024x256xf32>
    %add3A_165 = arith.addf %add3A_163, %add3A_164 : vector<1024x256xf32>
    %slice3A_166 = vector.extract_strided_slice %add3A_165 {offsets = [0, 0], sizes = [1024, 64], strides = [1, 1]} : vector<1024x256xf32> to vector<1024x64xf32>
    %logistic3A_167 = arith.negf %slice3A_166 : vector<1024x64xf32>
    %logistic3A_168 = math.exp %logistic3A_167 : vector<1024x64xf32>
    %logistic3A_169 = arith.constant 1.000000e+00 : f32
    %logistic3A_170 = vector.broadcast %logistic3A_169 : f32 to vector<1024x64xf32>
    %logistic3A_171 = arith.addf %logistic3A_170, %logistic3A_168 : vector<1024x64xf32>
    %logistic3A_172 = arith.divf %logistic3A_170, %logistic3A_171 : vector<1024x64xf32>
    %slice3A_173 = vector.extract_strided_slice %add3A_165 {offsets = [0, 64], sizes = [1024, 64], strides = [1, 1]} : vector<1024x256xf32> to vector<1024x64xf32>
    %logistic3A_174 = arith.negf %slice3A_173 : vector<1024x64xf32>
    %logistic3A_175 = math.exp %logistic3A_174 : vector<1024x64xf32>
    %logistic3A_176 = arith.constant 1.000000e+00 : f32
    %logistic3A_177 = vector.broadcast %logistic3A_176 : f32 to vector<1024x64xf32>
    %logistic3A_178 = arith.addf %logistic3A_177, %logistic3A_175 : vector<1024x64xf32>
    %logistic3A_179 = arith.divf %logistic3A_177, %logistic3A_178 : vector<1024x64xf32>
    %slice3A_180 = vector.extract_strided_slice %add3A_165 {offsets = [0, 128], sizes = [1024, 64], strides = [1, 1]} : vector<1024x256xf32> to vector<1024x64xf32>
    %tanh3A_181 = math.tanh %slice3A_180 : vector<1024x64xf32>
    %slice3A_182 = vector.extract_strided_slice %add3A_165 {offsets = [0, 192], sizes = [1024, 64], strides = [1, 1]} : vector<1024x256xf32> to vector<1024x64xf32>
    %logistic3A_183 = arith.negf %slice3A_182 : vector<1024x64xf32>
    %logistic3A_184 = math.exp %logistic3A_183 : vector<1024x64xf32>
    %logistic3A_185 = arith.constant 1.000000e+00 : f32
    %logistic3A_186 = vector.broadcast %logistic3A_185 : f32 to vector<1024x64xf32>
    %logistic3A_187 = arith.addf %logistic3A_186, %logistic3A_184 : vector<1024x64xf32>
    %logistic3A_188 = arith.divf %logistic3A_186, %logistic3A_187 : vector<1024x64xf32>
    %mul3A_189 = arith.mulf %logistic3A_179, %add3A_132 : vector<1024x64xf32>
    %mul3A_190 = arith.mulf %logistic3A_172, %tanh3A_181 : vector<1024x64xf32>
    %add3A_191 = arith.addf %mul3A_189, %mul3A_190 : vector<1024x64xf32>
    %tanh3A_192 = math.tanh %add3A_191 : vector<1024x64xf32>
    %mul3A_193 = arith.mulf %logistic3A_188, %tanh3A_192 : vector<1024x64xf32>
    %swap3A_194 = arith.constant 2 : index
    %swap3A_195 = arith.constant 0 : index
    %swap3A_196 = arith.constant 0 : index
    %swap3A_197 = vector.load %arg9[%swap3A_194, %swap3A_195, %swap3A_196] : memref<4x1024x64xf32, #tpu.memory_space<vmem>>, vector<1x1024x64xf32>
    %swap3A_198 = vector.shape_cast %swap3A_197 : vector<1x1024x64xf32> to vector<1024x64xf32>
    %swap3A_199 = vector.shape_cast %mul3A_193 : vector<1024x64xf32> to vector<1x1024x64xf32>
    tpu.vector_store %arg9[%swap3A_194, %swap3A_195, %swap3A_196], %swap3A_199 {strides = array<i32>} : memref<4x1024x64xf32, #tpu.memory_space<vmem>>, vector<1x1024x64xf32>,
    %get3A_200 = arith.constant 1 : index
    %get3A_201 = arith.constant 0 : index
    %get3A_202 = arith.constant 64 : index
    %get3A_203 = vector.load %arg1[%get3A_200, %get3A_201, %get3A_202] : memref<2x1024x128xf32, #tpu.memory_space<vmem>>, vector<1x1024x64xf32>
    %get3A_204 = vector.shape_cast %get3A_203 : vector<1x1024x64xf32> to vector<1024x64xf32>
    %get3A_205 = arith.constant 1 : index
    %get3A_206 = arith.constant 0 : index
    %get3A_207 = arith.constant 64 : index
    %get3A_208 = vector.load %arg2[%get3A_205, %get3A_206, %get3A_207] : memref<2x1024x128xf32, #tpu.memory_space<vmem>>, vector<1x1024x64xf32>
    %get3A_209 = vector.shape_cast %get3A_208 : vector<1x1024x64xf32> to vector<1024x64xf32>
    %add3A_210 = arith.addf %get3A_204, %get3A_209 : vector<1024x64xf32>
    %mul3A_211 = vector.broadcast %broadcast_in_dim3A : vector<1024x1xf32> to vector<1024x64xf32>
    %mul3A_212 = arith.mulf %mul3A_211, %add3A_210 : vector<1024x64xf32>
    %add3A_213 = vector.broadcast %get3A_14 : vector<1x64xf32> to vector<1024x64xf32>
    %add3A_214 = arith.addf %mul3A_212, %add3A_213 : vector<1024x64xf32>
    %max3A_215 = arith.constant 0.000000e+00 : f32
    %max3A_216 = vector.broadcast %max3A_215 : f32 to vector<1024x64xf32>
    %max3A_217 = arith.maximumf %add3A_214, %max3A_216 : vector<1024x64xf32>
    %dot_general3A_218 = arith.constant dense<0.000000e+00> : vector<1024x256xf32>
    %dot_general3A_219 = tpu.matmul %max3A_217, %get3A_17, %dot_general3A_218 {dimension_numbers = #tpu.dot_dimension_numbers<[1], [0], [0], [1], [0, 0, 1, 1], [], []>, transpose_lhs_hint = false} : vector<1024x64xf32>, vector<64x256xf32>, vector<1024x256xf32> -> vector<1024x256xf32>
    %dot_general3A_220 = arith.constant dense<0.000000e+00> : vector<1024x256xf32>
    %dot_general3A_221 = tpu.matmul %mul3A_193, %get3A_20, %dot_general3A_220 {dimension_numbers = #tpu.dot_dimension_numbers<[1], [0], [0], [1], [0, 0, 1, 1], [], []>, transpose_lhs_hint = false} : vector<1024x64xf32>, vector<64x256xf32>, vector<1024x256xf32> -> vector<1024x256xf32>
    %add3A_222 = arith.addf %dot_general3A_219, %dot_general3A_221 : vector<1024x256xf32>
    %add3A_223 = vector.broadcast %add3A_27 : vector<1x256xf32> to vector<1024x256xf32>
    %add3A_224 = arith.addf %add3A_222, %add3A_223 : vector<1024x256xf32>
    %slice3A_225 = vector.extract_strided_slice %add3A_224 {offsets = [0, 0], sizes = [1024, 64], strides = [1, 1]} : vector<1024x256xf32> to vector<1024x64xf32>
    %logistic3A_226 = arith.negf %slice3A_225 : vector<1024x64xf32>
    %logistic3A_227 = math.exp %logistic3A_226 : vector<1024x64xf32>
    %logistic3A_228 = arith.constant 1.000000e+00 : f32
    %logistic3A_229 = vector.broadcast %logistic3A_228 : f32 to vector<1024x64xf32>
    %logistic3A_230 = arith.addf %logistic3A_229, %logistic3A_227 : vector<1024x64xf32>
    %logistic3A_231 = arith.divf %logistic3A_229, %logistic3A_230 : vector<1024x64xf32>
    %slice3A_232 = vector.extract_strided_slice %add3A_224 {offsets = [0, 64], sizes = [1024, 64], strides = [1, 1]} : vector<1024x256xf32> to vector<1024x64xf32>
    %logistic3A_233 = arith.negf %slice3A_232 : vector<1024x64xf32>
    %logistic3A_234 = math.exp %logistic3A_233 : vector<1024x64xf32>
    %logistic3A_235 = arith.constant 1.000000e+00 : f32
    %logistic3A_236 = vector.broadcast %logistic3A_235 : f32 to vector<1024x64xf32>
    %logistic3A_237 = arith.addf %logistic3A_236, %logistic3A_234 : vector<1024x64xf32>
    %logistic3A_238 = arith.divf %logistic3A_236, %logistic3A_237 : vector<1024x64xf32>
    %slice3A_239 = vector.extract_strided_slice %add3A_224 {offsets = [0, 128], sizes = [1024, 64], strides = [1, 1]} : vector<1024x256xf32> to vector<1024x64xf32>
    %tanh3A_240 = math.tanh %slice3A_239 : vector<1024x64xf32>
    %slice3A_241 = vector.extract_strided_slice %add3A_224 {offsets = [0, 192], sizes = [1024, 64], strides = [1, 1]} : vector<1024x256xf32> to vector<1024x64xf32>
    %logistic3A_242 = arith.negf %slice3A_241 : vector<1024x64xf32>
    %logistic3A_243 = math.exp %logistic3A_242 : vector<1024x64xf32>
    %logistic3A_244 = arith.constant 1.000000e+00 : f32
    %logistic3A_245 = vector.broadcast %logistic3A_244 : f32 to vector<1024x64xf32>
    %logistic3A_246 = arith.addf %logistic3A_245, %logistic3A_243 : vector<1024x64xf32>
    %logistic3A_247 = arith.divf %logistic3A_245, %logistic3A_246 : vector<1024x64xf32>
    %mul3A_248 = arith.mulf %logistic3A_238, %add3A_191 : vector<1024x64xf32>
    %mul3A_249 = arith.mulf %logistic3A_231, %tanh3A_240 : vector<1024x64xf32>
    %add3A_250 = arith.addf %mul3A_248, %mul3A_249 : vector<1024x64xf32>
    %tanh3A_251 = math.tanh %add3A_250 : vector<1024x64xf32>
    %mul3A_252 = arith.mulf %logistic3A_247, %tanh3A_251 : vector<1024x64xf32>
    %swap3A_253 = arith.constant 3 : index
    %swap3A_254 = arith.constant 0 : index
    %swap3A_255 = arith.constant 0 : index
    %swap3A_256 = vector.load %arg9[%swap3A_253, %swap3A_254, %swap3A_255] : memref<4x1024x64xf32, #tpu.memory_space<vmem>>, vector<1x1024x64xf32>
    %swap3A_257 = vector.shape_cast %swap3A_256 : vector<1x1024x64xf32> to vector<1024x64xf32>
    %swap3A_258 = vector.shape_cast %mul3A_252 : vector<1024x64xf32> to vector<1x1024x64xf32>
    tpu.vector_store %arg9[%swap3A_253, %swap3A_254, %swap3A_255], %swap3A_258 {strides = array<i32>} : memref<4x1024x64xf32, #tpu.memory_space<vmem>>, vector<1x1024x64xf32>,
    %swap3A_259 = arith.constant 0 : index
    %swap3A_260 = arith.constant 0 : index
    %swap3A_261 = vector.load %arg10[%swap3A_259, %swap3A_260] : memref<1024x64xf32, #tpu.memory_space<vmem>>, vector<1024x64xf32>
    tpu.vector_store %arg10[%swap3A_259, %swap3A_260], %mul3A_252 {strides = array<i32>} : memref<1024x64xf32, #tpu.memory_space<vmem>>, vector<1024x64xf32>,
    %swap3A_262 = arith.constant 0 : index
    %swap3A_263 = arith.constant 0 : index
    %swap3A_264 = vector.load %arg11[%swap3A_262, %swap3A_263] : memref<1024x64xf32, #tpu.memory_space<vmem>>, vector<1024x64xf32>
    tpu.vector_store %arg11[%swap3A_262, %swap3A_263], %add3A_250 {strides = array<i32>} : memref<1024x64xf32, #tpu.memory_space<vmem>>, vector<1024x64xf32>,
    return
  }
  func.func @transform_0(%arg0: i32) -> (i32, i32, i32) {
    %c0_i32 = arith.constant 0 : i32
    %c0_i32_0 = arith.constant 0 : i32
    %c0_i32_1 = arith.constant 0 : i32
    return %c0_i32, %arg0, %c0_i32_0 : i32, i32, i32
  }
  func.func @transform_1(%arg0: i32) -> (i32, i32, i32) {
    %c0_i32 = arith.constant 0 : i32
    %c0_i32_0 = arith.constant 0 : i32
    %c0_i32_1 = arith.constant 0 : i32
    return %c0_i32, %arg0, %c0_i32_0 : i32, i32, i32
  }
  func.func @transform_2(%arg0: i32) -> (i32, i32) {
    %c0_i32 = arith.constant 0 : i32
    %c0_i32_0 = arith.constant 0 : i32
    %c0_i32_1 = arith.constant 0 : i32
    return %c0_i32, %c0_i32_0 : i32, i32
  }
  func.func @transform_3(%arg0: i32) -> (i32, i32) {
    %c0_i32 = arith.constant 0 : i32
    %c0_i32_0 = arith.constant 0 : i32
    %c0_i32_1 = arith.constant 0 : i32
    return %c0_i32, %c0_i32_0 : i32, i32
  }
  func.func @transform_4(%arg0: i32) -> (i32, i32) {
    %c0_i32 = arith.constant 0 : i32
    %c0_i32_0 = arith.constant 0 : i32
    %c0_i32_1 = arith.constant 0 : i32
    return %c0_i32, %c0_i32_0 : i32, i32
  }
  func.func @transform_5(%arg0: i32) -> (i32, i32) {
    %c0_i32 = arith.constant 0 : i32
    %c0_i32_0 = arith.constant 0 : i32
    %c0_i32_1 = arith.constant 0 : i32
    return %c0_i32, %c0_i32_0 : i32, i32
  }
  func.func @transform_6(%arg0: i32) -> (i32, i32) {
    %c0_i32 = arith.constant 0 : i32
    %c0_i32_0 = arith.constant 0 : i32
    %c0_i32_1 = arith.constant 0 : i32
    return %c0_i32, %c0_i32_0 : i32, i32
  }
  func.func @transform_7(%arg0: i32) -> (i32, i32) {
    %c0_i32 = arith.constant 0 : i32
    %c0_i32_0 = arith.constant 0 : i32
    %c0_i32_1 = arith.constant 0 : i32
    return %c0_i32, %c0_i32_0 : i32, i32
  }
  func.func @transform_8(%arg0: i32) -> (i32, i32, i32) {
    %c0_i32 = arith.constant 0 : i32
    %c0_i32_0 = arith.constant 0 : i32
    %c0_i32_1 = arith.constant 0 : i32
    return %c0_i32, %arg0, %c0_i32_0 : i32, i32, i32
  }
  func.func @transform_9(%arg0: i32) -> (i32, i32) {
    %c0_i32 = arith.constant 0 : i32
    %c0_i32_0 = arith.constant 0 : i32
    return %arg0, %c0_i32 : i32, i32
  }
  func.func @transform_10(%arg0: i32) -> (i32, i32) {
    %c0_i32 = arith.constant 0 : i32
    %c0_i32_0 = arith.constant 0 : i32
    return %arg0, %c0_i32 : i32, i32
  }
}

module attributes {stable_mosaic.version = 14 : i64} {
  func.func @_lstm1_body(%arg0: i32, %arg1: memref<2x1024x128xf32, #tpu.memory_space<vmem>>, %arg2: memref<2x1024x128xf32, #tpu.memory_space<vmem>>, %arg3: memref<2x10240xf32, #tpu.memory_space<vmem>>, %arg4: memref<1x64xf32, #tpu.memory_space<vmem>>, %arg5: memref<64x256xf32, #tpu.memory_space<vmem>>, %arg6: memref<64x256xf32, #tpu.memory_space<vmem>>, %arg7: memref<1x256xf32, #tpu.memory_space<vmem>>, %arg8: memref<1x256xf32, #tpu.memory_space<vmem>>, %arg9: memref<1024x64xf32, #tpu.memory_space<vmem>>, %arg10: memref<1024x64xf32, #tpu.memory_space<vmem>>, %arg11: memref<4x1024x64xf32, #tpu.memory_space<vmem>>) attributes {dimension_semantics = [#tpu.dimension_semantics<arbitrary>], iteration_bounds = array<i64: 10>, scalar_prefetch = 0 : i64, scratch_operands = 0 : i64, tpu.core_type = #tpu.core_type<tc>, window_params = [{transform_indices = @transform_0, window_bounds = array<i64: 2, 1024, 128>}, {transform_indices = @transform_1, window_bounds = array<i64: 2, 1024, 128>}, {pipeline_mode = #tpu.pipeline_mode<synchronous>, transform_indices = @transform_2, window_bounds = array<i64: 2, 10240>}, {pipeline_mode = #tpu.pipeline_mode<synchronous>, transform_indices = @transform_3, window_bounds = array<i64: 1, 64>}, {pipeline_mode = #tpu.pipeline_mode<synchronous>, transform_indices = @transform_4, window_bounds = array<i64: 64, 256>}, {pipeline_mode = #tpu.pipeline_mode<synchronous>, transform_indices = @transform_5, window_bounds = array<i64: 64, 256>}, {pipeline_mode = #tpu.pipeline_mode<synchronous>, transform_indices = @transform_6, window_bounds = array<i64: 1, 256>}, {pipeline_mode = #tpu.pipeline_mode<synchronous>, transform_indices = @transform_7, window_bounds = array<i64: 1, 256>}, {transform_indices = @transform_8, window_bounds = array<i64: 1024, 64>}, {transform_indices = @transform_9, window_bounds = array<i64: 1024, 64>}, {transform_indices = @transform_10, window_bounds = array<i64: 4, 1024, 64>}]} {
    %mul3A = arith.constant 1024 : i32
    %mul3A_0 = arith.muli %arg0, %mul3A : i32
    %get3A = arith.constant 0 : index
    %get3A_1 = arith.index_cast %mul3A_0 : i32 to index
    %get3A_2 = vector.load %arg3[%get3A, %get3A_1] : memref<2x10240xf32, #tpu.memory_space<vmem>>, vector<2x1024xf32>
    %slice3A = vector.extract_strided_slice %get3A_2 {offsets = [0, 0], sizes = [1, 1024], strides = [1, 1]} : vector<2x1024xf32> to vector<1x1024xf32>
    %squeeze3A = vector.shape_cast %slice3A : vector<1x1024xf32> to vector<1024xf32>
    %slice3A_3 = vector.extract_strided_slice %get3A_2 {offsets = [1, 0], sizes = [1, 1024], strides = [1, 1]} : vector<2x1024xf32> to vector<1x1024xf32>
    %squeeze3A_4 = vector.shape_cast %slice3A_3 : vector<1x1024xf32> to vector<1024xf32>
    %add3A = arith.addf %squeeze3A, %squeeze3A_4 : vector<1024xf32>
    %add3A_5 = arith.constant 1.000000e+00 : f32
    %add3A_6 = vector.broadcast %add3A_5 : f32 to vector<1024xf32>
    %add3A_7 = arith.addf %add3A, %add3A_6 : vector<1024xf32>
    %rsqrt3A = math.rsqrt %add3A_7 : vector<1024xf32>
    %broadcast_in_dim3A = vector.shape_cast %rsqrt3A : vector<1024xf32> to vector<1024x1xf32>
    %get3A_8 = arith.constant 0 : index
    %get3A_9 = arith.constant 0 : index
    %get3A_10 = vector.load %arg4[%get3A_8, %get3A_9] : memref<1x64xf32, #tpu.memory_space<vmem>>, vector<1x64xf32>
    %get3A_11 = arith.constant 0 : index
    %get3A_12 = arith.constant 0 : index
    %get3A_13 = vector.load %arg5[%get3A_11, %get3A_12] : memref<64x256xf32, #tpu.memory_space<vmem>>, vector<64x256xf32>
    %get3A_14 = arith.constant 0 : index
    %get3A_15 = arith.constant 0 : index
    %get3A_16 = vector.load %arg6[%get3A_14, %get3A_15] : memref<64x256xf32, #tpu.memory_space<vmem>>, vector<64x256xf32>
    %get3A_17 = arith.constant 0 : index
    %get3A_18 = arith.constant 0 : index
    %get3A_19 = vector.load %arg7[%get3A_17, %get3A_18] : memref<1x256xf32, #tpu.memory_space<vmem>>, vector<1x256xf32>
    %get3A_20 = arith.constant 0 : index
    %get3A_21 = arith.constant 0 : index
    %get3A_22 = vector.load %arg8[%get3A_20, %get3A_21] : memref<1x256xf32, #tpu.memory_space<vmem>>, vector<1x256xf32>
    %add3A_23 = arith.addf %get3A_19, %get3A_22 : vector<1x256xf32>
    %get3A_24 = arith.constant 0 : index
    %get3A_25 = arith.constant 0 : index
    %get3A_26 = vector.load %arg9[%get3A_24, %get3A_25] : memref<1024x64xf32, #tpu.memory_space<vmem>>, vector<1024x64xf32>
    %get3A_27 = arith.constant 0 : index
    %get3A_28 = arith.constant 0 : index
    %get3A_29 = vector.load %arg10[%get3A_27, %get3A_28] : memref<1024x64xf32, #tpu.memory_space<vmem>>, vector<1024x64xf32>
    %get3A_30 = arith.constant 0 : index
    %get3A_31 = arith.constant 0 : index
    %get3A_32 = arith.constant 0 : index
    %get3A_33 = vector.load %arg1[%get3A_30, %get3A_31, %get3A_32] : memref<2x1024x128xf32, #tpu.memory_space<vmem>>, vector<1x1024x64xf32>
    %get3A_34 = vector.shape_cast %get3A_33 : vector<1x1024x64xf32> to vector<1024x64xf32>
    %get3A_35 = arith.constant 0 : index
    %get3A_36 = arith.constant 0 : index
    %get3A_37 = arith.constant 0 : index
    %get3A_38 = vector.load %arg2[%get3A_35, %get3A_36, %get3A_37] : memref<2x1024x128xf32, #tpu.memory_space<vmem>>, vector<1x1024x64xf32>
    %get3A_39 = vector.shape_cast %get3A_38 : vector<1x1024x64xf32> to vector<1024x64xf32>
    %add3A_40 = arith.addf %get3A_34, %get3A_39 : vector<1024x64xf32>
    %mul3A_41 = vector.broadcast %broadcast_in_dim3A : vector<1024x1xf32> to vector<1024x64xf32>
    %mul3A_42 = arith.mulf %mul3A_41, %add3A_40 : vector<1024x64xf32>
    %add3A_43 = vector.broadcast %get3A_10 : vector<1x64xf32> to vector<1024x64xf32>
    %add3A_44 = arith.addf %mul3A_42, %add3A_43 : vector<1024x64xf32>
    %max3A = arith.constant 0.000000e+00 : f32
    %max3A_45 = vector.broadcast %max3A : f32 to vector<1024x64xf32>
    %max3A_46 = arith.maximumf %add3A_44, %max3A_45 : vector<1024x64xf32>
    %dot_general3A = arith.constant dense<0.000000e+00> : vector<1024x256xf32>
    %dot_general3A_47 = tpu.matmul %max3A_46, %get3A_13, %dot_general3A {dimension_numbers = #tpu.dot_dimension_numbers<[1], [0], [0], [1], [0, 0, 1, 1], [], []>, transpose_lhs_hint = false} : vector<1024x64xf32>, vector<64x256xf32>, vector<1024x256xf32> -> vector<1024x256xf32>
    %dot_general3A_48 = arith.constant dense<0.000000e+00> : vector<1024x256xf32>
    %dot_general3A_49 = tpu.matmul %get3A_26, %get3A_16, %dot_general3A_48 {dimension_numbers = #tpu.dot_dimension_numbers<[1], [0], [0], [1], [0, 0, 1, 1], [], []>, transpose_lhs_hint = false} : vector<1024x64xf32>, vector<64x256xf32>, vector<1024x256xf32> -> vector<1024x256xf32>
    %add3A_50 = arith.addf %dot_general3A_47, %dot_general3A_49 : vector<1024x256xf32>
    %add3A_51 = vector.broadcast %add3A_23 : vector<1x256xf32> to vector<1024x256xf32>
    %add3A_52 = arith.addf %add3A_50, %add3A_51 : vector<1024x256xf32>
    %slice3A_53 = vector.extract_strided_slice %add3A_52 {offsets = [0, 0], sizes = [1024, 64], strides = [1, 1]} : vector<1024x256xf32> to vector<1024x64xf32>
    %logistic3A = arith.negf %slice3A_53 : vector<1024x64xf32>
    %logistic3A_54 = math.exp %logistic3A : vector<1024x64xf32>
    %logistic3A_55 = arith.constant 1.000000e+00 : f32
    %logistic3A_56 = vector.broadcast %logistic3A_55 : f32 to vector<1024x64xf32>
    %logistic3A_57 = arith.addf %logistic3A_56, %logistic3A_54 : vector<1024x64xf32>
    %logistic3A_58 = arith.divf %logistic3A_56, %logistic3A_57 : vector<1024x64xf32>
    %slice3A_59 = vector.extract_strided_slice %add3A_52 {offsets = [0, 64], sizes = [1024, 64], strides = [1, 1]} : vector<1024x256xf32> to vector<1024x64xf32>
    %logistic3A_60 = arith.negf %slice3A_59 : vector<1024x64xf32>
    %logistic3A_61 = math.exp %logistic3A_60 : vector<1024x64xf32>
    %logistic3A_62 = arith.constant 1.000000e+00 : f32
    %logistic3A_63 = vector.broadcast %logistic3A_62 : f32 to vector<1024x64xf32>
    %logistic3A_64 = arith.addf %logistic3A_63, %logistic3A_61 : vector<1024x64xf32>
    %logistic3A_65 = arith.divf %logistic3A_63, %logistic3A_64 : vector<1024x64xf32>
    %slice3A_66 = vector.extract_strided_slice %add3A_52 {offsets = [0, 128], sizes = [1024, 64], strides = [1, 1]} : vector<1024x256xf32> to vector<1024x64xf32>
    %tanh3A = math.tanh %slice3A_66 : vector<1024x64xf32>
    %slice3A_67 = vector.extract_strided_slice %add3A_52 {offsets = [0, 192], sizes = [1024, 64], strides = [1, 1]} : vector<1024x256xf32> to vector<1024x64xf32>
    %logistic3A_68 = arith.negf %slice3A_67 : vector<1024x64xf32>
    %logistic3A_69 = math.exp %logistic3A_68 : vector<1024x64xf32>
    %logistic3A_70 = arith.constant 1.000000e+00 : f32
    %logistic3A_71 = vector.broadcast %logistic3A_70 : f32 to vector<1024x64xf32>
    %logistic3A_72 = arith.addf %logistic3A_71, %logistic3A_69 : vector<1024x64xf32>
    %logistic3A_73 = arith.divf %logistic3A_71, %logistic3A_72 : vector<1024x64xf32>
    %mul3A_74 = arith.mulf %logistic3A_65, %get3A_29 : vector<1024x64xf32>
    %mul3A_75 = arith.mulf %logistic3A_58, %tanh3A : vector<1024x64xf32>
    %add3A_76 = arith.addf %mul3A_74, %mul3A_75 : vector<1024x64xf32>
    %tanh3A_77 = math.tanh %add3A_76 : vector<1024x64xf32>
    %mul3A_78 = arith.mulf %logistic3A_73, %tanh3A_77 : vector<1024x64xf32>
    %swap3A = arith.constant 0 : index
    %swap3A_79 = arith.constant 0 : index
    %swap3A_80 = arith.constant 0 : index
    %swap3A_81 = vector.load %arg11[%swap3A, %swap3A_79, %swap3A_80] : memref<4x1024x64xf32, #tpu.memory_space<vmem>>, vector<1x1024x64xf32>
    %swap3A_82 = vector.shape_cast %swap3A_81 : vector<1x1024x64xf32> to vector<1024x64xf32>
    %swap3A_83 = vector.shape_cast %mul3A_78 : vector<1024x64xf32> to vector<1x1024x64xf32>
    tpu.vector_store %arg11[%swap3A, %swap3A_79, %swap3A_80], %swap3A_83 {strides = array<i32>} : memref<4x1024x64xf32, #tpu.memory_space<vmem>>, vector<1x1024x64xf32>,
    %get3A_84 = arith.constant 0 : index
    %get3A_85 = arith.constant 0 : index
    %get3A_86 = arith.constant 64 : index
    %get3A_87 = vector.load %arg1[%get3A_84, %get3A_85, %get3A_86] : memref<2x1024x128xf32, #tpu.memory_space<vmem>>, vector<1x1024x64xf32>
    %get3A_88 = vector.shape_cast %get3A_87 : vector<1x1024x64xf32> to vector<1024x64xf32>
    %get3A_89 = arith.constant 0 : index
    %get3A_90 = arith.constant 0 : index
    %get3A_91 = arith.constant 64 : index
    %get3A_92 = vector.load %arg2[%get3A_89, %get3A_90, %get3A_91] : memref<2x1024x128xf32, #tpu.memory_space<vmem>>, vector<1x1024x64xf32>
    %get3A_93 = vector.shape_cast %get3A_92 : vector<1x1024x64xf32> to vector<1024x64xf32>
    %add3A_94 = arith.addf %get3A_88, %get3A_93 : vector<1024x64xf32>
    %mul3A_95 = vector.broadcast %broadcast_in_dim3A : vector<1024x1xf32> to vector<1024x64xf32>
    %mul3A_96 = arith.mulf %mul3A_95, %add3A_94 : vector<1024x64xf32>
    %add3A_97 = vector.broadcast %get3A_10 : vector<1x64xf32> to vector<1024x64xf32>
    %add3A_98 = arith.addf %mul3A_96, %add3A_97 : vector<1024x64xf32>
    %max3A_99 = arith.constant 0.000000e+00 : f32
    %max3A_100 = vector.broadcast %max3A_99 : f32 to vector<1024x64xf32>
    %max3A_101 = arith.maximumf %add3A_98, %max3A_100 : vector<1024x64xf32>
    %dot_general3A_102 = arith.constant dense<0.000000e+00> : vector<1024x256xf32>
    %dot_general3A_103 = tpu.matmul %max3A_101, %get3A_13, %dot_general3A_102 {dimension_numbers = #tpu.dot_dimension_numbers<[1], [0], [0], [1], [0, 0, 1, 1], [], []>, transpose_lhs_hint = false} : vector<1024x64xf32>, vector<64x256xf32>, vector<1024x256xf32> -> vector<1024x256xf32>
    %dot_general3A_104 = arith.constant dense<0.000000e+00> : vector<1024x256xf32>
    %dot_general3A_105 = tpu.matmul %mul3A_78, %get3A_16, %dot_general3A_104 {dimension_numbers = #tpu.dot_dimension_numbers<[1], [0], [0], [1], [0, 0, 1, 1], [], []>, transpose_lhs_hint = false} : vector<1024x64xf32>, vector<64x256xf32>, vector<1024x256xf32> -> vector<1024x256xf32>
    %add3A_106 = arith.addf %dot_general3A_103, %dot_general3A_105 : vector<1024x256xf32>
    %add3A_107 = vector.broadcast %add3A_23 : vector<1x256xf32> to vector<1024x256xf32>
    %add3A_108 = arith.addf %add3A_106, %add3A_107 : vector<1024x256xf32>
    %slice3A_109 = vector.extract_strided_slice %add3A_108 {offsets = [0, 0], sizes = [1024, 64], strides = [1, 1]} : vector<1024x256xf32> to vector<1024x64xf32>
    %logistic3A_110 = arith.negf %slice3A_109 : vector<1024x64xf32>
    %logistic3A_111 = math.exp %logistic3A_110 : vector<1024x64xf32>
    %logistic3A_112 = arith.constant 1.000000e+00 : f32
    %logistic3A_113 = vector.broadcast %logistic3A_112 : f32 to vector<1024x64xf32>
    %logistic3A_114 = arith.addf %logistic3A_113, %logistic3A_111 : vector<1024x64xf32>
    %logistic3A_115 = arith.divf %logistic3A_113, %logistic3A_114 : vector<1024x64xf32>
    %slice3A_116 = vector.extract_strided_slice %add3A_108 {offsets = [0, 64], sizes = [1024, 64], strides = [1, 1]} : vector<1024x256xf32> to vector<1024x64xf32>
    %logistic3A_117 = arith.negf %slice3A_116 : vector<1024x64xf32>
    %logistic3A_118 = math.exp %logistic3A_117 : vector<1024x64xf32>
    %logistic3A_119 = arith.constant 1.000000e+00 : f32
    %logistic3A_120 = vector.broadcast %logistic3A_119 : f32 to vector<1024x64xf32>
    %logistic3A_121 = arith.addf %logistic3A_120, %logistic3A_118 : vector<1024x64xf32>
    %logistic3A_122 = arith.divf %logistic3A_120, %logistic3A_121 : vector<1024x64xf32>
    %slice3A_123 = vector.extract_strided_slice %add3A_108 {offsets = [0, 128], sizes = [1024, 64], strides = [1, 1]} : vector<1024x256xf32> to vector<1024x64xf32>
    %tanh3A_124 = math.tanh %slice3A_123 : vector<1024x64xf32>
    %slice3A_125 = vector.extract_strided_slice %add3A_108 {offsets = [0, 192], sizes = [1024, 64], strides = [1, 1]} : vector<1024x256xf32> to vector<1024x64xf32>
    %logistic3A_126 = arith.negf %slice3A_125 : vector<1024x64xf32>
    %logistic3A_127 = math.exp %logistic3A_126 : vector<1024x64xf32>
    %logistic3A_128 = arith.constant 1.000000e+00 : f32
    %logistic3A_129 = vector.broadcast %logistic3A_128 : f32 to vector<1024x64xf32>
    %logistic3A_130 = arith.addf %logistic3A_129, %logistic3A_127 : vector<1024x64xf32>
    %logistic3A_131 = arith.divf %logistic3A_129, %logistic3A_130 : vector<1024x64xf32>
    %mul3A_132 = arith.mulf %logistic3A_122, %add3A_76 : vector<1024x64xf32>
    %mul3A_133 = arith.mulf %logistic3A_115, %tanh3A_124 : vector<1024x64xf32>
    %add3A_134 = arith.addf %mul3A_132, %mul3A_133 : vector<1024x64xf32>
    %tanh3A_135 = math.tanh %add3A_134 : vector<1024x64xf32>
    %mul3A_136 = arith.mulf %logistic3A_131, %tanh3A_135 : vector<1024x64xf32>
    %swap3A_137 = arith.constant 1 : index
    %swap3A_138 = arith.constant 0 : index
    %swap3A_139 = arith.constant 0 : index
    %swap3A_140 = vector.load %arg11[%swap3A_137, %swap3A_138, %swap3A_139] : memref<4x1024x64xf32, #tpu.memory_space<vmem>>, vector<1x1024x64xf32>
    %swap3A_141 = vector.shape_cast %swap3A_140 : vector<1x1024x64xf32> to vector<1024x64xf32>
    %swap3A_142 = vector.shape_cast %mul3A_136 : vector<1024x64xf32> to vector<1x1024x64xf32>
    tpu.vector_store %arg11[%swap3A_137, %swap3A_138, %swap3A_139], %swap3A_142 {strides = array<i32>} : memref<4x1024x64xf32, #tpu.memory_space<vmem>>, vector<1x1024x64xf32>,
    %get3A_143 = arith.constant 1 : index
    %get3A_144 = arith.constant 0 : index
    %get3A_145 = arith.constant 0 : index
    %get3A_146 = vector.load %arg1[%get3A_143, %get3A_144, %get3A_145] : memref<2x1024x128xf32, #tpu.memory_space<vmem>>, vector<1x1024x64xf32>
    %get3A_147 = vector.shape_cast %get3A_146 : vector<1x1024x64xf32> to vector<1024x64xf32>
    %get3A_148 = arith.constant 1 : index
    %get3A_149 = arith.constant 0 : index
    %get3A_150 = arith.constant 0 : index
    %get3A_151 = vector.load %arg2[%get3A_148, %get3A_149, %get3A_150] : memref<2x1024x128xf32, #tpu.memory_space<vmem>>, vector<1x1024x64xf32>
    %get3A_152 = vector.shape_cast %get3A_151 : vector<1x1024x64xf32> to vector<1024x64xf32>
    %add3A_153 = arith.addf %get3A_147, %get3A_152 : vector<1024x64xf32>
    %mul3A_154 = vector.broadcast %broadcast_in_dim3A : vector<1024x1xf32> to vector<1024x64xf32>
    %mul3A_155 = arith.mulf %mul3A_154, %add3A_153 : vector<1024x64xf32>
    %add3A_156 = vector.broadcast %get3A_10 : vector<1x64xf32> to vector<1024x64xf32>
    %add3A_157 = arith.addf %mul3A_155, %add3A_156 : vector<1024x64xf32>
    %max3A_158 = arith.constant 0.000000e+00 : f32
    %max3A_159 = vector.broadcast %max3A_158 : f32 to vector<1024x64xf32>
    %max3A_160 = arith.maximumf %add3A_157, %max3A_159 : vector<1024x64xf32>
    %dot_general3A_161 = arith.constant dense<0.000000e+00> : vector<1024x256xf32>
    %dot_general3A_162 = tpu.matmul %max3A_160, %get3A_13, %dot_general3A_161 {dimension_numbers = #tpu.dot_dimension_numbers<[1], [0], [0], [1], [0, 0, 1, 1], [], []>, transpose_lhs_hint = false} : vector<1024x64xf32>, vector<64x256xf32>, vector<1024x256xf32> -> vector<1024x256xf32>
    %dot_general3A_163 = arith.constant dense<0.000000e+00> : vector<1024x256xf32>
    %dot_general3A_164 = tpu.matmul %mul3A_136, %get3A_16, %dot_general3A_163 {dimension_numbers = #tpu.dot_dimension_numbers<[1], [0], [0], [1], [0, 0, 1, 1], [], []>, transpose_lhs_hint = false} : vector<1024x64xf32>, vector<64x256xf32>, vector<1024x256xf32> -> vector<1024x256xf32>
    %add3A_165 = arith.addf %dot_general3A_162, %dot_general3A_164 : vector<1024x256xf32>
    %add3A_166 = vector.broadcast %add3A_23 : vector<1x256xf32> to vector<1024x256xf32>
    %add3A_167 = arith.addf %add3A_165, %add3A_166 : vector<1024x256xf32>
    %slice3A_168 = vector.extract_strided_slice %add3A_167 {offsets = [0, 0], sizes = [1024, 64], strides = [1, 1]} : vector<1024x256xf32> to vector<1024x64xf32>
    %logistic3A_169 = arith.negf %slice3A_168 : vector<1024x64xf32>
    %logistic3A_170 = math.exp %logistic3A_169 : vector<1024x64xf32>
    %logistic3A_171 = arith.constant 1.000000e+00 : f32
    %logistic3A_172 = vector.broadcast %logistic3A_171 : f32 to vector<1024x64xf32>
    %logistic3A_173 = arith.addf %logistic3A_172, %logistic3A_170 : vector<1024x64xf32>
    %logistic3A_174 = arith.divf %logistic3A_172, %logistic3A_173 : vector<1024x64xf32>
    %slice3A_175 = vector.extract_strided_slice %add3A_167 {offsets = [0, 64], sizes = [1024, 64], strides = [1, 1]} : vector<1024x256xf32> to vector<1024x64xf32>
    %logistic3A_176 = arith.negf %slice3A_175 : vector<1024x64xf32>
    %logistic3A_177 = math.exp %logistic3A_176 : vector<1024x64xf32>
    %logistic3A_178 = arith.constant 1.000000e+00 : f32
    %logistic3A_179 = vector.broadcast %logistic3A_178 : f32 to vector<1024x64xf32>
    %logistic3A_180 = arith.addf %logistic3A_179, %logistic3A_177 : vector<1024x64xf32>
    %logistic3A_181 = arith.divf %logistic3A_179, %logistic3A_180 : vector<1024x64xf32>
    %slice3A_182 = vector.extract_strided_slice %add3A_167 {offsets = [0, 128], sizes = [1024, 64], strides = [1, 1]} : vector<1024x256xf32> to vector<1024x64xf32>
    %tanh3A_183 = math.tanh %slice3A_182 : vector<1024x64xf32>
    %slice3A_184 = vector.extract_strided_slice %add3A_167 {offsets = [0, 192], sizes = [1024, 64], strides = [1, 1]} : vector<1024x256xf32> to vector<1024x64xf32>
    %logistic3A_185 = arith.negf %slice3A_184 : vector<1024x64xf32>
    %logistic3A_186 = math.exp %logistic3A_185 : vector<1024x64xf32>
    %logistic3A_187 = arith.constant 1.000000e+00 : f32
    %logistic3A_188 = vector.broadcast %logistic3A_187 : f32 to vector<1024x64xf32>
    %logistic3A_189 = arith.addf %logistic3A_188, %logistic3A_186 : vector<1024x64xf32>
    %logistic3A_190 = arith.divf %logistic3A_188, %logistic3A_189 : vector<1024x64xf32>
    %mul3A_191 = arith.mulf %logistic3A_181, %add3A_134 : vector<1024x64xf32>
    %mul3A_192 = arith.mulf %logistic3A_174, %tanh3A_183 : vector<1024x64xf32>
    %add3A_193 = arith.addf %mul3A_191, %mul3A_192 : vector<1024x64xf32>
    %tanh3A_194 = math.tanh %add3A_193 : vector<1024x64xf32>
    %mul3A_195 = arith.mulf %logistic3A_190, %tanh3A_194 : vector<1024x64xf32>
    %swap3A_196 = arith.constant 2 : index
    %swap3A_197 = arith.constant 0 : index
    %swap3A_198 = arith.constant 0 : index
    %swap3A_199 = vector.load %arg11[%swap3A_196, %swap3A_197, %swap3A_198] : memref<4x1024x64xf32, #tpu.memory_space<vmem>>, vector<1x1024x64xf32>
    %swap3A_200 = vector.shape_cast %swap3A_199 : vector<1x1024x64xf32> to vector<1024x64xf32>
    %swap3A_201 = vector.shape_cast %mul3A_195 : vector<1024x64xf32> to vector<1x1024x64xf32>
    tpu.vector_store %arg11[%swap3A_196, %swap3A_197, %swap3A_198], %swap3A_201 {strides = array<i32>} : memref<4x1024x64xf32, #tpu.memory_space<vmem>>, vector<1x1024x64xf32>,
    %get3A_202 = arith.constant 1 : index
    %get3A_203 = arith.constant 0 : index
    %get3A_204 = arith.constant 64 : index
    %get3A_205 = vector.load %arg1[%get3A_202, %get3A_203, %get3A_204] : memref<2x1024x128xf32, #tpu.memory_space<vmem>>, vector<1x1024x64xf32>
    %get3A_206 = vector.shape_cast %get3A_205 : vector<1x1024x64xf32> to vector<1024x64xf32>
    %get3A_207 = arith.constant 1 : index
    %get3A_208 = arith.constant 0 : index
    %get3A_209 = arith.constant 64 : index
    %get3A_210 = vector.load %arg2[%get3A_207, %get3A_208, %get3A_209] : memref<2x1024x128xf32, #tpu.memory_space<vmem>>, vector<1x1024x64xf32>
    %get3A_211 = vector.shape_cast %get3A_210 : vector<1x1024x64xf32> to vector<1024x64xf32>
    %add3A_212 = arith.addf %get3A_206, %get3A_211 : vector<1024x64xf32>
    %mul3A_213 = vector.broadcast %broadcast_in_dim3A : vector<1024x1xf32> to vector<1024x64xf32>
    %mul3A_214 = arith.mulf %mul3A_213, %add3A_212 : vector<1024x64xf32>
    %add3A_215 = vector.broadcast %get3A_10 : vector<1x64xf32> to vector<1024x64xf32>
    %add3A_216 = arith.addf %mul3A_214, %add3A_215 : vector<1024x64xf32>
    %max3A_217 = arith.constant 0.000000e+00 : f32
    %max3A_218 = vector.broadcast %max3A_217 : f32 to vector<1024x64xf32>
    %max3A_219 = arith.maximumf %add3A_216, %max3A_218 : vector<1024x64xf32>
    %dot_general3A_220 = arith.constant dense<0.000000e+00> : vector<1024x256xf32>
    %dot_general3A_221 = tpu.matmul %max3A_219, %get3A_13, %dot_general3A_220 {dimension_numbers = #tpu.dot_dimension_numbers<[1], [0], [0], [1], [0, 0, 1, 1], [], []>, transpose_lhs_hint = false} : vector<1024x64xf32>, vector<64x256xf32>, vector<1024x256xf32> -> vector<1024x256xf32>
    %dot_general3A_222 = arith.constant dense<0.000000e+00> : vector<1024x256xf32>
    %dot_general3A_223 = tpu.matmul %mul3A_195, %get3A_16, %dot_general3A_222 {dimension_numbers = #tpu.dot_dimension_numbers<[1], [0], [0], [1], [0, 0, 1, 1], [], []>, transpose_lhs_hint = false} : vector<1024x64xf32>, vector<64x256xf32>, vector<1024x256xf32> -> vector<1024x256xf32>
    %add3A_224 = arith.addf %dot_general3A_221, %dot_general3A_223 : vector<1024x256xf32>
    %add3A_225 = vector.broadcast %add3A_23 : vector<1x256xf32> to vector<1024x256xf32>
    %add3A_226 = arith.addf %add3A_224, %add3A_225 : vector<1024x256xf32>
    %slice3A_227 = vector.extract_strided_slice %add3A_226 {offsets = [0, 0], sizes = [1024, 64], strides = [1, 1]} : vector<1024x256xf32> to vector<1024x64xf32>
    %logistic3A_228 = arith.negf %slice3A_227 : vector<1024x64xf32>
    %logistic3A_229 = math.exp %logistic3A_228 : vector<1024x64xf32>
    %logistic3A_230 = arith.constant 1.000000e+00 : f32
    %logistic3A_231 = vector.broadcast %logistic3A_230 : f32 to vector<1024x64xf32>
    %logistic3A_232 = arith.addf %logistic3A_231, %logistic3A_229 : vector<1024x64xf32>
    %logistic3A_233 = arith.divf %logistic3A_231, %logistic3A_232 : vector<1024x64xf32>
    %slice3A_234 = vector.extract_strided_slice %add3A_226 {offsets = [0, 64], sizes = [1024, 64], strides = [1, 1]} : vector<1024x256xf32> to vector<1024x64xf32>
    %logistic3A_235 = arith.negf %slice3A_234 : vector<1024x64xf32>
    %logistic3A_236 = math.exp %logistic3A_235 : vector<1024x64xf32>
    %logistic3A_237 = arith.constant 1.000000e+00 : f32
    %logistic3A_238 = vector.broadcast %logistic3A_237 : f32 to vector<1024x64xf32>
    %logistic3A_239 = arith.addf %logistic3A_238, %logistic3A_236 : vector<1024x64xf32>
    %logistic3A_240 = arith.divf %logistic3A_238, %logistic3A_239 : vector<1024x64xf32>
    %slice3A_241 = vector.extract_strided_slice %add3A_226 {offsets = [0, 128], sizes = [1024, 64], strides = [1, 1]} : vector<1024x256xf32> to vector<1024x64xf32>
    %tanh3A_242 = math.tanh %slice3A_241 : vector<1024x64xf32>
    %slice3A_243 = vector.extract_strided_slice %add3A_226 {offsets = [0, 192], sizes = [1024, 64], strides = [1, 1]} : vector<1024x256xf32> to vector<1024x64xf32>
    %logistic3A_244 = arith.negf %slice3A_243 : vector<1024x64xf32>
    %logistic3A_245 = math.exp %logistic3A_244 : vector<1024x64xf32>
    %logistic3A_246 = arith.constant 1.000000e+00 : f32
    %logistic3A_247 = vector.broadcast %logistic3A_246 : f32 to vector<1024x64xf32>
    %logistic3A_248 = arith.addf %logistic3A_247, %logistic3A_245 : vector<1024x64xf32>
    %logistic3A_249 = arith.divf %logistic3A_247, %logistic3A_248 : vector<1024x64xf32>
    %mul3A_250 = arith.mulf %logistic3A_240, %add3A_193 : vector<1024x64xf32>
    %mul3A_251 = arith.mulf %logistic3A_233, %tanh3A_242 : vector<1024x64xf32>
    %add3A_252 = arith.addf %mul3A_250, %mul3A_251 : vector<1024x64xf32>
    %tanh3A_253 = math.tanh %add3A_252 : vector<1024x64xf32>
    %mul3A_254 = arith.mulf %logistic3A_249, %tanh3A_253 : vector<1024x64xf32>
    %swap3A_255 = arith.constant 3 : index
    %swap3A_256 = arith.constant 0 : index
    %swap3A_257 = arith.constant 0 : index
    %swap3A_258 = vector.load %arg11[%swap3A_255, %swap3A_256, %swap3A_257] : memref<4x1024x64xf32, #tpu.memory_space<vmem>>, vector<1x1024x64xf32>
    %swap3A_259 = vector.shape_cast %swap3A_258 : vector<1x1024x64xf32> to vector<1024x64xf32>
    %swap3A_260 = vector.shape_cast %mul3A_254 : vector<1024x64xf32> to vector<1x1024x64xf32>
    tpu.vector_store %arg11[%swap3A_255, %swap3A_256, %swap3A_257], %swap3A_260 {strides = array<i32>} : memref<4x1024x64xf32, #tpu.memory_space<vmem>>, vector<1x1024x64xf32>,
    return
  }
  func.func @transform_0(%arg0: i32) -> (i32, i32, i32) {
    %c0_i32 = arith.constant 0 : i32
    %c0_i32_0 = arith.constant 0 : i32
    %c0_i32_1 = arith.constant 0 : i32
    return %c0_i32, %arg0, %c0_i32_0 : i32, i32, i32
  }
  func.func @transform_1(%arg0: i32) -> (i32, i32, i32) {
    %c0_i32 = arith.constant 0 : i32
    %c0_i32_0 = arith.constant 0 : i32
    %c0_i32_1 = arith.constant 0 : i32
    return %c0_i32, %arg0, %c0_i32_0 : i32, i32, i32
  }
  func.func @transform_2(%arg0: i32) -> (i32, i32) {
    %c0_i32 = arith.constant 0 : i32
    %c0_i32_0 = arith.constant 0 : i32
    %c0_i32_1 = arith.constant 0 : i32
    return %c0_i32, %c0_i32_0 : i32, i32
  }
  func.func @transform_3(%arg0: i32) -> (i32, i32) {
    %c0_i32 = arith.constant 0 : i32
    %c0_i32_0 = arith.constant 0 : i32
    %c0_i32_1 = arith.constant 0 : i32
    return %c0_i32, %c0_i32_0 : i32, i32
  }
  func.func @transform_4(%arg0: i32) -> (i32, i32) {
    %c0_i32 = arith.constant 0 : i32
    %c0_i32_0 = arith.constant 0 : i32
    %c0_i32_1 = arith.constant 0 : i32
    return %c0_i32, %c0_i32_0 : i32, i32
  }
  func.func @transform_5(%arg0: i32) -> (i32, i32) {
    %c0_i32 = arith.constant 0 : i32
    %c0_i32_0 = arith.constant 0 : i32
    %c0_i32_1 = arith.constant 0 : i32
    return %c0_i32, %c0_i32_0 : i32, i32
  }
  func.func @transform_6(%arg0: i32) -> (i32, i32) {
    %c0_i32 = arith.constant 0 : i32
    %c0_i32_0 = arith.constant 0 : i32
    %c0_i32_1 = arith.constant 0 : i32
    return %c0_i32, %c0_i32_0 : i32, i32
  }
  func.func @transform_7(%arg0: i32) -> (i32, i32) {
    %c0_i32 = arith.constant 0 : i32
    %c0_i32_0 = arith.constant 0 : i32
    %c0_i32_1 = arith.constant 0 : i32
    return %c0_i32, %c0_i32_0 : i32, i32
  }
  func.func @transform_8(%arg0: i32) -> (i32, i32) {
    %c0_i32 = arith.constant 0 : i32
    %c0_i32_0 = arith.constant 0 : i32
    return %arg0, %c0_i32 : i32, i32
  }
  func.func @transform_9(%arg0: i32) -> (i32, i32) {
    %c0_i32 = arith.constant 0 : i32
    %c0_i32_0 = arith.constant 0 : i32
    return %arg0, %c0_i32 : i32, i32
  }
  func.func @transform_10(%arg0: i32) -> (i32, i32, i32) {
    %c0_i32 = arith.constant 0 : i32
    %c0_i32_0 = arith.constant 0 : i32
    %c0_i32_1 = arith.constant 0 : i32
    return %c0_i32, %arg0, %c0_i32_0 : i32, i32, i32
  }
}

</mosaic_0001>

<sc_bundles>
// kernel: kernel.10.cloned.1.call-start
scs
__scs_entry_jumppad:
0x0: {  	(pc) =	sbr.rel $0x88, $3  }
0x1: {  	(tag) =	ssettag $0x0;
	lr =	simm.s32 $0x1  }
0x2: {  	[smem:$0x3F99] =	sst lr;
	_ =	strace $0xD0000000  }
0x3: {  	_ = 	snop  }
0x4: {  	_ = 	snop  }
0x5: {  	_ = 	snop  }
0x6: {  	_ = 	snop  }
0x7: {  	_ = 	snop  }
__scs_overlays_trampoline_lowered:
0x8: {  	[smem:$0x3FA8] =	sst s0  }
0x9: {  	[smem:$0x3FA9] =	sst s1  }
0xa: {  	[smem:$0x3FAA] =	sst s2  }
0xb: {  	[smem:$0x3FAB] =	sst s3  }
0xc: {  	[smem:$0x3FAC] =	sst s4  }
0xd: {  	[smem:$0x3FAD] =	sst s5  }
0xe: {  	[smem:$0x3FAE] =	sst s6  }
0xf: {  	[smem:$0x3FAF] =	sst s7  }
0x10: {  	[smem:$0x3FB0] =	sst s8  }
0x11: {  	[smem:$0x3FB1] =	sst s9;
	s0 =	simm.s32 @!p0 $0x0  }
0x12: {  	s1 =	sld [smem:$0x3F97];
	s0 =	simm.s32 @p0 $0x1  }
0x13: {  	[smem:$0x3FB2] =	sst s0;
	s0 =	simm.s32 @!p1 $0x0  }
0x14: {  	s2 =	sld [smem:$0x3F96];
	s0 =	simm.s32 @p1 $0x1  }
0x15: {  	[smem:$0x3FB3] =	sst s0;
	s0 =	simm.s32 @!p2 $0x0  }
0x16: {  	s3 =	sld [smem:$0x3FDB];
	s0 =	simm.s32 @p2 $0x1  }
0x17: {  	s4 =	simm.s32 $0x1BF5;
	[smem:$0x3FB5] =	sst s0  }
0x18: {  	s0 =	sld [smem:$0x3F98];
	_ =	swait.ge [sflag:s4], $0x0  }
0x19: {  	s7 =	sld [smem:$0x3F99]  }
0x1a: {  	s8 =	sadd.s32 $0xFFFFE003, lr  }
0x1b: {  	s9 =	sadd.s32 $0xFFFFFEF7, lr;
	s5 =	simm.s32 $0xFFFFFFFF;
	p2 =	slt.u32 s8, $0xFFFFF086  }
0x1c: {  	p1 =	slt.u32 s9, $0xF7A;
	s5 =	simm.s32 @!p2 $0x0  }
0x1d: {  	s5 =	simm.s32 @p1 $0x1;
	p0 =	seq.s32 s7, s2  }
0x1e: {  	s7 =	smul.u32 @!p0 $0xF7A, s2;
	p2 =	seq.s32 @!p0 s5, $0x0  }
0x1f: {  	s9 =	smul.u32 $0xF7A, s1;
	s8 =	simm.s32 @!p0 $0x1BF5;
	p2 =	por !p2, p0  }
0x20: {  	[sflag:s8] =	ssyncset.s32 @!p0 $0xFFFFF086;
	s6 =	sadd.s32 @!p0 s3, s7;
	s7 =	simm.s32 @!p0 $0x108  }
0x21: {  	s3 =	sadd.s32 s3, s9;
	s6 =	sadd.s32 @!p0 $0x88, s6;
	s7 =	simm.s32 @p2 $0x1082  }
0x22: {  	[simem:s7], [sflag:s8] =	dma.local @!p0 [hbm:s6], $0xF7A  }
0x23: {  	s9 =	sor.u32 $0xD0000000, s2;
	s6 =	simm.s32 $0x108;
	_ =	swait.ge @!p0 [sflag:s8], $0x0  }
0x24: {  	s3 =	sadd.s32 $0x88, s3;
	s6 =	simm.s32 @!p1 $0x1082;
	[sflag:s4] =	ssyncset.s32 $0xFFFFF086  }
0x25: {  	[simem:s6], [sflag:s4] =	dma.local [hbm:s3], $0xF7A  }
0x26: {  	[smem:$0x3F99] =	sst s1;
	(tag) =	ssettag s2;
	_ =	strace s9  }
0x27: {  	s1 =	sld [smem:$0x3FA9]  }
0x28: {  	s2 =	sld [smem:$0x3FAA]  }
0x29: {  	s4 =	sld [smem:$0x3FAC]  }
0x2a: {  	p0 =	seq.s32 s5, $0x0;
	s5 =	sld [smem:$0x3FAD]  }
0x2b: {  	s6 =	sld [smem:$0x3FAE]  }
0x2c: {  	s7 =	sld [smem:$0x3FAF]  }
0x2d: {  	s3 =	simm.s32 $0x108;
	s8 =	sld [smem:$0x3FB0]  }
0x2e: {  	s3 =	simm.s32 @!p0 $0x1082;
	s9 =	sld [smem:$0x3FB1]  }
0x2f: {  	lr =	sadd.s32 s0, s3;
	s0 =	sld [smem:$0x3FA8]  }
0x30: {  	s3 =	sld [smem:$0x3FAB]  }
0x31: {  	[smem:$0x3FB4] =	sst s10  }
0x32: {  	s10 =	sld [smem:$0x3FB2];
	_ =	sdelay $0x3  }
0x33: {  	p0 =	seq.s32 s10, $0x1;
	s10 =	sld [smem:$0x3FB4];
	_ =	sdelay $0x3  }
0x34: {  	[smem:$0x3FB4] =	sst s10  }
0x35: {  	s10 =	sld [smem:$0x3FB3];
	_ =	sdelay $0x3  }
0x36: {  	p1 =	seq.s32 s10, $0x1;
	s10 =	sld [smem:$0x3FB4];
	_ =	sdelay $0x3  }
0x37: {  	[smem:$0x3FB4] =	sst s10  }
0x38: {  	s10 =	sld [smem:$0x3FB5]  }
0x39: {  	_ = 	snop;
	(pc) =	sbr.ind lr, $3  }
0x3a: {  	_ = 	snop  }
0x3b: {  	_ = 	snop  }
0x3c: {  	p2 =	seq.s32 s10, $0x1;
	s10 =	sld [smem:$0x3FB4]  }
0x3d: {  	_ =	shalt  }
0x3e: {  	_ =	shalt  }
0x3f: {  	_ =	shalt  }
0x40: {  	_ =	shalt  }
0x41: {  	_ =	shalt  }
0x42: {  	_ =	shalt  }
0x43: {  	_ =	shalt  }
0x44: {  	_ =	shalt  }
0x45: {  	_ =	shalt  }
0x46: {  	_ =	shalt  }
0x47: {  	_ =	shalt  }
0x48: {  	_ =	shalt  }
0x49: {  	_ =	shalt  }
0x4a: {  	_ =	shalt  }
0x4b: {  	_ =	shalt  }
0x4c: {  	_ =	shalt  }
0x4d: {  	_ =	shalt  }
0x4e: {  	_ =	shalt  }
0x4f: {  	_ =	shalt  }
0x50: {  	_ =	shalt  }
0x51: {  	_ =	shalt  }
0x52: {  	_ =	shalt  }
0x53: {  	_ =	shalt  }
0x54: {  	_ =	shalt  }
0x55: {  	_ =	shalt  }
0x56: {  	_ =	shalt  }
0x57: {  	_ =	shalt  }
0x58: {  	_ =	shalt  }
0x59: {  	_ =	shalt  }
0x5a: {  	_ =	shalt  }
0x5b: {  	_ =	shalt  }
0x5c: {  	_ =	shalt  }
0x5d: {  	_ =	shalt  }
0x5e: {  	_ =	shalt  }
0x5f: {  	_ =	shalt  }
0x60: {  	_ =	shalt  }
0x61: {  	_ =	shalt  }
0x62: {  	_ =	shalt  }
0x63: {  	_ =	shalt  }
0x64: {  	_ =	shalt  }
0x65: {  	_ =	shalt  }
0x66: {  	_ =	shalt  }
0x67: {  	_ =	shalt  }
0x68: {  	_ =	shalt  }
0x69: {  	_ =	shalt  }
0x6a: {  	_ =	shalt  }
0x6b: {  	_ =	shalt  }
0x6c: {  	_ =	shalt  }
0x6d: {  	_ =	shalt  }
0x6e: {  	_ =	shalt  }
0x6f: {  	_ =	shalt  }
0x70: {  	_ =	shalt  }
0x71: {  	_ =	shalt  }
0x72: {  	_ =	shalt  }
0x73: {  	_ =	shalt  }
0x74: {  	_ =	shalt  }
0x75: {  	_ =	shalt  }
0x76: {  	_ =	shalt  }
0x77: {  	_ =	shalt  }
0x78: {  	_ =	shalt  }
0x79: {  	_ =	shalt  }
0x7a: {  	_ =	shalt  }
0x7b: {  	_ =	shalt  }
0x7c: {  	_ =	shalt  }
0x7d: {  	_ =	shalt  }
0x7e: {  	_ =	shalt  }
0x7f: {  	_ =	shalt  }
0x80: {  	_ =	shalt  }
0x81: {  	_ =	shalt  }
0x82: {  	_ =	shalt  }
0x83: {  	_ =	shalt  }
0x84: {  	_ =	shalt  }
0x85: {  	_ =	shalt  }
0x86: {  	_ =	shalt  }
0x87: {  	_ =	shalt  }
.Lfunc_end0:
.L_simem_size_0:
called_computation_lowered:
.L_overlay_start_0:
0x88: {  	s2 =	sld [smem:$0x3FD9]  }
0x89: {  	s3 =	sld [smem:$0x3FFE];
	_ =	sdelay $0x1  }
0x8a: {  	s1 =	srdreg.scid  }
0x8b: {  	s0 =	sand.u32 $0x1, s1  }
0x8c: {  	s16 =	sshll.u32 s0, $0xA;
	s2 =	sadd.s32 s3, s2  }
0x8d: {  	s2 =	sadd.s32 s2, s16  }
0x8e: {  	[smem:$0x3FC0] =	sst s2  }
0x8f: {  	_ = 	snop  }
0x90: {  	(tm) =	ssettm $0x1  }
0x91: {  	s17 =	sld [smem:$0x3FFB];
	_ =	sdelay $0x3  }
0x92: {  	_ =	strace s17  }
0x93: {  	s2 =	sld [smem:$0x3FFC];
	_ =	sdelay $0x3  }
0x94: {  	_ =	strace s2  }
0x95: {  	s2 =	sld [smem:$0x3FFD];
	_ =	sdelay $0x3  }
0x96: {  	_ =	strace s2  }
0x97: {  	_ =	strace $0x8FFFFFFF  }
0x98: {  	s18 =	sld [smem:$0x3FDB];
	_ =	sdelay $0x1  }
0x99: {  	s19 =	simm.s32 $_scs_section_size  }
0x9a: {  	s4 =	simm.s32 $_size__tile_overlayer_lowered;
	s5 =	simm.s32 $_tile_overlayer_lowered  }
0x9b: {  	s22 =	simm.s32 $0x1BFF;
	s21 =	sshll.u32 s5, $0x1;
	s2 =	sadd.s32 s19, s18  }
0x9c: {  	s6 =	simm.s32 $0x0;
	s20 =	sshll.u32 s4, $0x1;
	s4 =	sadd.s32 s21, s2  }
0x9d: {  	[timem:s6], [sflag:s22] =	dma.local [hbm:s4], s20  }
0x9e: {  	_ =	swait.ge [sflag:s22], s20  }
0x9f: {  	s3 =	ssub.s32 $0x0, s20;
	[sflag:s22] =	ssyncset.done $0x0  }
0xa0: {  	[sflag:s22] =	ssyncadd.s32 s3;
	_ =	sdelay $0x1  }
0xa1: {  	s23 =	simm.s32 $0x1B8B  }
0xa2: {  	_ =	swait.ge [sflag:s23], $0x1  }
0xa3: {  	[sflag:s23] =	ssyncset.done $0x0  }
0xa4: {  	s25 =	simm.s32 $0x1B8E;
	s24 =	sld [smem:$0x3FFE];
	[sflag:s23] =	ssyncadd.s32 $0xFFFFFFFF  }
0xa5: {  	s26 =	simm.s32 $execute0_lowered;
	[smem:$0x3FD2] =	sst s25  }
0xa6: {  	s4 =	sshll.u32 s26, $0x1;
	_ =	strace $0x80000046;
	[dreg:$0x1] =	wrdreg $0xFFFFFFFF  }
0xa7: {  	s28 =	simm.s32 $_size_execute0_lowered;
	s2 =	sadd.s32 s2, s4;
	[dreg:$0x0] =	wrdreg $0x0  }
0xa8: {  	s4 =	sshll.u32 s28, $0x1;
	[dreg:$0x2] =	wrdreg s2  }
0xa9: {  	[dreg:$0x3] =	wrdreg s4  }
0xaa: {  	[dreg:$0x4] =	wrdreg $0xC0  }
0xab: {  	_ =	task [dreg:s6], $0x5FFFF  }
0xac: {  	[dreg:$0x1] =	wrdreg $0xFFFFFFFF  }
0xad: {  	[dreg:$0x0] =	wrdreg $0x60  }
0xae: {  	[dreg:$0x2] =	wrdreg s24  }
0xaf: {  	[dreg:$0x3] =	wrdreg $0x0  }
0xb0: {  	[dreg:$0x4] =	wrdreg $0x9  }
0xb1: {  	_ =	task.clear_ibuf [dreg:s6], $0x5FFFF;
	_ =	strace $0x90000046  }
0xb2: {  	s29 =	simm.s32 $0x9;
	_ =	strace $0x80000048  }
0xb3: {  	_ =	swait.ge [sflag:s29], $0x1  }
0xb4: {  	[sflag:s29] =	ssyncadd.s32 $0xFFFFFFFF  }
0xb5: {  	_ =	strace $0x90000048  }
0xb6: {  	_ =	sfence  }
0xb7: {  	s30 =	sld [smem:$0x0];
	_ =	sdelay $0x2  }
0xb8: {  	s31 =	sshll.u32 s1, $0xD;
	s1 =	sshrl.u32 s1, $0x2  }
0xb9: {  	s3 =	sand.u32 $0x4000, s31;
	s1 =	sadd.s32 s1, s30  }
0xba: {  	s0 =	sor.u32 s3, s0;
	s1 =	sshll.u32 s1, $0x11  }
0xbb: {  	s0 =	sor.u32 s1, s0  }
0xbc: {  	s0 =	sadd.s32 $0x8F2B, s0  }
0xbd: {  	[sflag:s0] =	ssyncadd.remote.s32 $0x1  }
0xbe: {  	_ =	sfence.sel $0xFFFF  }
0xbf: {  	[dreg:$0x0] =	wrdreg $0xFFFFFFFF;
	(pc) =	sbr.abs _section_cstart, $3  }
0xc0: {  	[dreg:$0x1] =	wrdreg $0xFFFFFFFF  }
0xc1: {  	_ =	task.clear_ibuf [dreg:s6], $0x2FFFF;
	_ =	strace $0x9FFFFFFF  }
0xc2: {  	(tm) =	ssettm $0x7FFFFFFF  }
0xc3: {  	_ =	shalt  }
tec
execute0_lowered:
.L_overlay_start_1:
0x0: {  	(tag) =	ssettag $0x1  }
0x1: {  	s5 =	rddreg [dreg:$0x0]  }
0x2: {  	s2 =	rddreg [dreg:$0x1]  }
0x3: {  	s0 =	rddreg [dreg:$0x2];
	s1 =	stileid.u32  }
0x4: {  	s4 =	srdreg.scid;
	s3 =	simm.s32 $0x0;
	s14 =	simm.s32 $0x20  }
0x5: {  	s15 =	simm.s32 $0x10;
	s16 =	simm.s32 $0x0;
	s29 =	smul.u32 $0x500, s1  }
0x6: {  	s6 =	sand.u32 $0x1, s4;
	[smem:$0x7FF] =	sst s3;
	s7 =	smul.u32 $0xA00, s1  }
0x7: {  	s11 =	sshll.u32 s1, $0x6;
	s8 =	sshll.u32 s6, $0x7;
	_ =	strace $0x80000047  }
0x8: {  	s10 =	ssub.s32 $0x2, s6;
	s12 =	smul.u32 $0x500, s6;
	s4 =	sor.u32 s8, s29  }
0x9: {  	s30 =	sadd.s32 s7, s5;
	s31 =	sshrl.u32 s10, $0x1;
	s7 =	sshrl.u32 s7, $0x2  }
0xa: {  	s9 =	sshrl.u32 s4, $0x3;
	s4 =	sadd.s32 $0xC000, s5;
	s10 =	ssub.s32 s10, s31  }
0xb: {  	s13 =	sadd.s32 s7, s2;
	s8 =	sadd.s32 s12, s30;
	s12 =	simm.s32 $0x80  }
0xc: {  	s9 =	sadd.s32 s9, s5;
	s5 =	sor.u32 $0x1C01, s11;
	s7 =	smax.u32 s10, $0x1  }
0xd: {  	s8 =	sadd.s32 $0x2000, s8;
	s10 =	simm.s32 $0x1;
	s11 =	simm.s32 $0x280  }
0xe: {  	v0 =	vimm.f32 $1.000000000e+00;
	s6 =	sadd.s32 $0xC200, s9;
	s9 =	sshrl.u32 s13, $0x3;
	s13 =	simm.s32 $0x300  }
.LBB2_1:
0xf: {  	[tilespmem:$0x300] =	vst v0  }
0x10: {  	[tilespmem:$0x310] =	vst v0  }
0x11: {  	[tilespmem:$0x320] =	vst v0  }
0x12: {  	[tilespmem:$0x330] =	vst v0  }
0x13: {  	[tilespmem:$0x340] =	vst v0  }
0x14: {  	[tilespmem:$0x350] =	vst v0  }
0x15: {  	[tilespmem:$0x360] =	vst v0  }
0x16: {  	[tilespmem:$0x370] =	vst v0  }
0x17: {  	[spmem:s9], [sflag:s5] =	dma.local [hbm:s4], $0x50  }
0x18: {  	_ =	swait.ge [sflag:s10], $0x50  }
0x19: {  	[sflag:s10] =	ssyncset.done $0x0  }
0x1a: {  	[sflag:s10] =	ssyncadd.s32 $0xFFFFFFB0  }
0x1b: {  	s17 =	sadd.s32 $0x0, s8;
	[bflag:$0x0] =	sbarrier.arrive $0xFFFF  }
0x1c: {  	[tilespmem:s11], [sflag:$0x1] =	stream.linear.gather [hbm4b:s17+s3], $0x80, $0x38;
	[tilespmem:$0x380] =	vst v63  }
0x1d: {  	_ =	swait.ge [sflag:s10], $0x80  }
0x1e: {  	[sflag:s10] =	ssyncset.done $0x0  }
0x1f: {  	[sflag:s10] =	ssyncadd.s32 $0xFFFFFF80  }
0x20: {  	[spmem:s2] =	stream.indirect.scatter.add.f32 [tilespmem:s13], [sflag:$0x1], $0x1, s11, s12, $0xb8;
	[tilespmem:$0x380] =	vst v63  }
0x21: {  	_ =	swait.ge [sflag:s10], $0x80  }
0x22: {  	s18 =	simm.s32 $0x20;
	s17 =	simm.s32 $0x10;
	[sflag:s10] =	ssyncset.done $0x0  }
.LBB2_2:
0x23: {  	s19 =	sadd.s32 s17, s8  }
0x24: {  	[sflag:s10] =	ssyncadd.s32 $0xFFFFFF80;
	s17 =	smov.u32 s18;
	s20 =	sadd.s32 $0x10, s18  }
0x25: {  	[tilespmem:s11], [sflag:$0x1] =	stream.linear.gather [hbm4b:s19+s3], $0x80, $0x38;
	[tilespmem:$0x380] =	vst v63  }
0x26: {  	p0 =	sne.s32 s18, $0x4F0;
	_ =	swait.ge [sflag:s10], $0x80  }
.Ltmp0:
0x27: {  	[sflag:s10] =	ssyncset.done $0x0;
	(pc) =	sbr.rel @p0 .LBB2_2-.Ltmp0, $4  }
0x28: {  	[sflag:s10] =	ssyncadd.s32 $0xFFFFFF80  }
0x29: {  	[spmem:s2] =	stream.indirect.scatter.add.f32 [tilespmem:s13], [sflag:$0x1], $0x1, s11, s12, $0xb8;
	[tilespmem:$0x380] =	vst v63  }
0x2a: {  	_ =	swait.ge [sflag:s10], $0x80  }
0x2b: {  	s18 =	smov.u32 s20;
	[sflag:s10] =	ssyncset.done $0x0  }
0x2c: {  	s17 =	sadd.s32 s17, s8;
	[sflag:s10] =	ssyncadd.s32 $0xFFFFFF80  }
0x2d: {  	[tilespmem:s11], [sflag:$0x1] =	stream.linear.gather [hbm4b:s17+s3], $0x80, $0x38;
	[tilespmem:$0x380] =	vst v63  }
0x2e: {  	_ =	swait.ge [sflag:s10], $0x80  }
0x2f: {  	[sflag:s10] =	ssyncset.done $0x0  }
0x30: {  	[sflag:s10] =	ssyncadd.s32 $0xFFFFFF80  }
0x31: {  	[spmem:s2] =	stream.indirect.scatter.add.f32 [tilespmem:s13], [sflag:$0x1], $0x1, s11, s12, $0xb8;
	[tilespmem:$0x380] =	vst v63  }
0x32: {  	_ =	swait.ge [sflag:s10], $0x80  }
0x33: {  	s16 =	sadd.s32 $0x1, s16;
	[sflag:s10] =	ssyncset.done $0x0  }
0x34: {  	p0 =	sne.s32 s16, s7;
	[sflag:s10] =	ssyncadd.s32 $0xFFFFFF80  }
.Ltmp1:
0x35: {  	[bflag:$0x0] =	sbarrier.arrive $0xFFFF;
	(pc) =	sbr.rel @p0 .LBB2_1-.Ltmp1, $4  }
0x36: {  	[hbm:s6@s14], [sflag:s5] =	dma.strided [spmem:s9@s15], $0x50, s10, $0x10   }
0x37: {  	_ =	swait.ge [sflag:s10], $0x50  }
0x38: {  	[sflag:s10] =	ssyncset.done $0x0  }
0x39: {  	[sflag:s10] =	ssyncadd.s32 $0xFFFFFFB0  }
0x3a: {  	_ =	sfence.sel $0x180000  }
0x3b: {  	[bflag:$0x0] =	sbarrier.arrive $0xFFFF  }
0x3c: {  	p0 =	sne.s32 s1, $0x0;
	_ =	strace $0x90000047  }
0x3d: {  	s0 =	sadd.s32 @!p0 $0x100000, s0;
	[bflag:$0x2] =	sbarrier.arrive $0xFFFF  }
0x3e: {  	[sflag:s0] =	ssyncadd.tile.s32 @!p0 $0x1;
	_ =	shalt  }
.Lfunc_end2:
_tile_overlayer_lowered:
.L_overlay_start_2:
0x3f: {  	(tag) =	ssettag $0x2  }
0x40: {  	s0 =	rddreg [dreg:$0x0];
	s2 =	stileid.u32  }
0x41: {  	s1 =	rddreg [dreg:$0x1];
	p0 =	sne.s32 s2, $0x0  }
0x42: {  	s3 =	rddreg [dreg:$0x2];
	[bflag:$0x3] =	sbarrier.arrive $0xFFFF;
	s2 =	simm.s32 @!p0 $0x1C01  }
0x43: {  	[timem:s3], [sflag:s2] =	dma.local @!p0 [hbm:s0], s1  }
0x44: {  	s0 =	simm.s32 @!p0 $0x1  }
0x45: {  	_ =	swait.ge @!p0 [sflag:s0], s1  }
0x46: {  	s1 =	ssub.s32 @!p0 $0x0, s1;
	[sflag:s0] =	ssyncset.done @!p0 $0x0  }
0x47: {  	[sflag:s0] =	ssyncadd.s32 @!p0 s1  }
0x48: {  	[bflag:$0x3] =	sbarrier.arrive $0xFFFF  }
0x49: {  	_ =	shalt  }

// kernel: kernel.13.cloned.1.call-start
scs
__scs_entry_jumppad:
0x0: {  	(pc) =	sbr.rel $0x88, $3  }
0x1: {  	(tag) =	ssettag $0x0;
	lr =	simm.s32 $0x1  }
0x2: {  	[smem:$0x3F99] =	sst lr;
	_ =	strace $0xD0000000  }
0x3: {  	_ = 	snop  }
0x4: {  	_ = 	snop  }
0x5: {  	_ = 	snop  }
0x6: {  	_ = 	snop  }
0x7: {  	_ = 	snop  }
__scs_overlays_trampoline_lowered:
0x8: {  	[smem:$0x3FA8] =	sst s0  }
0x9: {  	[smem:$0x3FA9] =	sst s1  }
0xa: {  	[smem:$0x3FAA] =	sst s2  }
0xb: {  	[smem:$0x3FAB] =	sst s3  }
0xc: {  	[smem:$0x3FAC] =	sst s4  }
0xd: {  	[smem:$0x3FAD] =	sst s5  }
0xe: {  	[smem:$0x3FAE] =	sst s6  }
0xf: {  	[smem:$0x3FAF] =	sst s7  }
0x10: {  	[smem:$0x3FB0] =	sst s8  }
0x11: {  	[smem:$0x3FB1] =	sst s9;
	s0 =	simm.s32 @!p0 $0x0  }
0x12: {  	s1 =	sld [smem:$0x3F97];
	s0 =	simm.s32 @p0 $0x1  }
0x13: {  	[smem:$0x3FB2] =	sst s0;
	s0 =	simm.s32 @!p1 $0x0  }
0x14: {  	s2 =	sld [smem:$0x3F96];
	s0 =	simm.s32 @p1 $0x1  }
0x15: {  	[smem:$0x3FB3] =	sst s0;
	s0 =	simm.s32 @!p2 $0x0  }
0x16: {  	s3 =	sld [smem:$0x3FDB];
	s0 =	simm.s32 @p2 $0x1  }
0x17: {  	s4 =	simm.s32 $0x1BF5;
	[smem:$0x3FB5] =	sst s0  }
0x18: {  	s0 =	sld [smem:$0x3F98];
	_ =	swait.ge [sflag:s4], $0x0  }
0x19: {  	s7 =	sld [smem:$0x3F99]  }
0x1a: {  	s8 =	sadd.s32 $0xFFFFE003, lr  }
0x1b: {  	s9 =	sadd.s32 $0xFFFFFEF7, lr;
	s5 =	simm.s32 $0xFFFFFFFF;
	p2 =	slt.u32 s8, $0xFFFFF086  }
0x1c: {  	p1 =	slt.u32 s9, $0xF7A;
	s5 =	simm.s32 @!p2 $0x0  }
0x1d: {  	s5 =	simm.s32 @p1 $0x1;
	p0 =	seq.s32 s7, s2  }
0x1e: {  	s7 =	smul.u32 @!p0 $0xF7A, s2;
	p2 =	seq.s32 @!p0 s5, $0x0  }
0x1f: {  	s9 =	smul.u32 $0xF7A, s1;
	s8 =	simm.s32 @!p0 $0x1BF5;
	p2 =	por !p2, p0  }
0x20: {  	[sflag:s8] =	ssyncset.s32 @!p0 $0xFFFFF086;
	s6 =	sadd.s32 @!p0 s3, s7;
	s7 =	simm.s32 @!p0 $0x108  }
0x21: {  	s3 =	sadd.s32 s3, s9;
	s6 =	sadd.s32 @!p0 $0x88, s6;
	s7 =	simm.s32 @p2 $0x1082  }
0x22: {  	[simem:s7], [sflag:s8] =	dma.local @!p0 [hbm:s6], $0xF7A  }
0x23: {  	s9 =	sor.u32 $0xD0000000, s2;
	s6 =	simm.s32 $0x108;
	_ =	swait.ge @!p0 [sflag:s8], $0x0  }
0x24: {  	s3 =	sadd.s32 $0x88, s3;
	s6 =	simm.s32 @!p1 $0x1082;
	[sflag:s4] =	ssyncset.s32 $0xFFFFF086  }
0x25: {  	[simem:s6], [sflag:s4] =	dma.local [hbm:s3], $0xF7A  }
0x26: {  	[smem:$0x3F99] =	sst s1;
	(tag) =	ssettag s2;
	_ =	strace s9  }
0x27: {  	s1 =	sld [smem:$0x3FA9]  }
0x28: {  	s2 =	sld [smem:$0x3FAA]  }
0x29: {  	s4 =	sld [smem:$0x3FAC]  }
0x2a: {  	p0 =	seq.s32 s5, $0x0;
	s5 =	sld [smem:$0x3FAD]  }
0x2b: {  	s6 =	sld [smem:$0x3FAE]  }
0x2c: {  	s7 =	sld [smem:$0x3FAF]  }
0x2d: {  	s3 =	simm.s32 $0x108;
	s8 =	sld [smem:$0x3FB0]  }
0x2e: {  	s3 =	simm.s32 @!p0 $0x1082;
	s9 =	sld [smem:$0x3FB1]  }
0x2f: {  	lr =	sadd.s32 s0, s3;
	s0 =	sld [smem:$0x3FA8]  }
0x30: {  	s3 =	sld [smem:$0x3FAB]  }
0x31: {  	[smem:$0x3FB4] =	sst s10  }
0x32: {  	s10 =	sld [smem:$0x3FB2];
	_ =	sdelay $0x3  }
0x33: {  	p0 =	seq.s32 s10, $0x1;
	s10 =	sld [smem:$0x3FB4];
	_ =	sdelay $0x3  }
0x34: {  	[smem:$0x3FB4] =	sst s10  }
0x35: {  	s10 =	sld [smem:$0x3FB3];
	_ =	sdelay $0x3  }
0x36: {  	p1 =	seq.s32 s10, $0x1;
	s10 =	sld [smem:$0x3FB4];
	_ =	sdelay $0x3  }
0x37: {  	[smem:$0x3FB4] =	sst s10  }
0x38: {  	s10 =	sld [smem:$0x3FB5]  }
0x39: {  	_ = 	snop;
	(pc) =	sbr.ind lr, $3  }
0x3a: {  	_ = 	snop  }
0x3b: {  	_ = 	snop  }
0x3c: {  	p2 =	seq.s32 s10, $0x1;
	s10 =	sld [smem:$0x3FB4]  }
0x3d: {  	_ =	shalt  }
0x3e: {  	_ =	shalt  }
0x3f: {  	_ =	shalt  }
0x40: {  	_ =	shalt  }
0x41: {  	_ =	shalt  }
0x42: {  	_ =	shalt  }
0x43: {  	_ =	shalt  }
0x44: {  	_ =	shalt  }
0x45: {  	_ =	shalt  }
0x46: {  	_ =	shalt  }
0x47: {  	_ =	shalt  }
0x48: {  	_ =	shalt  }
0x49: {  	_ =	shalt  }
0x4a: {  	_ =	shalt  }
0x4b: {  	_ =	shalt  }
0x4c: {  	_ =	shalt  }
0x4d: {  	_ =	shalt  }
0x4e: {  	_ =	shalt  }
0x4f: {  	_ =	shalt  }
0x50: {  	_ =	shalt  }
0x51: {  	_ =	shalt  }
0x52: {  	_ =	shalt  }
0x53: {  	_ =	shalt  }
0x54: {  	_ =	shalt  }
0x55: {  	_ =	shalt  }
0x56: {  	_ =	shalt  }
0x57: {  	_ =	shalt  }
0x58: {  	_ =	shalt  }
0x59: {  	_ =	shalt  }
0x5a: {  	_ =	shalt  }
0x5b: {  	_ =	shalt  }
0x5c: {  	_ =	shalt  }
0x5d: {  	_ =	shalt  }
0x5e: {  	_ =	shalt  }
0x5f: {  	_ =	shalt  }
0x60: {  	_ =	shalt  }
0x61: {  	_ =	shalt  }
0x62: {  	_ =	shalt  }
0x63: {  	_ =	shalt  }
0x64: {  	_ =	shalt  }
0x65: {  	_ =	shalt  }
0x66: {  	_ =	shalt  }
0x67: {  	_ =	shalt  }
0x68: {  	_ =	shalt  }
0x69: {  	_ =	shalt  }
0x6a: {  	_ =	shalt  }
0x6b: {  	_ =	shalt  }
0x6c: {  	_ =	shalt  }
0x6d: {  	_ =	shalt  }
0x6e: {  	_ =	shalt  }
0x6f: {  	_ =	shalt  }
0x70: {  	_ =	shalt  }
0x71: {  	_ =	shalt  }
0x72: {  	_ =	shalt  }
0x73: {  	_ =	shalt  }
0x74: {  	_ =	shalt  }
0x75: {  	_ =	shalt  }
0x76: {  	_ =	shalt  }
0x77: {  	_ =	shalt  }
0x78: {  	_ =	shalt  }
0x79: {  	_ =	shalt  }
0x7a: {  	_ =	shalt  }
0x7b: {  	_ =	shalt  }
0x7c: {  	_ =	shalt  }
0x7d: {  	_ =	shalt  }
0x7e: {  	_ =	shalt  }
0x7f: {  	_ =	shalt  }
0x80: {  	_ =	shalt  }
0x81: {  	_ =	shalt  }
0x82: {  	_ =	shalt  }
0x83: {  	_ =	shalt  }
0x84: {  	_ =	shalt  }
0x85: {  	_ =	shalt  }
0x86: {  	_ =	shalt  }
0x87: {  	_ =	shalt  }
.Lfunc_end0:
.L_simem_size_0:
called_computation.1_lowered:
.L_overlay_start_0:
0x88: {  	s2 =	sld [smem:$0x3FD9]  }
0x89: {  	s3 =	sld [smem:$0x3FFE];
	_ =	sdelay $0x1  }
0x8a: {  	s1 =	srdreg.scid  }
0x8b: {  	s0 =	sand.u32 $0x1, s1  }
0x8c: {  	s17 =	sshll.u32 s0, $0xA;
	s2 =	sadd.s32 s3, s2  }
0x8d: {  	s2 =	sadd.s32 s2, s17  }
0x8e: {  	[smem:$0x3FC0] =	sst s2  }
0x8f: {  	_ = 	snop  }
0x90: {  	s2 =	sld [smem:$0x3FD0];
	(tm) =	ssettm $0x1  }
0x91: {  	s18 =	sld [smem:$0x3FFB];
	_ =	sdelay $0x3  }
0x92: {  	_ =	strace s18  }
0x93: {  	s3 =	sld [smem:$0x3FFC];
	_ =	sdelay $0x3  }
0x94: {  	_ =	strace s3  }
0x95: {  	s3 =	sld [smem:$0x3FFD];
	_ =	sdelay $0x3  }
0x96: {  	_ =	strace s3  }
0x97: {  	_ =	strace $0x8FFFFFFF  }
0x98: {  	s19 =	sld [smem:$0x3FDB];
	_ =	sdelay $0x1  }
0x99: {  	s4 =	simm.s32 $_scs_section_size  }
0x9a: {  	s5 =	simm.s32 $_size__tile_overlayer_lowered;
	s6 =	simm.s32 $_tile_overlayer_lowered  }
0x9b: {  	s22 =	simm.s32 $0x1BFF;
	s21 =	sshll.u32 s6, $0x1;
	s3 =	sadd.s32 s4, s19  }
0x9c: {  	s7 =	simm.s32 $0x0;
	s20 =	sshll.u32 s5, $0x1;
	s5 =	sadd.s32 s21, s3  }
0x9d: {  	[timem:s7], [sflag:s22] =	dma.local [hbm:s5], s20  }
0x9e: {  	_ =	swait.ge [sflag:s22], s20  }
0x9f: {  	s4 =	ssub.s32 $0x0, s20;
	[sflag:s22] =	ssyncset.done $0x0  }
0xa0: {  	[sflag:s22] =	ssyncadd.s32 s4;
	_ =	sdelay $0x1  }
0xa1: {  	s23 =	simm.s32 $0x1B8B  }
0xa2: {  	_ =	swait.ge [sflag:s23], $0x1  }
0xa3: {  	[sflag:s23] =	ssyncset.done $0x0  }
0xa4: {  	s25 =	simm.s32 $0x1B8E;
	s24 =	sld [smem:$0x3FFE];
	[sflag:s23] =	ssyncadd.s32 $0xFFFFFFFF  }
0xa5: {  	s26 =	simm.s32 $execute0_lowered;
	[smem:$0x3FD2] =	sst s25  }
0xa6: {  	s5 =	sshll.u32 s26, $0x1;
	_ =	strace $0x80000049;
	[dreg:$0x1] =	wrdreg $0xFFFFFFFF  }
0xa7: {  	s28 =	simm.s32 $_size_execute0_lowered;
	s3 =	sadd.s32 s3, s5;
	[dreg:$0x0] =	wrdreg $0x0  }
0xa8: {  	s5 =	sshll.u32 s28, $0x1;
	[dreg:$0x2] =	wrdreg s3  }
0xa9: {  	[dreg:$0x3] =	wrdreg s5  }
0xaa: {  	[dreg:$0x4] =	wrdreg $0xC0  }
0xab: {  	_ =	task [dreg:s7], $0x5FFFF  }
0xac: {  	[dreg:$0x1] =	wrdreg $0xFFFFFFFF  }
0xad: {  	[dreg:$0x0] =	wrdreg $0x60  }
0xae: {  	[dreg:$0x2] =	wrdreg s24  }
0xaf: {  	[dreg:$0x3] =	wrdreg s2  }
0xb0: {  	[dreg:$0x4] =	wrdreg $0x0  }
0xb1: {  	[dreg:$0x5] =	wrdreg $0x9  }
0xb2: {  	_ =	task.clear_ibuf [dreg:s7], $0x6FFFF;
	_ =	strace $0x90000049  }
0xb3: {  	s29 =	simm.s32 $0x9;
	_ =	strace $0x8000004B  }
0xb4: {  	_ =	swait.ge [sflag:s29], $0x1  }
0xb5: {  	[sflag:s29] =	ssyncadd.s32 $0xFFFFFFFF  }
0xb6: {  	_ =	strace $0x9000004B  }
0xb7: {  	_ =	sfence  }
0xb8: {  	s30 =	sld [smem:$0x0];
	_ =	sdelay $0x2  }
0xb9: {  	s31 =	sshll.u32 s1, $0xD;
	s1 =	sshrl.u32 s1, $0x2  }
0xba: {  	s3 =	sand.u32 $0x4000, s31;
	s1 =	sadd.s32 s1, s30  }
0xbb: {  	s0 =	sor.u32 s3, s0;
	s1 =	sshll.u32 s1, $0x11  }
0xbc: {  	s0 =	sor.u32 s1, s0  }
0xbd: {  	s0 =	sadd.s32 $0x8F2B, s0  }
0xbe: {  	[sflag:s0] =	ssyncadd.remote.s32 $0x1  }
0xbf: {  	_ =	sfence.sel $0xFFFF  }
0xc0: {  	[dreg:$0x0] =	wrdreg $0xFFFFFFFF;
	(pc) =	sbr.abs _section_cstart, $3  }
0xc1: {  	[dreg:$0x1] =	wrdreg $0xFFFFFFFF  }
0xc2: {  	_ =	task.clear_ibuf [dreg:s7], $0x2FFFF;
	_ =	strace $0x9FFFFFFF  }
0xc3: {  	(tm) =	ssettm $0x7FFFFFFF  }
tec
execute0_lowered:
.L_overlay_start_1:
0x0: {  	(tag) =	ssettag $0x1  }
0x1: {  	s0 =	rddreg [dreg:$0x0]  }
0x2: {  	s3 =	rddreg [dreg:$0x1]  }
0x3: {  	s1 =	rddreg [dreg:$0x2];
	s2 =	simm.s32 $0x0;
	s4 =	srdreg.scid  }
0x4: {  	s13 =	stileid.u32;
	s15 =	simm.s32 $0x1C280;
	s20 =	simm.s32 $0xD  }
0x5: {  	s28 =	simm.s32 $0x6;
	s29 =	simm.s32 $0xA;
	s30 =	simm.s32 $0x18000  }
0x6: {  	s31 =	simm.s32 $0x1;
	s16 =	simm.s32 $0x4;
	s21 =	simm.s32 $0xC  }
0x7: {  	s18 =	simm.s32 $0x0;
	[smem:$0x7FF] =	sst s2;
	s8 =	sand.u32 $0x1, s4  }
0x8: {  	s4 =	sadd.s32 $0x20C00, s0;
	s5 =	sadd.s32 $0xCC00, s0;
	s6 =	smul.u32 $0x5000, s13  }
0x9: {  	s7 =	sadd.s32 $0x2000, s0;
	s0 =	sadd.s32 $0x70C00, s0;
	s12 =	smul.u32 $0x14000, s13  }
0xa: {  	s25 =	smul.u32 $0x50000, s13;
	s26 =	sshll.u32 s13, $0x6;
	s13 =	simm.s32 $0xB  }
0xb: {  	_ =	strace $0x8000004A;
	s9 =	smul.u32 $0x50000, s8;
	s10 =	ssub.s32 $0x2, s8  }
0xc: {  	[dreg:$0x4] =	wrdreg s0;
	s8 =	smul.u32 $0x140000, s8;
	s17 =	sor.u32 $0x1C0D, s26  }
0xd: {  	s26 =	simm.s32 $0x14000;
	s23 =	sshrl.u32 s10, $0x1;
	s11 =	sshrl.u32 s6, $0x3  }
0xe: {  	[dreg:$0x9] =	wrdreg s17;
	s0 =	ssub.s32 s10, s23;
	s9 =	sadd.s32 s6, s9  }
0xf: {  	s11 =	sadd.s32 s7, s11;
	s8 =	sadd.s32 s12, s8;
	s10 =	sshrl.u32 s25, $0x2  }
0x10: {  	s25 =	simm.s32 $0x80;
	s12 =	simm.s32 $0x7;
	s24 =	sshrl.u32 s9, $0x3  }
0x11: {  	[dreg:$0x6] =	wrdreg s11;
	s11 =	sadd.s32 $0x10, s11;
	s8 =	sshrl.u32 s8, $0x3  }
0x12: {  	s10 =	sadd.s32 s10, s1;
	s0 =	smax.u32 s0, $0x1;
	[dreg:$0x8] =	wrdreg s11  }
.Ltmp0:
0x13: {  	s14 =	sadd.s32 s5, s24;
	[dreg:$0xb] =	wrdreg s0;
	(pc) =	sbr.rel .LBB2_1-.Ltmp0, $4  }
0x14: {  	s3 =	sadd.s32 s3, s8;
	s11 =	simm.s32 $0x1C080;
	[dreg:$0x5] =	wrdreg s14  }
0x15: {  	s19 =	sshrl.u32 s10, $0x3;
	s8 =	simm.s32 $0x3;
	[dreg:$0xa] =	wrdreg s3  }
0x16: {  	s10 =	simm.s32 $0x2;
	s14 =	sadd.s32 $0x10, s14;
	[dreg:$0xc] =	wrdreg s19  }
0x17: {  	s3 =	simm.s32 $0x1C200;
	[dreg:$0x7] =	wrdreg s14;
	s14 =	simm.s32 $0x8  }
.LBB2_4:
0x18: {  	_ =	swait.ge [sflag:s10], $0x4000  }
0x19: {  	[sflag:s10] =	ssyncset.done $0x0  }
0x1a: {  	[sflag:s10] =	ssyncadd.s32 $0xFFFFC000  }
0x1b: {  	[spmem:s1] =	stream.indirect.scatter.add.f32 [tilespmem:s30], [sflag:$0x4], $0x80, s23, s25, $0xb8;
	[tilespmem:$0x1C400] =	vst v63  }
0x1c: {  	_ =	swait.ge [sflag:s8], $0x4000  }
0x1d: {  	[sflag:s8] =	ssyncset.done $0x0  }
0x1e: {  	[sflag:s8] =	ssyncadd.s32 $0xFFFFC000  }
0x1f: {  	_ =	swait.ge [sflag:s16], $0x4000  }
0x20: {  	[sflag:s16] =	ssyncset.done $0x0  }
0x21: {  	[sflag:s16] =	ssyncadd.s32 $0xFFFFC000  }
0x22: {  	[bflag:$0x0] =	sbarrier.arrive $0xFFFF  }
0x23: {  	s17 =	rddreg [dreg:$0x9]  }
0x24: {  	s0 =	rddreg [dreg:$0xa]  }
0x25: {  	s20 =	simm.s32 $0xD;
	s19 =	rddreg [dreg:$0xc]  }
0x26: {  	[hbm:s0], [sflag:s17] =	dma.local [spmem:s19], $0x2800  }
0x27: {  	_ =	swait.ge [sflag:s20], $0x2800  }
0x28: {  	s18 =	rddreg [dreg:$0xd]  }
0x29: {  	s24 =	rddreg [dreg:$0xb];
	s18 =	sadd.s32 $0x1, s18  }
0x2a: {  	p0 =	sne.s32 s18, s24  }
.Ltmp1:
0x2b: {  	_ = 	snop;
	(pc) =	sbr.rel @!p0 .LBB2_5-.Ltmp1, $4  }
0x2c: {  	[sflag:s20] =	ssyncset.done $0x0  }
0x2d: {  	[sflag:s20] =	ssyncadd.s32 $0xFFFFD800  }
0x2e: {  	[bflag:$0x0] =	sbarrier.arrive $0xFFFF  }
0x2f: {  	s3 =	simm.s32 $0x1C200;
	s11 =	simm.s32 $0x1C080  }
.LBB2_1:
0x30: {  	[dreg:$0xd] =	wrdreg s18  }
0x31: {  	s0 =	rddreg [dreg:$0x5]  }
0x32: {  	s18 =	simm.s32 $0x1C000;
	s22 =	rddreg [dreg:$0x6]  }
0x33: {  	[tilespmem:s18], [sflag:$0x5] =	stream.linear.gather [hbm4b:s0+s2], $0x80, $0x38;
	[tilespmem:$0x1C400] =	vst v63  }
0x34: {  	s23 =	rddreg [dreg:$0x7]  }
0x35: {  	[tilespmem:s3], [sflag:$0x9] =	stream.linear.gather [hbm4b:s22+s2], $0x80, $0x38;
	[tilespmem:$0x1C400] =	vst v63  }
0x36: {  	s24 =	rddreg [dreg:$0x8]  }
0x37: {  	[tilespmem:s11], [sflag:$0x6] =	stream.linear.gather [hbm4b:s23+s2], $0x80, $0x38;
	[tilespmem:$0x1C400] =	vst v63  }
0x38: {  	s22 =	rddreg [dreg:$0x4]  }
0x39: {  	[tilespmem:s15], [sflag:$0xA] =	stream.linear.gather [hbm4b:s24+s2], $0x80, $0x38;
	[tilespmem:$0x1C400] =	vst v63  }
0x3a: {  	[spmem:s19], [sflag:s17] =	dma.local [hbm:s22], $0x2800  }
0x3b: {  	_ =	swait.ge [sflag:s20], $0x2800  }
0x3c: {  	[sflag:s20] =	ssyncset.done $0x0  }
0x3d: {  	[sflag:s20] =	ssyncadd.s32 $0xFFFFD800  }
0x3e: {  	s23 =	simm.s32 $0x5;
	[bflag:$0x0] =	sbarrier.arrive $0xFFFF  }
0x3f: {  	_ =	swait.ge [sflag:s23], $0x80  }
0x40: {  	[sflag:s23] =	ssyncset.done $0x0  }
0x41: {  	s24 =	simm.s32 $0x9;
	[sflag:s23] =	ssyncadd.s32 $0xFFFFFF80  }
0x42: {  	_ =	swait.ge [sflag:s24], $0x80  }
0x43: {  	s15 =	simm.s32 $0x1C280;
	[sflag:s24] =	ssyncset.done $0x0  }
0x44: {  	s22 =	simm.s32 $0x0;
	[sflag:s24] =	ssyncadd.s32 $0xFFFFFF80;
	s24 =	simm.s32 $0x1C380  }
0x45: {  	[tilespmem:s26], [sflag:$0x1] =	stream.indirect.gather [hbm4b:s4+s25], $0x80, s18, s25, $0xb8;
	[tilespmem:$0x1C400] =	vst v63  }
.LBB2_2:
0x46: {  	p0 =	seq.s32 s22, $0x0  }
0x47: {  	s17 =	simm.s32 @!p0 $0x4  }
0x48: {  	_ =	swait.ge @!p0 [sflag:s17], $0x4000  }
0x49: {  	[sflag:s17] =	ssyncset.done @!p0 $0x0  }
0x4a: {  	[sflag:s17] =	ssyncadd.s32 @!p0 $0xFFFFC000  }
0x4b: {  	_ =	swait.ge [sflag:s28], $0x80  }
0x4c: {  	[sflag:s28] =	ssyncset.done $0x0  }
0x4d: {  	[sflag:s28] =	ssyncadd.s32 $0xFFFFFF80  }
0x4e: {  	_ =	swait.ge [sflag:s29], $0x80  }
0x4f: {  	[sflag:s29] =	ssyncset.done $0x0  }
0x50: {  	s18 =	sand.u32 $0x200, s22;
	s17 =	sand.u32 $0x7C00, s22;
	[sflag:s29] =	ssyncadd.s32 $0xFFFFFF80  }
0x51: {  	[tilespmem:s30], [sflag:$0x2] =	stream.indirect.gather [hbm4b:s4+s25], $0x80, s11, s25, $0xb8;
	[tilespmem:$0x1C400] =	vst v63  }
0x52: {  	s20 =	sor.u32 $0x100, s18;
	s19 =	sadd.s32 s9, s17;
	_ =	swait.ge [sflag:s31], $0x4000  }
0x53: {  	s0 =	sor.u32 s20, s19;
	[sflag:s31] =	ssyncset.done $0x0  }
0x54: {  	s0 =	sshrl.u32 s0, $0x3;
	[sflag:s31] =	ssyncadd.s32 $0xFFFFC000  }
0x55: {  	[spmem:s1] =	stream.indirect.scatter.add.f32 [tilespmem:s26], [sflag:$0x3], $0x80, s3, s25, $0xb8;
	[tilespmem:$0x1C400] =	vst v63  }
0x56: {  	s23 =	simm.s32 $0x1C100;
	s0 =	sadd.s32 s5, s0  }
0x57: {  	[tilespmem:s23], [sflag:$0x7] =	stream.linear.gather [hbm4b:s0+s2], $0x80, $0x38;
	[tilespmem:$0x1C400] =	vst v63  }
0x58: {  	s0 =	sadd.s32 s6, s17  }
0x59: {  	s17 =	sor.u32 s20, s0  }
0x5a: {  	s17 =	sshrl.u32 s17, $0x3  }
0x5b: {  	s20 =	simm.s32 $0x1C300;
	s17 =	sadd.s32 s7, s17  }
0x5c: {  	[tilespmem:s20], [sflag:$0xB] =	stream.linear.gather [hbm4b:s17+s2], $0x80, $0x38;
	[tilespmem:$0x1C400] =	vst v63  }
0x5d: {  	_ =	swait.ge [sflag:s8], $0x4000  }
0x5e: {  	[sflag:s8] =	ssyncset.done $0x0  }
0x5f: {  	[sflag:s8] =	ssyncadd.s32 $0xFFFFC000  }
0x60: {  	_ =	swait.ge [sflag:s12], $0x80  }
0x61: {  	[sflag:s12] =	ssyncset.done $0x0  }
0x62: {  	[sflag:s12] =	ssyncadd.s32 $0xFFFFFF80  }
0x63: {  	_ =	swait.ge [sflag:s13], $0x80  }
0x64: {  	[sflag:s13] =	ssyncset.done $0x0  }
0x65: {  	[sflag:s13] =	ssyncadd.s32 $0xFFFFFF80  }
0x66: {  	[tilespmem:s26], [sflag:$0x1] =	stream.indirect.gather [hbm4b:s4+s25], $0x80, s23, s25, $0xb8;
	[tilespmem:$0x1C400] =	vst v63  }
0x67: {  	_ =	swait.ge [sflag:s10], $0x4000  }
0x68: {  	[sflag:s10] =	ssyncset.done $0x0  }
0x69: {  	[sflag:s10] =	ssyncadd.s32 $0xFFFFC000  }
0x6a: {  	[spmem:s1] =	stream.indirect.scatter.add.f32 [tilespmem:s30], [sflag:$0x4], $0x80, s15, s25, $0xb8;
	[tilespmem:$0x1C400] =	vst v63  }
0x6b: {  	s15 =	sor.u32 $0x180, s18  }
0x6c: {  	s18 =	sor.u32 s15, s19  }
0x6d: {  	s0 =	sor.u32 s15, s0;
	s18 =	sshrl.u32 s18, $0x3  }
0x6e: {  	s23 =	simm.s32 $0x1C180;
	s0 =	sshrl.u32 s0, $0x3;
	s18 =	sadd.s32 s5, s18  }
0x6f: {  	[tilespmem:s23], [sflag:$0x8] =	stream.linear.gather [hbm4b:s18+s2], $0x80, $0x38;
	[tilespmem:$0x1C400] =	vst v63  }
0x70: {  	s0 =	sadd.s32 s7, s0  }
0x71: {  	[tilespmem:s24], [sflag:$0xC] =	stream.linear.gather [hbm4b:s0+s2], $0x80, $0x38;
	[tilespmem:$0x1C400] =	vst v63  }
0x72: {  	_ =	swait.ge [sflag:s16], $0x4000  }
0x73: {  	[sflag:s16] =	ssyncset.done $0x0  }
0x74: {  	[sflag:s16] =	ssyncadd.s32 $0xFFFFC000  }
0x75: {  	_ =	swait.ge [sflag:s14], $0x80  }
0x76: {  	[sflag:s14] =	ssyncset.done $0x0  }
0x77: {  	[sflag:s14] =	ssyncadd.s32 $0xFFFFFF80  }
0x78: {  	_ =	swait.ge [sflag:s21], $0x80  }
0x79: {  	[sflag:s21] =	ssyncset.done $0x0  }
0x7a: {  	p0 =	seq.s32 s22, $0x4E00;
	[sflag:s21] =	ssyncadd.s32 $0xFFFFFF80  }
0x7b: {  	[tilespmem:s30], [sflag:$0x2] =	stream.indirect.gather [hbm4b:s4+s25], $0x80, s23, s25, $0xb8;
	[tilespmem:$0x1C400] =	vst v63  }
.Ltmp2:
0x7c: {  	_ = 	snop;
	(pc) =	sbr.rel @p0 .LBB2_4-.Ltmp2, $4  }
0x7d: {  	_ =	swait.ge [sflag:s31], $0x4000  }
0x7e: {  	s11 =	simm.s32 $0x1C080;
	s3 =	simm.s32 $0x1C200;
	[sflag:s31] =	ssyncset.done $0x0  }
0x7f: {  	s15 =	simm.s32 $0x1C280;
	s23 =	simm.s32 $0x1C380;
	[sflag:s31] =	ssyncadd.s32 $0xFFFFC000  }
0x80: {  	[spmem:s1] =	stream.indirect.scatter.add.f32 [tilespmem:s26], [sflag:$0x3], $0x80, s20, s25, $0xb8;
	[tilespmem:$0x1C400] =	vst v63  }
0x81: {  	s0 =	sadd.s32 $0x200, s22  }
0x82: {  	s17 =	sand.u32 $0xFC00, s0  }
0x83: {  	s19 =	sand.u32 $0x200, s0;
	s18 =	sadd.s32 s9, s17  }
0x84: {  	s17 =	sadd.s32 s6, s17;
	s18 =	sor.u32 s19, s18  }
0x85: {  	s17 =	sor.u32 s19, s17;
	s18 =	sshrl.u32 s18, $0x3  }
0x86: {  	s20 =	simm.s32 $0x1C000;
	s17 =	sshrl.u32 s17, $0x3;
	s18 =	sadd.s32 s5, s18  }
0x87: {  	[tilespmem:s20], [sflag:$0x5] =	stream.linear.gather [hbm4b:s18+s2], $0x80, $0x38;
	[tilespmem:$0x1C400] =	vst v63  }
0x88: {  	s17 =	sadd.s32 s7, s17  }
0x89: {  	[tilespmem:s3], [sflag:$0x9] =	stream.linear.gather [hbm4b:s17+s2], $0x80, $0x38;
	[tilespmem:$0x1C400] =	vst v63  }
0x8a: {  	_ =	swait.ge [sflag:s8], $0x4000  }
0x8b: {  	[sflag:s8] =	ssyncset.done $0x0  }
0x8c: {  	s18 =	simm.s32 $0x5;
	[sflag:s8] =	ssyncadd.s32 $0xFFFFC000  }
0x8d: {  	_ =	swait.ge [sflag:s18], $0x80  }
0x8e: {  	[sflag:s18] =	ssyncset.done $0x0  }
0x8f: {  	s19 =	simm.s32 $0x9;
	[sflag:s18] =	ssyncadd.s32 $0xFFFFFF80  }
0x90: {  	_ =	swait.ge [sflag:s19], $0x80  }
0x91: {  	[sflag:s19] =	ssyncset.done $0x0  }
0x92: {  	[sflag:s19] =	ssyncadd.s32 $0xFFFFFF80  }
0x93: {  	[tilespmem:s26], [sflag:$0x1] =	stream.indirect.gather [hbm4b:s4+s25], $0x80, s20, s25, $0xb8;
	[tilespmem:$0x1C400] =	vst v63  }
0x94: {  	_ =	swait.ge [sflag:s10], $0x4000  }
0x95: {  	[sflag:s10] =	ssyncset.done $0x0  }
0x96: {  	s22 =	sadd.s32 $0x280, s22;
	[sflag:s10] =	ssyncadd.s32 $0xFFFFC000  }
0x97: {  	[spmem:s1] =	stream.indirect.scatter.add.f32 [tilespmem:s30], [sflag:$0x4], $0x80, s23, s25, $0xb8;
	[tilespmem:$0x1C400] =	vst v63  }
0x98: {  	s23 =	sand.u32 $0xFC00, s22  }
0x99: {  	s15 =	simm.s32 $0x1C280;
	s17 =	sand.u32 $0x280, s22;
	s24 =	sadd.s32 s9, s23  }
0x9a: {  	s3 =	simm.s32 $0x1C200;
	s18 =	sadd.s32 s6, s23;
	s19 =	sor.u32 s17, s24  }
.Ltmp3:
0x9b: {  	s17 =	sor.u32 s17, s18;
	s19 =	sshrl.u32 s19, $0x3;
	(pc) =	sbr.rel .LBB2_2-.Ltmp3, $4  }
0x9c: {  	s22 =	smov.u32 s0;
	s17 =	sshrl.u32 s17, $0x3;
	s19 =	sadd.s32 s5, s19  }
0x9d: {  	[tilespmem:s11], [sflag:$0x6] =	stream.linear.gather [hbm4b:s19+s2], $0x80, $0x38;
	[tilespmem:$0x1C400] =	vst v63  }
0x9e: {  	s24 =	simm.s32 $0x1C380;
	s17 =	sadd.s32 s7, s17;
	s11 =	simm.s32 $0x1C080  }
0x9f: {  	[tilespmem:s15], [sflag:$0xA] =	stream.linear.gather [hbm4b:s17+s2], $0x80, $0x38;
	[tilespmem:$0x1C400] =	vst v63  }
.LBB2_5:
0xa0: {  	_ =	sfence.sel $0x180000  }
0xa1: {  	[bflag:$0x0] =	sbarrier.arrive $0xFFFF  }
0xa2: {  	_ =	strace $0x9000004A  }
0xa3: {  	s0 =	stileid.u32;
	[bflag:$0x2] =	sbarrier.arrive $0xFFFF  }
0xa4: {  	p0 =	sne.s32 s0, $0x0;
	s0 =	rddreg [dreg:$0x3]  }
0xa5: {  	s0 =	sadd.s32 @!p0 $0x100000, s0  }
0xa6: {  	[sflag:s0] =	ssyncadd.tile.s32 @!p0 $0x1;
	_ =	shalt  }
.Lfunc_end2:
_tile_overlayer_lowered:
.L_overlay_start_2:
0xa7: {  	(tag) =	ssettag $0x2  }
0xa8: {  	s0 =	rddreg [dreg:$0x0];
	s2 =	stileid.u32  }
0xa9: {  	s1 =	rddreg [dreg:$0x1];
	p0 =	sne.s32 s2, $0x0  }
0xaa: {  	s3 =	rddreg [dreg:$0x2];
	[bflag:$0x3] =	sbarrier.arrive $0xFFFF;
	s2 =	simm.s32 @!p0 $0x1C0D  }
0xab: {  	[timem:s3], [sflag:s2] =	dma.local @!p0 [hbm:s0], s1  }
0xac: {  	s0 =	simm.s32 @!p0 $0xD  }
0xad: {  	_ =	swait.ge @!p0 [sflag:s0], s1  }
0xae: {  	s1 =	ssub.s32 @!p0 $0x0, s1;
	[sflag:s0] =	ssyncset.done @!p0 $0x0  }
0xaf: {  	[sflag:s0] =	ssyncadd.s32 @!p0 s1  }
0xb0: {  	[bflag:$0x3] =	sbarrier.arrive $0xFFFF  }
0xb1: {  	_ =	shalt  }

// kernel: kernel.16.cloned.1.call-start
scs
__scs_entry_jumppad:
0x0: {  	(pc) =	sbr.rel $0x88, $3  }
0x1: {  	(tag) =	ssettag $0x0;
	lr =	simm.s32 $0x1  }
0x2: {  	[smem:$0x3F99] =	sst lr;
	_ =	strace $0xD0000000  }
0x3: {  	_ = 	snop  }
0x4: {  	_ = 	snop  }
0x5: {  	_ = 	snop  }
0x6: {  	_ = 	snop  }
0x7: {  	_ = 	snop  }
__scs_overlays_trampoline_lowered:
0x8: {  	[smem:$0x3FA8] =	sst s0  }
0x9: {  	[smem:$0x3FA9] =	sst s1  }
0xa: {  	[smem:$0x3FAA] =	sst s2  }
0xb: {  	[smem:$0x3FAB] =	sst s3  }
0xc: {  	[smem:$0x3FAC] =	sst s4  }
0xd: {  	[smem:$0x3FAD] =	sst s5  }
0xe: {  	[smem:$0x3FAE] =	sst s6  }
0xf: {  	[smem:$0x3FAF] =	sst s7  }
0x10: {  	[smem:$0x3FB0] =	sst s8  }
0x11: {  	[smem:$0x3FB1] =	sst s9;
	s0 =	simm.s32 @!p0 $0x0  }
0x12: {  	s1 =	sld [smem:$0x3F97];
	s0 =	simm.s32 @p0 $0x1  }
0x13: {  	[smem:$0x3FB2] =	sst s0;
	s0 =	simm.s32 @!p1 $0x0  }
0x14: {  	s2 =	sld [smem:$0x3F96];
	s0 =	simm.s32 @p1 $0x1  }
0x15: {  	[smem:$0x3FB3] =	sst s0;
	s0 =	simm.s32 @!p2 $0x0  }
0x16: {  	s3 =	sld [smem:$0x3FDB];
	s0 =	simm.s32 @p2 $0x1  }
0x17: {  	s4 =	simm.s32 $0x1BF5;
	[smem:$0x3FB5] =	sst s0  }
0x18: {  	s0 =	sld [smem:$0x3F98];
	_ =	swait.ge [sflag:s4], $0x0  }
0x19: {  	s7 =	sld [smem:$0x3F99]  }
0x1a: {  	s8 =	sadd.s32 $0xFFFFE003, lr  }
0x1b: {  	s9 =	sadd.s32 $0xFFFFFEF7, lr;
	s5 =	simm.s32 $0xFFFFFFFF;
	p2 =	slt.u32 s8, $0xFFFFF086  }
0x1c: {  	p1 =	slt.u32 s9, $0xF7A;
	s5 =	simm.s32 @!p2 $0x0  }
0x1d: {  	s5 =	simm.s32 @p1 $0x1;
	p0 =	seq.s32 s7, s2  }
0x1e: {  	s7 =	smul.u32 @!p0 $0xF7A, s2;
	p2 =	seq.s32 @!p0 s5, $0x0  }
0x1f: {  	s9 =	smul.u32 $0xF7A, s1;
	s8 =	simm.s32 @!p0 $0x1BF5;
	p2 =	por !p2, p0  }
0x20: {  	[sflag:s8] =	ssyncset.s32 @!p0 $0xFFFFF086;
	s6 =	sadd.s32 @!p0 s3, s7;
	s7 =	simm.s32 @!p0 $0x108  }
0x21: {  	s3 =	sadd.s32 s3, s9;
	s6 =	sadd.s32 @!p0 $0x88, s6;
	s7 =	simm.s32 @p2 $0x1082  }
0x22: {  	[simem:s7], [sflag:s8] =	dma.local @!p0 [hbm:s6], $0xF7A  }
0x23: {  	s9 =	sor.u32 $0xD0000000, s2;
	s6 =	simm.s32 $0x108;
	_ =	swait.ge @!p0 [sflag:s8], $0x0  }
0x24: {  	s3 =	sadd.s32 $0x88, s3;
	s6 =	simm.s32 @!p1 $0x1082;
	[sflag:s4] =	ssyncset.s32 $0xFFFFF086  }
0x25: {  	[simem:s6], [sflag:s4] =	dma.local [hbm:s3], $0xF7A  }
0x26: {  	[smem:$0x3F99] =	sst s1;
	(tag) =	ssettag s2;
	_ =	strace s9  }
0x27: {  	s1 =	sld [smem:$0x3FA9]  }
0x28: {  	s2 =	sld [smem:$0x3FAA]  }
0x29: {  	s4 =	sld [smem:$0x3FAC]  }
0x2a: {  	p0 =	seq.s32 s5, $0x0;
	s5 =	sld [smem:$0x3FAD]  }
0x2b: {  	s6 =	sld [smem:$0x3FAE]  }
0x2c: {  	s7 =	sld [smem:$0x3FAF]  }
0x2d: {  	s3 =	simm.s32 $0x108;
	s8 =	sld [smem:$0x3FB0]  }
0x2e: {  	s3 =	simm.s32 @!p0 $0x1082;
	s9 =	sld [smem:$0x3FB1]  }
0x2f: {  	lr =	sadd.s32 s0, s3;
	s0 =	sld [smem:$0x3FA8]  }
0x30: {  	s3 =	sld [smem:$0x3FAB]  }
0x31: {  	[smem:$0x3FB4] =	sst s10  }
0x32: {  	s10 =	sld [smem:$0x3FB2];
	_ =	sdelay $0x3  }
0x33: {  	p0 =	seq.s32 s10, $0x1;
	s10 =	sld [smem:$0x3FB4];
	_ =	sdelay $0x3  }
0x34: {  	[smem:$0x3FB4] =	sst s10  }
0x35: {  	s10 =	sld [smem:$0x3FB3];
	_ =	sdelay $0x3  }
0x36: {  	p1 =	seq.s32 s10, $0x1;
	s10 =	sld [smem:$0x3FB4];
	_ =	sdelay $0x3  }
0x37: {  	[smem:$0x3FB4] =	sst s10  }
0x38: {  	s10 =	sld [smem:$0x3FB5]  }
0x39: {  	_ = 	snop;
	(pc) =	sbr.ind lr, $3  }
0x3a: {  	_ = 	snop  }
0x3b: {  	_ = 	snop  }
0x3c: {  	p2 =	seq.s32 s10, $0x1;
	s10 =	sld [smem:$0x3FB4]  }
0x3d: {  	_ =	shalt  }
0x3e: {  	_ =	shalt  }
0x3f: {  	_ =	shalt  }
0x40: {  	_ =	shalt  }
0x41: {  	_ =	shalt  }
0x42: {  	_ =	shalt  }
0x43: {  	_ =	shalt  }
0x44: {  	_ =	shalt  }
0x45: {  	_ =	shalt  }
0x46: {  	_ =	shalt  }
0x47: {  	_ =	shalt  }
0x48: {  	_ =	shalt  }
0x49: {  	_ =	shalt  }
0x4a: {  	_ =	shalt  }
0x4b: {  	_ =	shalt  }
0x4c: {  	_ =	shalt  }
0x4d: {  	_ =	shalt  }
0x4e: {  	_ =	shalt  }
0x4f: {  	_ =	shalt  }
0x50: {  	_ =	shalt  }
0x51: {  	_ =	shalt  }
0x52: {  	_ =	shalt  }
0x53: {  	_ =	shalt  }
0x54: {  	_ =	shalt  }
0x55: {  	_ =	shalt  }
0x56: {  	_ =	shalt  }
0x57: {  	_ =	shalt  }
0x58: {  	_ =	shalt  }
0x59: {  	_ =	shalt  }
0x5a: {  	_ =	shalt  }
0x5b: {  	_ =	shalt  }
0x5c: {  	_ =	shalt  }
0x5d: {  	_ =	shalt  }
0x5e: {  	_ =	shalt  }
0x5f: {  	_ =	shalt  }
0x60: {  	_ =	shalt  }
0x61: {  	_ =	shalt  }
0x62: {  	_ =	shalt  }
0x63: {  	_ =	shalt  }
0x64: {  	_ =	shalt  }
0x65: {  	_ =	shalt  }
0x66: {  	_ =	shalt  }
0x67: {  	_ =	shalt  }
0x68: {  	_ =	shalt  }
0x69: {  	_ =	shalt  }
0x6a: {  	_ =	shalt  }
0x6b: {  	_ =	shalt  }
0x6c: {  	_ =	shalt  }
0x6d: {  	_ =	shalt  }
0x6e: {  	_ =	shalt  }
0x6f: {  	_ =	shalt  }
0x70: {  	_ =	shalt  }
0x71: {  	_ =	shalt  }
0x72: {  	_ =	shalt  }
0x73: {  	_ =	shalt  }
0x74: {  	_ =	shalt  }
0x75: {  	_ =	shalt  }
0x76: {  	_ =	shalt  }
0x77: {  	_ =	shalt  }
0x78: {  	_ =	shalt  }
0x79: {  	_ =	shalt  }
0x7a: {  	_ =	shalt  }
0x7b: {  	_ =	shalt  }
0x7c: {  	_ =	shalt  }
0x7d: {  	_ =	shalt  }
0x7e: {  	_ =	shalt  }
0x7f: {  	_ =	shalt  }
0x80: {  	_ =	shalt  }
0x81: {  	_ =	shalt  }
0x82: {  	_ =	shalt  }
0x83: {  	_ =	shalt  }
0x84: {  	_ =	shalt  }
0x85: {  	_ =	shalt  }
0x86: {  	_ =	shalt  }
0x87: {  	_ =	shalt  }
.Lfunc_end0:
.L_simem_size_0:
called_computation.2_lowered:
.L_overlay_start_0:
0x88: {  	s2 =	sld [smem:$0x3FD9]  }
0x89: {  	s3 =	sld [smem:$0x3FFE];
	_ =	sdelay $0x1  }
0x8a: {  	s1 =	srdreg.scid  }
0x8b: {  	s0 =	sand.u32 $0x1, s1  }
0x8c: {  	s17 =	sshll.u32 s0, $0xA;
	s2 =	sadd.s32 s3, s2  }
0x8d: {  	s2 =	sadd.s32 s2, s17  }
0x8e: {  	[smem:$0x3FC0] =	sst s2  }
0x8f: {  	_ = 	snop  }
0x90: {  	(tm) =	ssettm $0x1  }
0x91: {  	s18 =	sld [smem:$0x3FFB];
	_ =	sdelay $0x3  }
0x92: {  	_ =	strace s18  }
0x93: {  	s2 =	sld [smem:$0x3FFC];
	_ =	sdelay $0x3  }
0x94: {  	_ =	strace s2  }
0x95: {  	s2 =	sld [smem:$0x3FFD];
	_ =	sdelay $0x3  }
0x96: {  	_ =	strace s2  }
0x97: {  	_ =	strace $0x8FFFFFFF  }
0x98: {  	s19 =	sld [smem:$0x3FDB];
	_ =	sdelay $0x1  }
0x99: {  	s20 =	simm.s32 $_scs_section_size  }
0x9a: {  	s4 =	simm.s32 $_size__tile_overlayer_lowered;
	s5 =	simm.s32 $_tile_overlayer_lowered  }
0x9b: {  	s6 =	simm.s32 $0x1BFF;
	s21 =	sshll.u32 s5, $0x1;
	s3 =	sadd.s32 s20, s19  }
0x9c: {  	s22 =	simm.s32 $0x0;
	s4 =	sshll.u32 s4, $0x1;
	s5 =	sadd.s32 s21, s3  }
0x9d: {  	[timem:s22], [sflag:s6] =	dma.local [hbm:s5], s4  }
0x9e: {  	_ =	swait.ge [sflag:s6], s4  }
0x9f: {  	s4 =	ssub.s32 $0x0, s4;
	[sflag:s6] =	ssyncset.done $0x0  }
0xa0: {  	[sflag:s6] =	ssyncadd.s32 s4;
	_ =	sdelay $0x1  }
0xa1: {  	s23 =	simm.s32 $0x1B8B  }
0xa2: {  	_ =	swait.ge [sflag:s23], $0x1  }
0xa3: {  	[sflag:s23] =	ssyncset.done $0x0  }
0xa4: {  	[sflag:s23] =	ssyncadd.s32 $0xFFFFFFFF  }
0xa5: {  	s4 =	sld [smem:$0x0]  }
0xa6: {  	s5 =	sand.u32 $0xFFFFFFFE, s1  }
0xa7: {  	p0 =	sne.s32 s1, s5  }
0xa8: {  	s5 =	sshll.u32 @p0 s5, $0xE  }
0xa9: {  	s5 =	sadd.s32 @p0 $0x11B8D, s5;
	s6 =	sshll.u32 @p0 s4, $0x11  }
0xaa: {  	s5 =	sor.u32 @p0 s6, s5  }
0xab: {  	[sflag:s5] =	ssyncadd.remote.s32 @p0 $0x1;
	_ =	sdelay $0x1  }
0xac: {  	s5 =	simm.s32 @p0 $0x1B8D  }
0xad: {  	_ =	swait.eq @p0 [sflag:s5], $0x1  }
0xae: {  	[sflag:s5] =	ssyncadd.s32 @p0 $0xFFFFFFFF  }
0xaf: {  	s6 =	sshll.u32 @!p0 s1, $0xE  }
0xb0: {  	s6 =	sor.u32 @!p0 $0x4000, s6;
	s5 =	simm.s32 @!p0 $0x1B8D  }
0xb1: {  	s4 =	sshll.u32 @!p0 s4, $0x11;
	s6 =	sadd.s32 @!p0 $0x11B8D, s6;
	_ =	swait.eq @!p0 [sflag:s5], $0x1  }
0xb2: {  	s4 =	sor.u32 @!p0 s4, s6;
	[sflag:s5] =	ssyncadd.s32 @!p0 $0xFFFFFFFF  }
0xb3: {  	s25 =	simm.s32 $0x1B8E;
	s24 =	sld [smem:$0x3FFE];
	[sflag:s4] =	ssyncadd.remote.s32 @!p0 $0x1  }
0xb4: {  	s26 =	simm.s32 $execute0_lowered;
	[smem:$0x3FD2] =	sst s25  }
0xb5: {  	s5 =	sshll.u32 s26, $0x1;
	_ =	strace $0x8000004C;
	[dreg:$0x1] =	wrdreg $0xFFFFFFFF  }
0xb6: {  	s28 =	simm.s32 $_size_execute0_lowered;
	s3 =	sadd.s32 s3, s5;
	[dreg:$0x0] =	wrdreg $0x0  }
0xb7: {  	s5 =	sshll.u32 s28, $0x1;
	[dreg:$0x2] =	wrdreg s3  }
0xb8: {  	[dreg:$0x3] =	wrdreg s5  }
0xb9: {  	[dreg:$0x4] =	wrdreg $0xC0  }
0xba: {  	_ =	task [dreg:s22], $0x5FFFF  }
0xbb: {  	[dreg:$0x1] =	wrdreg $0xFFFFFFFF  }
0xbc: {  	[dreg:$0x0] =	wrdreg $0x60  }
0xbd: {  	[dreg:$0x2] =	wrdreg s24  }
0xbe: {  	[dreg:$0x3] =	wrdreg $0x0  }
0xbf: {  	[dreg:$0x4] =	wrdreg $0xA  }
0xc0: {  	_ =	task.clear_ibuf [dreg:s22], $0x5FFFF;
	_ =	strace $0x9000004C  }
0xc1: {  	s29 =	simm.s32 $0xA;
	_ =	strace $0x8000004E  }
0xc2: {  	_ =	swait.ge [sflag:s29], $0x1  }
0xc3: {  	[sflag:s29] =	ssyncadd.s32 $0xFFFFFFFF  }
0xc4: {  	_ =	strace $0x9000004E  }
0xc5: {  	_ =	sfence  }
0xc6: {  	s30 =	sld [smem:$0x0];
	_ =	sdelay $0x2  }
0xc7: {  	s31 =	sshll.u32 s1, $0xD;
	s1 =	sshrl.u32 s1, $0x2  }
0xc8: {  	s4 =	sand.u32 $0x4000, s31;
	s1 =	sadd.s32 s1, s30  }
0xc9: {  	s0 =	sor.u32 s4, s0;
	s1 =	sshll.u32 s1, $0x11  }
0xca: {  	s0 =	sor.u32 s1, s0  }
0xcb: {  	s0 =	sadd.s32 $0x8F2B, s0  }
0xcc: {  	[sflag:s0] =	ssyncadd.remote.s32 $0x1  }
0xcd: {  	_ =	sfence.sel $0xFFFF  }
0xce: {  	[dreg:$0x0] =	wrdreg $0xFFFFFFFF;
	(pc) =	sbr.abs _section_cstart, $3  }
0xcf: {  	[dreg:$0x1] =	wrdreg $0xFFFFFFFF  }
0xd0: {  	_ =	task.clear_ibuf [dreg:s22], $0x2FFFF;
	_ =	strace $0x9FFFFFFF  }
0xd1: {  	(tm) =	ssettm $0x7FFFFFFF  }
tec
execute0_lowered:
.L_overlay_start_1:
0x0: {  	(tag) =	ssettag $0x1  }
0x1: {  	s0 =	rddreg [dreg:$0x0]  }
0x2: {  	s1 =	rddreg [dreg:$0x1]  }
0x3: {  	s2 =	srdreg.scid;
	s3 =	simm.s32 $0x0;
	s12 =	stileid.u32  }
0x4: {  	s15 =	simm.s32 $0x1C280;
	s28 =	simm.s32 $0x6;
	s29 =	simm.s32 $0xA  }
0x5: {  	s30 =	simm.s32 $0x18000;
	s31 =	simm.s32 $0x1;
	s16 =	simm.s32 $0x4  }
0x6: {  	s14 =	simm.s32 $0x8;
	s18 =	simm.s32 $0x0;
	s2 =	sand.u32 $0x1, s2  }
0x7: {  	[smem:$0x7FF] =	sst s3;
	s9 =	smul.u32 $0x14000, s12;
	s4 =	sadd.s32 $0x73400, s0  }
0x8: {  	s5 =	sadd.s32 $0xCC00, s0;
	s6 =	smul.u32 $0x5000, s12;
	s7 =	sadd.s32 $0x2000, s0  }
0x9: {  	s11 =	sadd.s32 $0x70C00, s0;
	s21 =	smul.u32 $0x50000, s12;
	s25 =	sshll.u32 s12, $0x6  }
0xa: {  	s12 =	simm.s32 $0x7;
	s8 =	smul.u32 $0x140000, s2;
	_ =	strace $0x8000004D  }
0xb: {  	s10 =	smul.u32 $0x50000, s2;
	[dreg:$0x3] =	wrdreg s11;
	s2 =	ssub.s32 $0x2, s2  }
0xc: {  	s17 =	sor.u32 $0x1C0D, s25;
	s11 =	simm.s32 $0x1C080;
	s25 =	simm.s32 $0x80  }
0xd: {  	s19 =	sshrl.u32 s2, $0x1;
	s20 =	sshrl.u32 s6, $0x3;
	s24 =	sshrl.u32 s21, $0x2  }
0xe: {  	s21 =	simm.s32 $0xC;
	[dreg:$0x8] =	wrdreg s17;
	s8 =	sadd.s32 s9, s8  }
0xf: {  	s9 =	sadd.s32 s6, s10;
	s2 =	ssub.s32 s2, s19;
	s22 =	sadd.s32 s7, s20  }
0x10: {  	s20 =	simm.s32 $0xD;
	s8 =	sshrl.u32 s8, $0x3;
	s10 =	sshrl.u32 s9, $0x3  }
0x11: {  	[dreg:$0x5] =	wrdreg s22;
	s26 =	smax.u32 s2, $0x1;
	s2 =	simm.s32 $0x1C200  }
0x12: {  	s0 =	sadd.s32 s8, s0;
	s13 =	sadd.s32 s5, s10;
	[dreg:$0xa] =	wrdreg s26  }
.Ltmp0:
0x13: {  	s8 =	sadd.s32 $0x10, s22;
	[dreg:$0x4] =	wrdreg s13;
	(pc) =	sbr.rel .LBB2_1-.Ltmp0, $4  }
0x14: {  	s26 =	simm.s32 $0x14000;
	s23 =	sadd.s32 $0x10, s13;
	[dreg:$0x7] =	wrdreg s8  }
0x15: {  	s8 =	sadd.s32 s24, s1;
	s0 =	sadd.s32 $0xC3400, s0;
	[dreg:$0x6] =	wrdreg s23  }
0x16: {  	s10 =	simm.s32 $0x2;
	[dreg:$0x9] =	wrdreg s0;
	s19 =	sshrl.u32 s8, $0x3  }
0x17: {  	s13 =	simm.s32 $0xB;
	s8 =	simm.s32 $0x3;
	[dreg:$0xb] =	wrdreg s19  }
.LBB2_4:
0x18: {  	_ =	swait.ge [sflag:s10], $0x4000  }
0x19: {  	[sflag:s10] =	ssyncset.done $0x0  }
0x1a: {  	[sflag:s10] =	ssyncadd.s32 $0xFFFFC000  }
0x1b: {  	[spmem:s1] =	stream.indirect.scatter.add.f32 [tilespmem:s30], [sflag:$0x4], $0x80, s23, s25, $0xb8;
	[tilespmem:$0x1C400] =	vst v63  }
0x1c: {  	_ =	swait.ge [sflag:s8], $0x4000  }
0x1d: {  	[sflag:s8] =	ssyncset.done $0x0  }
0x1e: {  	[sflag:s8] =	ssyncadd.s32 $0xFFFFC000  }
0x1f: {  	_ =	swait.ge [sflag:s16], $0x4000  }
0x20: {  	[sflag:s16] =	ssyncset.done $0x0  }
0x21: {  	[sflag:s16] =	ssyncadd.s32 $0xFFFFC000  }
0x22: {  	[bflag:$0x0] =	sbarrier.arrive $0xFFFF  }
0x23: {  	s17 =	rddreg [dreg:$0x8]  }
0x24: {  	s0 =	rddreg [dreg:$0x9]  }
0x25: {  	s20 =	simm.s32 $0xD;
	s19 =	rddreg [dreg:$0xb]  }
0x26: {  	[hbm:s0], [sflag:s17] =	dma.local [spmem:s19], $0x2800  }
0x27: {  	_ =	swait.ge [sflag:s20], $0x2800  }
0x28: {  	s18 =	rddreg [dreg:$0xc]  }
0x29: {  	s24 =	rddreg [dreg:$0xa];
	s18 =	sadd.s32 $0x1, s18  }
0x2a: {  	p0 =	sne.s32 s18, s24  }
.Ltmp1:
0x2b: {  	_ = 	snop;
	(pc) =	sbr.rel @!p0 .LBB2_5-.Ltmp1, $4  }
0x2c: {  	[sflag:s20] =	ssyncset.done $0x0  }
0x2d: {  	[sflag:s20] =	ssyncadd.s32 $0xFFFFD800  }
0x2e: {  	[bflag:$0x0] =	sbarrier.arrive $0xFFFF  }
0x2f: {  	s2 =	simm.s32 $0x1C200;
	s11 =	simm.s32 $0x1C080  }
.LBB2_1:
0x30: {  	[dreg:$0xc] =	wrdreg s18  }
0x31: {  	s0 =	rddreg [dreg:$0x4]  }
0x32: {  	s18 =	simm.s32 $0x1C000;
	s22 =	rddreg [dreg:$0x5]  }
0x33: {  	[tilespmem:s18], [sflag:$0x5] =	stream.linear.gather [hbm4b:s0+s3], $0x80, $0x38;
	[tilespmem:$0x1C400] =	vst v63  }
0x34: {  	s23 =	rddreg [dreg:$0x6]  }
0x35: {  	[tilespmem:s2], [sflag:$0x9] =	stream.linear.gather [hbm4b:s22+s3], $0x80, $0x38;
	[tilespmem:$0x1C400] =	vst v63  }
0x36: {  	s24 =	rddreg [dreg:$0x7]  }
0x37: {  	[tilespmem:s11], [sflag:$0x6] =	stream.linear.gather [hbm4b:s23+s3], $0x80, $0x38;
	[tilespmem:$0x1C400] =	vst v63  }
0x38: {  	s22 =	rddreg [dreg:$0x3]  }
0x39: {  	[tilespmem:s15], [sflag:$0xA] =	stream.linear.gather [hbm4b:s24+s3], $0x80, $0x38;
	[tilespmem:$0x1C400] =	vst v63  }
0x3a: {  	[spmem:s19], [sflag:s17] =	dma.local [hbm:s22], $0x2800  }
0x3b: {  	_ =	swait.ge [sflag:s20], $0x2800  }
0x3c: {  	[sflag:s20] =	ssyncset.done $0x0  }
0x3d: {  	[sflag:s20] =	ssyncadd.s32 $0xFFFFD800  }
0x3e: {  	s23 =	simm.s32 $0x5;
	[bflag:$0x0] =	sbarrier.arrive $0xFFFF  }
0x3f: {  	_ =	swait.ge [sflag:s23], $0x80  }
0x40: {  	[sflag:s23] =	ssyncset.done $0x0  }
0x41: {  	s24 =	simm.s32 $0x9;
	[sflag:s23] =	ssyncadd.s32 $0xFFFFFF80  }
0x42: {  	_ =	swait.ge [sflag:s24], $0x80  }
0x43: {  	s15 =	simm.s32 $0x1C280;
	[sflag:s24] =	ssyncset.done $0x0  }
0x44: {  	s22 =	simm.s32 $0x0;
	[sflag:s24] =	ssyncadd.s32 $0xFFFFFF80;
	s24 =	simm.s32 $0x1C380  }
0x45: {  	[tilespmem:s26], [sflag:$0x1] =	stream.indirect.gather [hbm4b:s4+s25], $0x80, s18, s25, $0xb8;
	[tilespmem:$0x1C400] =	vst v63  }
.LBB2_2:
0x46: {  	p0 =	seq.s32 s22, $0x0  }
0x47: {  	s17 =	simm.s32 @!p0 $0x4  }
0x48: {  	_ =	swait.ge @!p0 [sflag:s17], $0x4000  }
0x49: {  	[sflag:s17] =	ssyncset.done @!p0 $0x0  }
0x4a: {  	[sflag:s17] =	ssyncadd.s32 @!p0 $0xFFFFC000  }
0x4b: {  	_ =	swait.ge [sflag:s28], $0x80  }
0x4c: {  	[sflag:s28] =	ssyncset.done $0x0  }
0x4d: {  	[sflag:s28] =	ssyncadd.s32 $0xFFFFFF80  }
0x4e: {  	_ =	swait.ge [sflag:s29], $0x80  }
0x4f: {  	[sflag:s29] =	ssyncset.done $0x0  }
0x50: {  	s18 =	sand.u32 $0x200, s22;
	s17 =	sand.u32 $0x7C00, s22;
	[sflag:s29] =	ssyncadd.s32 $0xFFFFFF80  }
0x51: {  	[tilespmem:s30], [sflag:$0x2] =	stream.indirect.gather [hbm4b:s4+s25], $0x80, s11, s25, $0xb8;
	[tilespmem:$0x1C400] =	vst v63  }
0x52: {  	s20 =	sor.u32 $0x100, s18;
	s19 =	sadd.s32 s9, s17;
	_ =	swait.ge [sflag:s31], $0x4000  }
0x53: {  	s0 =	sor.u32 s20, s19;
	[sflag:s31] =	ssyncset.done $0x0  }
0x54: {  	s0 =	sshrl.u32 s0, $0x3;
	[sflag:s31] =	ssyncadd.s32 $0xFFFFC000  }
0x55: {  	[spmem:s1] =	stream.indirect.scatter.add.f32 [tilespmem:s26], [sflag:$0x3], $0x80, s2, s25, $0xb8;
	[tilespmem:$0x1C400] =	vst v63  }
0x56: {  	s23 =	simm.s32 $0x1C100;
	s0 =	sadd.s32 s5, s0  }
0x57: {  	[tilespmem:s23], [sflag:$0x7] =	stream.linear.gather [hbm4b:s0+s3], $0x80, $0x38;
	[tilespmem:$0x1C400] =	vst v63  }
0x58: {  	s0 =	sadd.s32 s6, s17  }
0x59: {  	s17 =	sor.u32 s20, s0  }
0x5a: {  	s17 =	sshrl.u32 s17, $0x3  }
0x5b: {  	s20 =	simm.s32 $0x1C300;
	s17 =	sadd.s32 s7, s17  }
0x5c: {  	[tilespmem:s20], [sflag:$0xB] =	stream.linear.gather [hbm4b:s17+s3], $0x80, $0x38;
	[tilespmem:$0x1C400] =	vst v63  }
0x5d: {  	_ =	swait.ge [sflag:s8], $0x4000  }
0x5e: {  	[sflag:s8] =	ssyncset.done $0x0  }
0x5f: {  	[sflag:s8] =	ssyncadd.s32 $0xFFFFC000  }
0x60: {  	_ =	swait.ge [sflag:s12], $0x80  }
0x61: {  	[sflag:s12] =	ssyncset.done $0x0  }
0x62: {  	[sflag:s12] =	ssyncadd.s32 $0xFFFFFF80  }
0x63: {  	_ =	swait.ge [sflag:s13], $0x80  }
0x64: {  	[sflag:s13] =	ssyncset.done $0x0  }
0x65: {  	[sflag:s13] =	ssyncadd.s32 $0xFFFFFF80  }
0x66: {  	[tilespmem:s26], [sflag:$0x1] =	stream.indirect.gather [hbm4b:s4+s25], $0x80, s23, s25, $0xb8;
	[tilespmem:$0x1C400] =	vst v63  }
0x67: {  	_ =	swait.ge [sflag:s10], $0x4000  }
0x68: {  	[sflag:s10] =	ssyncset.done $0x0  }
0x69: {  	[sflag:s10] =	ssyncadd.s32 $0xFFFFC000  }
0x6a: {  	[spmem:s1] =	stream.indirect.scatter.add.f32 [tilespmem:s30], [sflag:$0x4], $0x80, s15, s25, $0xb8;
	[tilespmem:$0x1C400] =	vst v63  }
0x6b: {  	s15 =	sor.u32 $0x180, s18  }
0x6c: {  	s18 =	sor.u32 s15, s19  }
0x6d: {  	s0 =	sor.u32 s15, s0;
	s18 =	sshrl.u32 s18, $0x3  }
0x6e: {  	s23 =	simm.s32 $0x1C180;
	s0 =	sshrl.u32 s0, $0x3;
	s18 =	sadd.s32 s5, s18  }
0x6f: {  	[tilespmem:s23], [sflag:$0x8] =	stream.linear.gather [hbm4b:s18+s3], $0x80, $0x38;
	[tilespmem:$0x1C400] =	vst v63  }
0x70: {  	s0 =	sadd.s32 s7, s0  }
0x71: {  	[tilespmem:s24], [sflag:$0xC] =	stream.linear.gather [hbm4b:s0+s3], $0x80, $0x38;
	[tilespmem:$0x1C400] =	vst v63  }
0x72: {  	_ =	swait.ge [sflag:s16], $0x4000  }
0x73: {  	[sflag:s16] =	ssyncset.done $0x0  }
0x74: {  	[sflag:s16] =	ssyncadd.s32 $0xFFFFC000  }
0x75: {  	_ =	swait.ge [sflag:s14], $0x80  }
0x76: {  	[sflag:s14] =	ssyncset.done $0x0  }
0x77: {  	[sflag:s14] =	ssyncadd.s32 $0xFFFFFF80  }
0x78: {  	_ =	swait.ge [sflag:s21], $0x80  }
0x79: {  	[sflag:s21] =	ssyncset.done $0x0  }
0x7a: {  	p0 =	seq.s32 s22, $0x4E00;
	[sflag:s21] =	ssyncadd.s32 $0xFFFFFF80  }
0x7b: {  	[tilespmem:s30], [sflag:$0x2] =	stream.indirect.gather [hbm4b:s4+s25], $0x80, s23, s25, $0xb8;
	[tilespmem:$0x1C400] =	vst v63  }
.Ltmp2:
0x7c: {  	_ = 	snop;
	(pc) =	sbr.rel @p0 .LBB2_4-.Ltmp2, $4  }
0x7d: {  	_ =	swait.ge [sflag:s31], $0x4000  }
0x7e: {  	s11 =	simm.s32 $0x1C080;
	s2 =	simm.s32 $0x1C200;
	[sflag:s31] =	ssyncset.done $0x0  }
0x7f: {  	s15 =	simm.s32 $0x1C280;
	s23 =	simm.s32 $0x1C380;
	[sflag:s31] =	ssyncadd.s32 $0xFFFFC000  }
0x80: {  	[spmem:s1] =	stream.indirect.scatter.add.f32 [tilespmem:s26], [sflag:$0x3], $0x80, s20, s25, $0xb8;
	[tilespmem:$0x1C400] =	vst v63  }
0x81: {  	s0 =	sadd.s32 $0x200, s22  }
0x82: {  	s17 =	sand.u32 $0xFC00, s0  }
0x83: {  	s19 =	sand.u32 $0x200, s0;
	s18 =	sadd.s32 s9, s17  }
0x84: {  	s17 =	sadd.s32 s6, s17;
	s18 =	sor.u32 s19, s18  }
0x85: {  	s17 =	sor.u32 s19, s17;
	s18 =	sshrl.u32 s18, $0x3  }
0x86: {  	s20 =	simm.s32 $0x1C000;
	s17 =	sshrl.u32 s17, $0x3;
	s18 =	sadd.s32 s5, s18  }
0x87: {  	[tilespmem:s20], [sflag:$0x5] =	stream.linear.gather [hbm4b:s18+s3], $0x80, $0x38;
	[tilespmem:$0x1C400] =	vst v63  }
0x88: {  	s17 =	sadd.s32 s7, s17  }
0x89: {  	[tilespmem:s2], [sflag:$0x9] =	stream.linear.gather [hbm4b:s17+s3], $0x80, $0x38;
	[tilespmem:$0x1C400] =	vst v63  }
0x8a: {  	_ =	swait.ge [sflag:s8], $0x4000  }
0x8b: {  	[sflag:s8] =	ssyncset.done $0x0  }
0x8c: {  	s18 =	simm.s32 $0x5;
	[sflag:s8] =	ssyncadd.s32 $0xFFFFC000  }
0x8d: {  	_ =	swait.ge [sflag:s18], $0x80  }
0x8e: {  	[sflag:s18] =	ssyncset.done $0x0  }
0x8f: {  	s19 =	simm.s32 $0x9;
	[sflag:s18] =	ssyncadd.s32 $0xFFFFFF80  }
0x90: {  	_ =	swait.ge [sflag:s19], $0x80  }
0x91: {  	[sflag:s19] =	ssyncset.done $0x0  }
0x92: {  	[sflag:s19] =	ssyncadd.s32 $0xFFFFFF80  }
0x93: {  	[tilespmem:s26], [sflag:$0x1] =	stream.indirect.gather [hbm4b:s4+s25], $0x80, s20, s25, $0xb8;
	[tilespmem:$0x1C400] =	vst v63  }
0x94: {  	_ =	swait.ge [sflag:s10], $0x4000  }
0x95: {  	[sflag:s10] =	ssyncset.done $0x0  }
0x96: {  	s22 =	sadd.s32 $0x280, s22;
	[sflag:s10] =	ssyncadd.s32 $0xFFFFC000  }
0x97: {  	[spmem:s1] =	stream.indirect.scatter.add.f32 [tilespmem:s30], [sflag:$0x4], $0x80, s23, s25, $0xb8;
	[tilespmem:$0x1C400] =	vst v63  }
0x98: {  	s23 =	sand.u32 $0xFC00, s22  }
0x99: {  	s15 =	simm.s32 $0x1C280;
	s17 =	sand.u32 $0x280, s22;
	s24 =	sadd.s32 s9, s23  }
0x9a: {  	s2 =	simm.s32 $0x1C200;
	s18 =	sadd.s32 s6, s23;
	s19 =	sor.u32 s17, s24  }
.Ltmp3:
0x9b: {  	s17 =	sor.u32 s17, s18;
	s19 =	sshrl.u32 s19, $0x3;
	(pc) =	sbr.rel .LBB2_2-.Ltmp3, $4  }
0x9c: {  	s22 =	smov.u32 s0;
	s17 =	sshrl.u32 s17, $0x3;
	s19 =	sadd.s32 s5, s19  }
0x9d: {  	[tilespmem:s11], [sflag:$0x6] =	stream.linear.gather [hbm4b:s19+s3], $0x80, $0x38;
	[tilespmem:$0x1C400] =	vst v63  }
0x9e: {  	s24 =	simm.s32 $0x1C380;
	s17 =	sadd.s32 s7, s17;
	s11 =	simm.s32 $0x1C080  }
0x9f: {  	[tilespmem:s15], [sflag:$0xA] =	stream.linear.gather [hbm4b:s17+s3], $0x80, $0x38;
	[tilespmem:$0x1C400] =	vst v63  }
.LBB2_5:
0xa0: {  	_ =	sfence.sel $0x180000  }
0xa1: {  	[bflag:$0x0] =	sbarrier.arrive $0xFFFF  }
0xa2: {  	_ =	strace $0x9000004D  }
0xa3: {  	s0 =	stileid.u32;
	[bflag:$0x2] =	sbarrier.arrive $0xFFFF  }
0xa4: {  	p0 =	sne.s32 s0, $0x0;
	s0 =	rddreg [dreg:$0x2]  }
0xa5: {  	s0 =	sadd.s32 @!p0 $0x100000, s0  }
0xa6: {  	[sflag:s0] =	ssyncadd.tile.s32 @!p0 $0x1;
	_ =	shalt  }
.Lfunc_end2:
_tile_overlayer_lowered:
.L_overlay_start_2:
0xa7: {  	(tag) =	ssettag $0x2  }
0xa8: {  	s0 =	rddreg [dreg:$0x0];
	s2 =	stileid.u32  }
0xa9: {  	s1 =	rddreg [dreg:$0x1];
	p0 =	sne.s32 s2, $0x0  }
0xaa: {  	s3 =	rddreg [dreg:$0x2];
	[bflag:$0x3] =	sbarrier.arrive $0xFFFF;
	s2 =	simm.s32 @!p0 $0x1C0D  }
0xab: {  	[timem:s3], [sflag:s2] =	dma.local @!p0 [hbm:s0], s1  }
0xac: {  	s0 =	simm.s32 @!p0 $0xD  }
0xad: {  	_ =	swait.ge @!p0 [sflag:s0], s1  }
0xae: {  	s1 =	ssub.s32 @!p0 $0x0, s1;
	[sflag:s0] =	ssyncset.done @!p0 $0x0  }
0xaf: {  	[sflag:s0] =	ssyncadd.s32 @!p0 s1  }
0xb0: {  	[bflag:$0x3] =	sbarrier.arrive $0xFFFF  }
0xb1: {  	_ =	shalt  }

</sc_bundles>
